<compile_context>
chip_gen: v7x
topology: tpu7x:2x2x1
jax: 0.10.2.dev20260603
libtpu: 0.0.44.dev20260713+nightly
codegen_flags: <defaults>
</compile_context>

<pallas_src>
import functools
import math

import jax
import jax.numpy as jnp
from jax import lax
from jax.experimental import pallas as pl
from jax.experimental.pallas import tpu as pltpu
from jax.experimental.pallas import tpu_sc as plsc

N = 10000
E = 320000
D = 128

NC = 2
NS = 16
NW = NC * NS
CH = 112

EW = -(-(-(-E // NW)) // CH) * CH
CHUNKS = EW // CH
EP = NW * EW
NPAD = 10112
RPT = NPAD // NS

M0 = 2 * ((2 * CHUNKS * 2) // 3 // 2)
M1 = 2 * CHUNKS - M0

CHC = 128
EWC = -(-(-(-E // NW)) // CHC) * CHC
EPC = NW * EWC
CCHUNKS = EWC // CHC


def _fill_const(ref, rows, width, val):
    def _f(i, _):
        r = i // (width // 16)
        k = i % (width // 16)
        ref[r, pl.ds(k * 16, 16)] = jnp.full((16,), val, jnp.float32)
        return ()
    lax.fori_loop(0, rows * (width // 16), _f, ())


def _sc_agg_body(x_hbm, src_hbm, dst_hbm, agg_out,
                 sv0, sv1, dv0, dv1, rows0, rows1, agg_s,
                 semA, semB, semS0, semS1, semD0, semD1):
    c = lax.axis_index("c")
    s = lax.axis_index("s")

    cbase = jnp.where(c == 0, s * M0, NS * M0 + s * M1)
    m = jnp.where(c == 0, M0, M1)

    _fill_const(rows0, CH, D, 0.0)

    r0 = s * RPT
    for off in range(0, RPT, CH):
        sz = min(CH, RPT - off)
        pltpu.sync_copy(rows0.at[pl.ds(0, sz)], agg_s.at[pl.ds(r0 + off, sz)])

    plsc.subcore_barrier()

    def _iload(j, iv, sem, hbm):
        pltpu.async_copy(hbm.at[pl.ds((cbase + j) * CH, CH)], iv, sem)

    def _iwait(iv, sem, hbm):
        pltpu.make_async_copy(hbm.at[pl.ds(0, CH)], iv, sem).wait()

    def _start(sv, rows, sem):
        pltpu.async_copy(x_hbm.at[sv], rows, sem)

    def _wait(rows, sem):
        pltpu.make_async_copy(x_hbm.at[pl.ds(0, CH)], rows, sem).wait()

    def _scat(rows, dv):
        pltpu.sync_copy(rows, agg_s.at[dv], add=True)

    pltpu.sync_copy(src_hbm.at[pl.ds(cbase * CH, CH)], sv0)
    _iload(0, dv0, semD0, dst_hbm)
    _iload(1, sv1, semS1, src_hbm)
    _iload(1, dv1, semD1, dst_hbm)
    _start(sv0, rows0, semA)

    def _pair(i, _):
        k0 = 2 * i
        _iwait(sv1, semS1, src_hbm)
        _start(sv1, rows1, semB)
        _wait(rows0, semA)
        _iload(k0 + 2, sv0, semS0, src_hbm)
        _iwait(dv0, semD0, dst_hbm)
        _scat(rows0, dv0)
        _iload(k0 + 2, dv0, semD0, dst_hbm)
        _iwait(sv0, semS0, src_hbm)
        _start(sv0, rows0, semA)
        _wait(rows1, semB)
        _iload(k0 + 3, sv1, semS1, src_hbm)
        _iwait(dv1, semD1, dst_hbm)
        _scat(rows1, dv1)
        _iload(k0 + 3, dv1, semD1, dst_hbm)
        return ()
    lax.fori_loop(0, m // 2 - 1, _pair, ())

    _iwait(sv1, semS1, src_hbm)
    _start(sv1, rows1, semB)
    _wait(rows0, semA)
    _iwait(dv0, semD0, dst_hbm)
    _scat(rows0, dv0)
    _wait(rows1, semB)
    _iwait(dv1, semD1, dst_hbm)
    _scat(rows1, dv1)

    plsc.subcore_barrier()

    pltpu.sync_copy(agg_s.at[pl.ds(r0, RPT)], agg_out.at[c, pl.ds(r0, RPT)])


def _sc_cnt_body(dst_hbm, cnt_out, dst_big, ones_v, cnt_s, sem):
    c = lax.axis_index("c")
    s = lax.axis_index("s")
    wid = c * NS + s

    _fill_const(ones_v, CHC, D, 0.0)
    r0 = s * RPT
    for off in range(0, RPT, CHC):
        sz = min(CHC, RPT - off)
        pltpu.sync_copy(ones_v.at[pl.ds(0, sz)], cnt_s.at[pl.ds(r0 + off, sz)])
    _fill_const(ones_v, CHC, D, 1.0)

    pltpu.sync_copy(dst_hbm.at[wid], dst_big)

    plsc.subcore_barrier()

    def _fire(k, _):
        pltpu.async_copy(ones_v, cnt_s.at[dst_big.at[k]], sem, add=True)
        return ()
    lax.fori_loop(0, CCHUNKS, _fire, ())

    def _drain(k, _):
        pltpu.make_async_copy(ones_v, cnt_s.at[pl.ds(0, CHC)], sem).wait()
        return ()
    lax.fori_loop(0, CCHUNKS, _drain, ())

    plsc.subcore_barrier()

    pltpu.sync_copy(cnt_s.at[pl.ds(r0, RPT)], cnt_out.at[c, pl.ds(r0, RPT)])


@functools.cache
def _get_sc_agg():
    return pl.kernel(
        _sc_agg_body,
        out_type=jax.ShapeDtypeStruct((NC, NPAD, D), jnp.float32),
        mesh=plsc.VectorSubcoreMesh(core_axis_name="c", subcore_axis_name="s",
                                    num_cores=NC, num_subcores=NS),
        scratch_types=[
            pltpu.VMEM((CH,), jnp.int32),
            pltpu.VMEM((CH,), jnp.int32),
            pltpu.VMEM((CH,), jnp.int32),
            pltpu.VMEM((CH,), jnp.int32),
            pltpu.VMEM((CH, D), jnp.float32),
            pltpu.VMEM((CH, D), jnp.float32),
            pltpu.VMEM_SHARED((NPAD, D), jnp.float32),
            pltpu.SemaphoreType.DMA,
            pltpu.SemaphoreType.DMA,
            pltpu.SemaphoreType.DMA,
            pltpu.SemaphoreType.DMA,
            pltpu.SemaphoreType.DMA,
            pltpu.SemaphoreType.DMA,
        ],
    )


@functools.cache
def _get_sc_cnt():
    return pl.kernel(
        _sc_cnt_body,
        out_type=jax.ShapeDtypeStruct((NC, NPAD, D), jnp.float32),
        mesh=plsc.VectorSubcoreMesh(core_axis_name="c", subcore_axis_name="s",
                                    num_cores=NC, num_subcores=NS),
        scratch_types=[
            pltpu.VMEM((CCHUNKS, CHC), jnp.int32),
            pltpu.VMEM((CHC, D), jnp.float32),
            pltpu.VMEM_SHARED((NPAD, D), jnp.float32),
            pltpu.SemaphoreType.DMA,
        ],
    )


_SQRT2 = math.sqrt(2.0)
_BLK = 400
_GRID = N // _BLK


def _tc_dense_body(x_ref, agg_ref, cnt_ref, wl_ref, bl_ref, wr_ref,
                   g_ref, b_ref, o_ref):
    xb = x_ref[...]
    agg = agg_ref[0] + agg_ref[1]
    cnt = cnt_ref[0, :, 0:1] + cnt_ref[1, :, 0:1]
    mean = agg / jnp.maximum(cnt, 1.0)
    h = (jnp.dot(mean, wl_ref[...], preferred_element_type=jnp.float32)
         + bl_ref[...]
         + jnp.dot(xb, wr_ref[...], preferred_element_type=jnp.float32))
    mu = jnp.mean(h, axis=1, keepdims=True)
    var = jnp.mean((h - mu) ** 2, axis=1, keepdims=True)
    hn = (h - mu) * lax.rsqrt(var + 1e-5) * g_ref[...] + b_ref[...]
    gelu = 0.5 * hn * (1.0 + lax.erf(hn / _SQRT2))
    o_ref[...] = xb + gelu


def _tc_dense(x, agg, cnt, Wl, bl, Wr, g, b):
    return pl.pallas_call(
        _tc_dense_body,
        grid=(_GRID,),
        in_specs=[
            pl.BlockSpec((_BLK, D), lambda i: (i, 0)),
            pl.BlockSpec((NC, _BLK, D), lambda i: (0, i, 0)),
            pl.BlockSpec((NC, _BLK, D), lambda i: (0, i, 0)),
            pl.BlockSpec((D, D), lambda i: (0, 0)),
            pl.BlockSpec((1, D), lambda i: (0, 0)),
            pl.BlockSpec((D, D), lambda i: (0, 0)),
            pl.BlockSpec((1, D), lambda i: (0, 0)),
            pl.BlockSpec((1, D), lambda i: (0, 0)),
        ],
        out_specs=pl.BlockSpec((_BLK, D), lambda i: (i, 0)),
        out_shape=jax.ShapeDtypeStruct((N, D), jnp.float32),
    )(x, agg, cnt, Wl, bl.reshape(1, D), Wr, g.reshape(1, D), b.reshape(1, D))


def kernel(x, edge_index, Wl1, bl1, Wr1, g1, b1, Wl2, bl2, Wr2, g2, b2):
    src = edge_index[0].astype(jnp.int32)
    dst = edge_index[1].astype(jnp.int32)
    srcp = jnp.concatenate([src, jnp.zeros((EP - E,), jnp.int32)])
    dstp = jnp.concatenate([dst, jnp.full((EP - E,), N, jnp.int32)])
    dstc = jnp.concatenate([dst, jnp.full((EPC - E,), N, jnp.int32)])
    dst3c = dstc.reshape(NW, CCHUNKS, CHC)

    cnt = _get_sc_cnt()(dst3c)
    sc_agg = _get_sc_agg()
    agg1 = sc_agg(x, srcp, dstp)
    x1 = _tc_dense(x, agg1, cnt, Wl1, bl1, Wr1, g1, b1)
    agg2 = sc_agg(x1, srcp, dstp)
    x2 = _tc_dense(x1, agg2, cnt, Wl2, bl2, Wr2, g2, b2)
    return x2

# --- scband reference (transcript-rebuilt; emitter-appended) ---
"""Pipeline reference for scband-neuro-fusion-gnn-53626961658419 (READ-ONLY COPY).

The authoritative reference and input builder live on the scoring server;
editing this copy changes nothing except your own understanding.
"""

import jax, jax.numpy as jnp
import numpy as np

N = 10000
E = 320000
D = 128


def layer_norm(h, g, b, eps=1e-5):
    mu = jnp.mean(h, axis=-1, keepdims=True)
    var = jnp.var(h, axis=-1, keepdims=True)
    return (h - mu) / jnp.sqrt(var + eps) * g + b


def sage_conv(x, edge_index, Wl, bl, Wr):
    # PyG SAGEConv (mean aggr): out = lin_l(mean_{j in N(i)} x_j) + lin_r(x_i)
    src = edge_index[0]
    dst = edge_index[1]
    msg = jnp.take(x, src, axis=0)
    agg = jax.ops.segment_sum(msg, dst, num_segments=x.shape[0])
    cnt = jax.ops.segment_sum(jnp.ones((edge_index.shape[1],), dtype=x.dtype), dst, num_segments=x.shape[0])
    mean = agg / jnp.maximum(cnt, 1.0)[:, None]
    return mean @ Wl + bl + x @ Wr


def setup_inputs(seed: int = 0) -> dict:
    key = jax.random.key(seed)
    ks = jax.random.split(key, 12)
    x = jax.random.normal(ks[0], (N, D), dtype=jnp.float32)
    edge_index = jax.random.randint(ks[1], (2, E), 0, N, dtype=jnp.int64)
    s = 0.02
    return {
        "x": x,
        "edge_index": edge_index,
        "Wl1": jax.random.normal(ks[2], (D, D), dtype=jnp.float32) * s,
        "bl1": jnp.zeros((D,), dtype=jnp.float32),
        "Wr1": jax.random.normal(ks[3], (D, D), dtype=jnp.float32) * s,
        "g1": jnp.ones((D,), dtype=jnp.float32),
        "b1": jnp.zeros((D,), dtype=jnp.float32),
        "Wl2": jax.random.normal(ks[4], (D, D), dtype=jnp.float32) * s,
        "bl2": jnp.zeros((D,), dtype=jnp.float32),
        "Wr2": jax.random.normal(ks[5], (D, D), dtype=jnp.float32) * s,
        "g2": jnp.ones((D,), dtype=jnp.float32),
        "b2": jnp.zeros((D,), dtype=jnp.float32),
    }


def reference(x, edge_index, Wl1, bl1, Wr1, g1, b1, Wl2, bl2, Wr2, g2, b2):
    # Layer 1: SAGEConv -> LayerNorm -> GELU -> Dropout(eval: identity) + residual
    h1 = sage_conv(x, edge_index, Wl1, bl1, Wr1)
    h1 = layer_norm(h1, g1, b1)
    h1 = jax.nn.gelu(h1, approximate=False)
    x = x + h1
    # Layer 2
    h2 = sage_conv(x, edge_index, Wl2, bl2, Wr2)
    h2 = layer_norm(h2, g2, b2)
    h2 = jax.nn.gelu(h2, approximate=False)
    x = x + h2
    return x

if __name__ == "__main__":
    import jax
    _d = setup_inputs()
    print(jax.jit(kernel)(*tuple(_d.values())))

</pallas_src>

<mosaic_0001>
#map = affine_map<(d0, d1) -> (0, 0)>
#map1 = affine_map<(d0, d1) -> (0)>
#map2 = affine_map<(d0, d1) -> (0, 0, 0)>
module attributes {stable_mosaic.version = 14 : i64} {
  func.func @_sc_agg_body(%arg0: i32, %arg1: i32, %arg2: memref<10000x128xf32, #tpu.memory_space<hbm>>, %arg3: memref<322560xi32, #tpu.memory_space<hbm>>, %arg4: memref<322560xi32, #tpu.memory_space<hbm>>, %arg5: memref<2x10112x128xf32, #tpu.memory_space<hbm>>, %arg6: memref<112xi32, #tpu.memory_space<vmem>>, %arg7: memref<112xi32, #tpu.memory_space<vmem>>, %arg8: memref<112xi32, #tpu.memory_space<vmem>>, %arg9: memref<112xi32, #tpu.memory_space<vmem>>, %arg10: memref<112x128xf32, #tpu.memory_space<vmem>>, %arg11: memref<112x128xf32, #tpu.memory_space<vmem>>, %arg12: memref<10112x128xf32, #tpu.memory_space<vmem_shared>>, %arg13: memref<!tpu.dma_semaphore, #tpu.memory_space<semaphore_mem>>, %arg14: memref<!tpu.dma_semaphore, #tpu.memory_space<semaphore_mem>>, %arg15: memref<!tpu.dma_semaphore, #tpu.memory_space<semaphore_mem>>, %arg16: memref<!tpu.dma_semaphore, #tpu.memory_space<semaphore_mem>>, %arg17: memref<!tpu.dma_semaphore, #tpu.memory_space<semaphore_mem>>, %arg18: memref<!tpu.dma_semaphore, #tpu.memory_space<semaphore_mem>>) attributes {dimension_semantics = [#tpu.dimension_semantics<core_parallel>, #tpu.dimension_semantics<subcore_parallel>], iteration_bounds = array<i64: 2, 16>, scalar_prefetch = 0 : i64, scratch_operands = 13 : i64, tpu.core_type = #tpu.core_type<sc_vector_subcore>, window_params = [{transform_indices = #map}, {transform_indices = #map1}, {transform_indices = #map1}, {transform_indices = #map2}]} {
    %eq3A = arith.constant 0 : i32
    %eq3A_0 = arith.cmpi eq, %arg0, %eq3A : i32
    %mul3A = arith.constant 120 : i32
    %mul3A_1 = arith.muli %arg1, %mul3A : i32
    %mul3A_2 = arith.constant 60 : i32
    %mul3A_3 = arith.muli %arg1, %mul3A_2 : i32
    %add3A = arith.constant 1920 : i32
    %add3A_4 = arith.addi %add3A, %mul3A_3 : i32
    %select_n3A = arith.select %eq3A_0, %mul3A_1, %add3A_4 : i32
    %eq3A_5 = arith.constant 0 : i32
    %eq3A_6 = arith.cmpi eq, %arg0, %eq3A_5 : i32
    %jit3A = arith.constant 120 : i32
    %jit3A_7 = arith.constant 60 : i32
    %select_n3A_8 = arith.select %eq3A_6, %jit3A, %jit3A_7 : i32
    %scan3A = arith.constant 0 : i32
    %scan3A_9 = arith.constant 896 : i32
    %scan3A_10 = arith.addi %scan3A, %scan3A_9 : i32
    %scan3A_11 = arith.constant 1 : i32
    scf.for %scan3A_104 = %scan3A to %scan3A_10 step %scan3A_11  : i32 {
      %jit3A_105 = arith.constant 8 : i32
      %div3A_106 = arith.divsi %scan3A_104, %jit3A_105 : i32
      %sign3A_107 = arith.constant 0 : i32
      %sign3A_108 = arith.cmpi sgt, %scan3A_104, %sign3A_107 : i32
      %sign3A_109 = arith.extui %sign3A_108 : i1 to i32
      %sign3A_110 = arith.constant 0 : i32
      %sign3A_111 = arith.cmpi slt, %scan3A_104, %sign3A_110 : i32
      %sign3A_112 = arith.extui %sign3A_111 : i1 to i32
      %sign3A_113 = arith.subi %sign3A_109, %sign3A_112 : i32
      %sign3A_114 = arith.constant 0 : i32
      %sign3A_115 = arith.cmpi sgt, %jit3A_105, %sign3A_114 : i32
      %sign3A_116 = arith.extui %sign3A_115 : i1 to i32
      %sign3A_117 = arith.constant 0 : i32
      %sign3A_118 = arith.cmpi slt, %jit3A_105, %sign3A_117 : i32
      %sign3A_119 = arith.extui %sign3A_118 : i1 to i32
      %sign3A_120 = arith.subi %sign3A_116, %sign3A_119 : i32
      %ne3A_121 = arith.cmpi ne, %sign3A_113, %sign3A_120 : i32
      %rem3A_122 = arith.remsi %scan3A_104, %jit3A_105 : i32
      %ne3A_123 = arith.constant 0 : i32
      %ne3A_124 = arith.cmpi ne, %rem3A_122, %ne3A_123 : i32
      %and3A_125 = arith.andi %ne3A_121, %ne3A_124 : i1
      %sub3A_126 = arith.constant 1 : i32
      %sub3A_127 = arith.subi %div3A_106, %sub3A_126 : i32
      %select_n3A_128 = arith.select %and3A_125, %sub3A_127, %div3A_106 : i32
      %jit3A_129 = arith.constant 8 : i32
      %eq3A_130 = arith.constant 0 : i32
      %eq3A_131 = arith.cmpi eq, %jit3A_129, %eq3A_130 : i32
      %jit3A_132 = arith.constant 1 : i32
      %select_n3A_133 = arith.select %eq3A_131, %jit3A_132, %jit3A_129 : i32
      %rem3A_134 = arith.remsi %scan3A_104, %select_n3A_133 : i32
      %ne3A_135 = arith.constant 0 : i32
      %ne3A_136 = arith.cmpi ne, %rem3A_134, %ne3A_135 : i32
      %lt3A = arith.constant 0 : i32
      %lt3A_137 = arith.cmpi slt, %rem3A_134, %lt3A : i32
      %lt3A_138 = arith.constant 0 : i32
      %lt3A_139 = arith.cmpi slt, %select_n3A_133, %lt3A_138 : i32
      %ne3A_140 = arith.xori %lt3A_137, %lt3A_139 : i1
      %and3A_141 = arith.andi %ne3A_140, %ne3A_136 : i1
      %add3A_142 = arith.addi %rem3A_134, %select_n3A_133 : i32
      %select_n3A_143 = arith.select %and3A_141, %add3A_142, %rem3A_134 : i32
      %broadcast_in_dim3A = arith.constant 0.000000e+00 : f32
      %broadcast_in_dim3A_144 = vector.broadcast %broadcast_in_dim3A : f32 to vector<16xf32>
      %mul3A_145 = arith.constant 16 : i32
      %mul3A_146 = arith.muli %select_n3A_143, %mul3A_145 : i32
      %swap3A = arith.index_cast %select_n3A_128 : i32 to index
      %swap3A_147 = arith.index_cast %mul3A_146 : i32 to index
      %swap3A_148 = tpu.vector_load %arg10[%swap3A, %swap3A_147] {strides = array<i32>} : memref<112x128xf32, #tpu.memory_space<vmem>>, vector<1x16xf32>,
      %swap3A_149 = vector.shape_cast %swap3A_148 : vector<1x16xf32> to vector<16xf32>
      %swap3A_150 = vector.shape_cast %broadcast_in_dim3A_144 : vector<16xf32> to vector<1x16xf32>
      tpu.vector_store %arg10[%swap3A, %swap3A_147], %swap3A_150 {strides = array<i32>} : memref<112x128xf32, #tpu.memory_space<vmem>>, vector<1x16xf32>,
    }
    %scan3A_12 = arith.constant 896 : i32
    %mul3A_13 = arith.constant 632 : i32
    %mul3A_14 = arith.muli %arg1, %mul3A_13 : i32
    %add3A_15 = arith.constant 0 : i32
    %add3A_16 = arith.addi %mul3A_14, %add3A_15 : i32
    "tpu.region"() ({
      %run_scoped3A = tpu.sem_alloc : memref<!tpu.dma_semaphore, #tpu.memory_space<semaphore_mem>>
      %dma_start3A_104 = arith.constant 0 : i32
      %dma_start3A_105 = arith.constant 0 : i32
      %dma_start3A_106 = tpu.memref_slice %arg10[%dma_start3A_104, %dma_start3A_105] : memref<112x128xf32, #tpu.memory_space<vmem>> -> memref<112x128xf32, #tpu.memory_space<vmem>>
      %dma_start3A_107 = arith.constant 0 : i32
      %dma_start3A_108 = tpu.memref_slice %arg12[%add3A_16, %dma_start3A_107] : memref<10112x128xf32, #tpu.memory_space<vmem_shared>> -> memref<112x128xf32, #tpu.memory_space<vmem_shared>>
      %dma_start3A_109 = arith.constant 0 : i32
      %dma_start3A_110 = tpu.memref_slice %arg12[%add3A_16, %dma_start3A_109] : memref<10112x128xf32, #tpu.memory_space<vmem_shared>> -> memref<112x128xf32, #tpu.memory_space<vmem_shared>>
      %dma_start3A_111 = arith.constant 0 : i32
      %dma_start3A_112 = arith.constant 0 : i32
      %dma_start3A_113 = tpu.memref_slice %arg10[%dma_start3A_111, %dma_start3A_112] : memref<112x128xf32, #tpu.memory_space<vmem>> -> memref<112x128xf32, #tpu.memory_space<vmem>>
      tpu.enqueue_dma source(%dma_start3A_113 : memref<112x128xf32, #tpu.memory_space<vmem>>) target(%dma_start3A_110 : memref<112x128xf32, #tpu.memory_space<vmem_shared>>) target_semaphore(%run_scoped3A : memref<!tpu.dma_semaphore, #tpu.memory_space<semaphore_mem>>)
      %dma_wait3A_114 = arith.constant 0 : i32
      %dma_wait3A_115 = arith.constant 0 : i32
      %dma_wait3A_116 = tpu.memref_slice %arg10[%dma_wait3A_114, %dma_wait3A_115] : memref<112x128xf32, #tpu.memory_space<vmem>> -> memref<112x128xf32, #tpu.memory_space<vmem>>
      %dma_wait3A_117 = arith.constant 0 : i32
      %dma_wait3A_118 = tpu.memref_slice %arg12[%add3A_16, %dma_wait3A_117] : memref<10112x128xf32, #tpu.memory_space<vmem_shared>> -> memref<112x128xf32, #tpu.memory_space<vmem_shared>>
      %dma_wait3A_119 = arith.constant 0 : i32
      %dma_wait3A_120 = tpu.memref_slice %arg12[%add3A_16, %dma_wait3A_119] : memref<10112x128xf32, #tpu.memory_space<vmem_shared>> -> memref<112x128xf32, #tpu.memory_space<vmem_shared>>
      %dma_wait3A_121 = arith.constant 0 : i32
      %dma_wait3A_122 = arith.constant 0 : i32
      %dma_wait3A_123 = tpu.memref_slice %arg10[%dma_wait3A_121, %dma_wait3A_122] : memref<112x128xf32, #tpu.memory_space<vmem>> -> memref<112x128xf32, #tpu.memory_space<vmem>>
      tpu.wait_dma2 semaphore(%run_scoped3A : memref<!tpu.dma_semaphore, #tpu.memory_space<semaphore_mem>>) src(%dma_wait3A_123 : memref<112x128xf32, #tpu.memory_space<vmem>>) dst(%dma_wait3A_120 : memref<112x128xf32, #tpu.memory_space<vmem_shared>>)
      tpu.yield
    }) : () -> ()
    %add3A_17 = arith.constant 112 : i32
    %add3A_18 = arith.addi %mul3A_14, %add3A_17 : i32
    "tpu.region"() ({
      %run_scoped3A = tpu.sem_alloc : memref<!tpu.dma_semaphore, #tpu.memory_space<semaphore_mem>>
      %dma_start3A_104 = arith.constant 0 : i32
      %dma_start3A_105 = arith.constant 0 : i32
      %dma_start3A_106 = tpu.memref_slice %arg10[%dma_start3A_104, %dma_start3A_105] : memref<112x128xf32, #tpu.memory_space<vmem>> -> memref<112x128xf32, #tpu.memory_space<vmem>>
      %dma_start3A_107 = arith.constant 0 : i32
      %dma_start3A_108 = tpu.memref_slice %arg12[%add3A_18, %dma_start3A_107] : memref<10112x128xf32, #tpu.memory_space<vmem_shared>> -> memref<112x128xf32, #tpu.memory_space<vmem_shared>>
      %dma_start3A_109 = arith.constant 0 : i32
      %dma_start3A_110 = tpu.memref_slice %arg12[%add3A_18, %dma_start3A_109] : memref<10112x128xf32, #tpu.memory_space<vmem_shared>> -> memref<112x128xf32, #tpu.memory_space<vmem_shared>>
      %dma_start3A_111 = arith.constant 0 : i32
      %dma_start3A_112 = arith.constant 0 : i32
      %dma_start3A_113 = tpu.memref_slice %arg10[%dma_start3A_111, %dma_start3A_112] : memref<112x128xf32, #tpu.memory_space<vmem>> -> memref<112x128xf32, #tpu.memory_space<vmem>>
      tpu.enqueue_dma source(%dma_start3A_113 : memref<112x128xf32, #tpu.memory_space<vmem>>) target(%dma_start3A_110 : memref<112x128xf32, #tpu.memory_space<vmem_shared>>) target_semaphore(%run_scoped3A : memref<!tpu.dma_semaphore, #tpu.memory_space<semaphore_mem>>)
      %dma_wait3A_114 = arith.constant 0 : i32
      %dma_wait3A_115 = arith.constant 0 : i32
      %dma_wait3A_116 = tpu.memref_slice %arg10[%dma_wait3A_114, %dma_wait3A_115] : memref<112x128xf32, #tpu.memory_space<vmem>> -> memref<112x128xf32, #tpu.memory_space<vmem>>
      %dma_wait3A_117 = arith.constant 0 : i32
      %dma_wait3A_118 = tpu.memref_slice %arg12[%add3A_18, %dma_wait3A_117] : memref<10112x128xf32, #tpu.memory_space<vmem_shared>> -> memref<112x128xf32, #tpu.memory_space<vmem_shared>>
      %dma_wait3A_119 = arith.constant 0 : i32
      %dma_wait3A_120 = tpu.memref_slice %arg12[%add3A_18, %dma_wait3A_119] : memref<10112x128xf32, #tpu.memory_space<vmem_shared>> -> memref<112x128xf32, #tpu.memory_space<vmem_shared>>
      %dma_wait3A_121 = arith.constant 0 : i32
      %dma_wait3A_122 = arith.constant 0 : i32
      %dma_wait3A_123 = tpu.memref_slice %arg10[%dma_wait3A_121, %dma_wait3A_122] : memref<112x128xf32, #tpu.memory_space<vmem>> -> memref<112x128xf32, #tpu.memory_space<vmem>>
      tpu.wait_dma2 semaphore(%run_scoped3A : memref<!tpu.dma_semaphore, #tpu.memory_space<semaphore_mem>>) src(%dma_wait3A_123 : memref<112x128xf32, #tpu.memory_space<vmem>>) dst(%dma_wait3A_120 : memref<112x128xf32, #tpu.memory_space<vmem_shared>>)
      tpu.yield
    }) : () -> ()
    %add3A_19 = arith.constant 224 : i32
    %add3A_20 = arith.addi %mul3A_14, %add3A_19 : i32
    "tpu.region"() ({
      %run_scoped3A = tpu.sem_alloc : memref<!tpu.dma_semaphore, #tpu.memory_space<semaphore_mem>>
      %dma_start3A_104 = arith.constant 0 : i32
      %dma_start3A_105 = arith.constant 0 : i32
      %dma_start3A_106 = tpu.memref_slice %arg10[%dma_start3A_104, %dma_start3A_105] : memref<112x128xf32, #tpu.memory_space<vmem>> -> memref<112x128xf32, #tpu.memory_space<vmem>>
      %dma_start3A_107 = arith.constant 0 : i32
      %dma_start3A_108 = tpu.memref_slice %arg12[%add3A_20, %dma_start3A_107] : memref<10112x128xf32, #tpu.memory_space<vmem_shared>> -> memref<112x128xf32, #tpu.memory_space<vmem_shared>>
      %dma_start3A_109 = arith.constant 0 : i32
      %dma_start3A_110 = tpu.memref_slice %arg12[%add3A_20, %dma_start3A_109] : memref<10112x128xf32, #tpu.memory_space<vmem_shared>> -> memref<112x128xf32, #tpu.memory_space<vmem_shared>>
      %dma_start3A_111 = arith.constant 0 : i32
      %dma_start3A_112 = arith.constant 0 : i32
      %dma_start3A_113 = tpu.memref_slice %arg10[%dma_start3A_111, %dma_start3A_112] : memref<112x128xf32, #tpu.memory_space<vmem>> -> memref<112x128xf32, #tpu.memory_space<vmem>>
      tpu.enqueue_dma source(%dma_start3A_113 : memref<112x128xf32, #tpu.memory_space<vmem>>) target(%dma_start3A_110 : memref<112x128xf32, #tpu.memory_space<vmem_shared>>) target_semaphore(%run_scoped3A : memref<!tpu.dma_semaphore, #tpu.memory_space<semaphore_mem>>)
      %dma_wait3A_114 = arith.constant 0 : i32
      %dma_wait3A_115 = arith.constant 0 : i32
      %dma_wait3A_116 = tpu.memref_slice %arg10[%dma_wait3A_114, %dma_wait3A_115] : memref<112x128xf32, #tpu.memory_space<vmem>> -> memref<112x128xf32, #tpu.memory_space<vmem>>
      %dma_wait3A_117 = arith.constant 0 : i32
      %dma_wait3A_118 = tpu.memref_slice %arg12[%add3A_20, %dma_wait3A_117] : memref<10112x128xf32, #tpu.memory_space<vmem_shared>> -> memref<112x128xf32, #tpu.memory_space<vmem_shared>>
      %dma_wait3A_119 = arith.constant 0 : i32
      %dma_wait3A_120 = tpu.memref_slice %arg12[%add3A_20, %dma_wait3A_119] : memref<10112x128xf32, #tpu.memory_space<vmem_shared>> -> memref<112x128xf32, #tpu.memory_space<vmem_shared>>
      %dma_wait3A_121 = arith.constant 0 : i32
      %dma_wait3A_122 = arith.constant 0 : i32
      %dma_wait3A_123 = tpu.memref_slice %arg10[%dma_wait3A_121, %dma_wait3A_122] : memref<112x128xf32, #tpu.memory_space<vmem>> -> memref<112x128xf32, #tpu.memory_space<vmem>>
      tpu.wait_dma2 semaphore(%run_scoped3A : memref<!tpu.dma_semaphore, #tpu.memory_space<semaphore_mem>>) src(%dma_wait3A_123 : memref<112x128xf32, #tpu.memory_space<vmem>>) dst(%dma_wait3A_120 : memref<112x128xf32, #tpu.memory_space<vmem_shared>>)
      tpu.yield
    }) : () -> ()
    %add3A_21 = arith.constant 336 : i32
    %add3A_22 = arith.addi %mul3A_14, %add3A_21 : i32
    "tpu.region"() ({
      %run_scoped3A = tpu.sem_alloc : memref<!tpu.dma_semaphore, #tpu.memory_space<semaphore_mem>>
      %dma_start3A_104 = arith.constant 0 : i32
      %dma_start3A_105 = arith.constant 0 : i32
      %dma_start3A_106 = tpu.memref_slice %arg10[%dma_start3A_104, %dma_start3A_105] : memref<112x128xf32, #tpu.memory_space<vmem>> -> memref<112x128xf32, #tpu.memory_space<vmem>>
      %dma_start3A_107 = arith.constant 0 : i32
      %dma_start3A_108 = tpu.memref_slice %arg12[%add3A_22, %dma_start3A_107] : memref<10112x128xf32, #tpu.memory_space<vmem_shared>> -> memref<112x128xf32, #tpu.memory_space<vmem_shared>>
      %dma_start3A_109 = arith.constant 0 : i32
      %dma_start3A_110 = tpu.memref_slice %arg12[%add3A_22, %dma_start3A_109] : memref<10112x128xf32, #tpu.memory_space<vmem_shared>> -> memref<112x128xf32, #tpu.memory_space<vmem_shared>>
      %dma_start3A_111 = arith.constant 0 : i32
      %dma_start3A_112 = arith.constant 0 : i32
      %dma_start3A_113 = tpu.memref_slice %arg10[%dma_start3A_111, %dma_start3A_112] : memref<112x128xf32, #tpu.memory_space<vmem>> -> memref<112x128xf32, #tpu.memory_space<vmem>>
      tpu.enqueue_dma source(%dma_start3A_113 : memref<112x128xf32, #tpu.memory_space<vmem>>) target(%dma_start3A_110 : memref<112x128xf32, #tpu.memory_space<vmem_shared>>) target_semaphore(%run_scoped3A : memref<!tpu.dma_semaphore, #tpu.memory_space<semaphore_mem>>)
      %dma_wait3A_114 = arith.constant 0 : i32
      %dma_wait3A_115 = arith.constant 0 : i32
      %dma_wait3A_116 = tpu.memref_slice %arg10[%dma_wait3A_114, %dma_wait3A_115] : memref<112x128xf32, #tpu.memory_space<vmem>> -> memref<112x128xf32, #tpu.memory_space<vmem>>
      %dma_wait3A_117 = arith.constant 0 : i32
      %dma_wait3A_118 = tpu.memref_slice %arg12[%add3A_22, %dma_wait3A_117] : memref<10112x128xf32, #tpu.memory_space<vmem_shared>> -> memref<112x128xf32, #tpu.memory_space<vmem_shared>>
      %dma_wait3A_119 = arith.constant 0 : i32
      %dma_wait3A_120 = tpu.memref_slice %arg12[%add3A_22, %dma_wait3A_119] : memref<10112x128xf32, #tpu.memory_space<vmem_shared>> -> memref<112x128xf32, #tpu.memory_space<vmem_shared>>
      %dma_wait3A_121 = arith.constant 0 : i32
      %dma_wait3A_122 = arith.constant 0 : i32
      %dma_wait3A_123 = tpu.memref_slice %arg10[%dma_wait3A_121, %dma_wait3A_122] : memref<112x128xf32, #tpu.memory_space<vmem>> -> memref<112x128xf32, #tpu.memory_space<vmem>>
      tpu.wait_dma2 semaphore(%run_scoped3A : memref<!tpu.dma_semaphore, #tpu.memory_space<semaphore_mem>>) src(%dma_wait3A_123 : memref<112x128xf32, #tpu.memory_space<vmem>>) dst(%dma_wait3A_120 : memref<112x128xf32, #tpu.memory_space<vmem_shared>>)
      tpu.yield
    }) : () -> ()
    %add3A_23 = arith.constant 448 : i32
    %add3A_24 = arith.addi %mul3A_14, %add3A_23 : i32
    "tpu.region"() ({
      %run_scoped3A = tpu.sem_alloc : memref<!tpu.dma_semaphore, #tpu.memory_space<semaphore_mem>>
      %dma_start3A_104 = arith.constant 0 : i32
      %dma_start3A_105 = arith.constant 0 : i32
      %dma_start3A_106 = tpu.memref_slice %arg10[%dma_start3A_104, %dma_start3A_105] : memref<112x128xf32, #tpu.memory_space<vmem>> -> memref<112x128xf32, #tpu.memory_space<vmem>>
      %dma_start3A_107 = arith.constant 0 : i32
      %dma_start3A_108 = tpu.memref_slice %arg12[%add3A_24, %dma_start3A_107] : memref<10112x128xf32, #tpu.memory_space<vmem_shared>> -> memref<112x128xf32, #tpu.memory_space<vmem_shared>>
      %dma_start3A_109 = arith.constant 0 : i32
      %dma_start3A_110 = tpu.memref_slice %arg12[%add3A_24, %dma_start3A_109] : memref<10112x128xf32, #tpu.memory_space<vmem_shared>> -> memref<112x128xf32, #tpu.memory_space<vmem_shared>>
      %dma_start3A_111 = arith.constant 0 : i32
      %dma_start3A_112 = arith.constant 0 : i32
      %dma_start3A_113 = tpu.memref_slice %arg10[%dma_start3A_111, %dma_start3A_112] : memref<112x128xf32, #tpu.memory_space<vmem>> -> memref<112x128xf32, #tpu.memory_space<vmem>>
      tpu.enqueue_dma source(%dma_start3A_113 : memref<112x128xf32, #tpu.memory_space<vmem>>) target(%dma_start3A_110 : memref<112x128xf32, #tpu.memory_space<vmem_shared>>) target_semaphore(%run_scoped3A : memref<!tpu.dma_semaphore, #tpu.memory_space<semaphore_mem>>)
      %dma_wait3A_114 = arith.constant 0 : i32
      %dma_wait3A_115 = arith.constant 0 : i32
      %dma_wait3A_116 = tpu.memref_slice %arg10[%dma_wait3A_114, %dma_wait3A_115] : memref<112x128xf32, #tpu.memory_space<vmem>> -> memref<112x128xf32, #tpu.memory_space<vmem>>
      %dma_wait3A_117 = arith.constant 0 : i32
      %dma_wait3A_118 = tpu.memref_slice %arg12[%add3A_24, %dma_wait3A_117] : memref<10112x128xf32, #tpu.memory_space<vmem_shared>> -> memref<112x128xf32, #tpu.memory_space<vmem_shared>>
      %dma_wait3A_119 = arith.constant 0 : i32
      %dma_wait3A_120 = tpu.memref_slice %arg12[%add3A_24, %dma_wait3A_119] : memref<10112x128xf32, #tpu.memory_space<vmem_shared>> -> memref<112x128xf32, #tpu.memory_space<vmem_shared>>
      %dma_wait3A_121 = arith.constant 0 : i32
      %dma_wait3A_122 = arith.constant 0 : i32
      %dma_wait3A_123 = tpu.memref_slice %arg10[%dma_wait3A_121, %dma_wait3A_122] : memref<112x128xf32, #tpu.memory_space<vmem>> -> memref<112x128xf32, #tpu.memory_space<vmem>>
      tpu.wait_dma2 semaphore(%run_scoped3A : memref<!tpu.dma_semaphore, #tpu.memory_space<semaphore_mem>>) src(%dma_wait3A_123 : memref<112x128xf32, #tpu.memory_space<vmem>>) dst(%dma_wait3A_120 : memref<112x128xf32, #tpu.memory_space<vmem_shared>>)
      tpu.yield
    }) : () -> ()
    %add3A_25 = arith.constant 560 : i32
    %add3A_26 = arith.addi %mul3A_14, %add3A_25 : i32
    "tpu.region"() ({
      %run_scoped3A = tpu.sem_alloc : memref<!tpu.dma_semaphore, #tpu.memory_space<semaphore_mem>>
      %dma_start3A_104 = arith.constant 0 : i32
      %dma_start3A_105 = arith.constant 0 : i32
      %dma_start3A_106 = tpu.memref_slice %arg10[%dma_start3A_104, %dma_start3A_105] : memref<112x128xf32, #tpu.memory_space<vmem>> -> memref<72x128xf32, #tpu.memory_space<vmem>>
      %dma_start3A_107 = arith.constant 0 : i32
      %dma_start3A_108 = tpu.memref_slice %arg12[%add3A_26, %dma_start3A_107] : memref<10112x128xf32, #tpu.memory_space<vmem_shared>> -> memref<72x128xf32, #tpu.memory_space<vmem_shared>>
      %dma_start3A_109 = arith.constant 0 : i32
      %dma_start3A_110 = tpu.memref_slice %arg12[%add3A_26, %dma_start3A_109] : memref<10112x128xf32, #tpu.memory_space<vmem_shared>> -> memref<72x128xf32, #tpu.memory_space<vmem_shared>>
      %dma_start3A_111 = arith.constant 0 : i32
      %dma_start3A_112 = arith.constant 0 : i32
      %dma_start3A_113 = tpu.memref_slice %arg10[%dma_start3A_111, %dma_start3A_112] : memref<112x128xf32, #tpu.memory_space<vmem>> -> memref<72x128xf32, #tpu.memory_space<vmem>>
      tpu.enqueue_dma source(%dma_start3A_113 : memref<72x128xf32, #tpu.memory_space<vmem>>) target(%dma_start3A_110 : memref<72x128xf32, #tpu.memory_space<vmem_shared>>) target_semaphore(%run_scoped3A : memref<!tpu.dma_semaphore, #tpu.memory_space<semaphore_mem>>)
      %dma_wait3A_114 = arith.constant 0 : i32
      %dma_wait3A_115 = arith.constant 0 : i32
      %dma_wait3A_116 = tpu.memref_slice %arg10[%dma_wait3A_114, %dma_wait3A_115] : memref<112x128xf32, #tpu.memory_space<vmem>> -> memref<72x128xf32, #tpu.memory_space<vmem>>
      %dma_wait3A_117 = arith.constant 0 : i32
      %dma_wait3A_118 = tpu.memref_slice %arg12[%add3A_26, %dma_wait3A_117] : memref<10112x128xf32, #tpu.memory_space<vmem_shared>> -> memref<72x128xf32, #tpu.memory_space<vmem_shared>>
      %dma_wait3A_119 = arith.constant 0 : i32
      %dma_wait3A_120 = tpu.memref_slice %arg12[%add3A_26, %dma_wait3A_119] : memref<10112x128xf32, #tpu.memory_space<vmem_shared>> -> memref<72x128xf32, #tpu.memory_space<vmem_shared>>
      %dma_wait3A_121 = arith.constant 0 : i32
      %dma_wait3A_122 = arith.constant 0 : i32
      %dma_wait3A_123 = tpu.memref_slice %arg10[%dma_wait3A_121, %dma_wait3A_122] : memref<112x128xf32, #tpu.memory_space<vmem>> -> memref<72x128xf32, #tpu.memory_space<vmem>>
      tpu.wait_dma2 semaphore(%run_scoped3A : memref<!tpu.dma_semaphore, #tpu.memory_space<semaphore_mem>>) src(%dma_wait3A_123 : memref<72x128xf32, #tpu.memory_space<vmem>>) dst(%dma_wait3A_120 : memref<72x128xf32, #tpu.memory_space<vmem_shared>>)
      tpu.yield
    }) : () -> ()
    %barrier3A = arith.constant 0 : index
    tpu.barrier barrier_id(%barrier3A)
    %mul3A_27 = arith.constant 112 : i32
    %mul3A_28 = arith.muli %select_n3A, %mul3A_27 : i32
    "tpu.region"() ({
      %run_scoped3A = tpu.sem_alloc : memref<!tpu.dma_semaphore, #tpu.memory_space<semaphore_mem>>
      %dma_start3A_104 = tpu.memref_slice %arg3[%mul3A_28] : memref<322560xi32, #tpu.memory_space<hbm>> -> memref<112xi32, #tpu.memory_space<hbm>>
      %dma_start3A_105 = tpu.memref_slice %arg3[%mul3A_28] : memref<322560xi32, #tpu.memory_space<hbm>> -> memref<112xi32, #tpu.memory_space<hbm>>
      tpu.enqueue_dma source(%dma_start3A_105 : memref<112xi32, #tpu.memory_space<hbm>>) target(%arg6 : memref<112xi32, #tpu.memory_space<vmem>>) target_semaphore(%run_scoped3A : memref<!tpu.dma_semaphore, #tpu.memory_space<semaphore_mem>>)
      %dma_wait3A_106 = tpu.memref_slice %arg3[%mul3A_28] : memref<322560xi32, #tpu.memory_space<hbm>> -> memref<112xi32, #tpu.memory_space<hbm>>
      %dma_wait3A_107 = tpu.memref_slice %arg3[%mul3A_28] : memref<322560xi32, #tpu.memory_space<hbm>> -> memref<112xi32, #tpu.memory_space<hbm>>
      tpu.wait_dma2 semaphore(%run_scoped3A : memref<!tpu.dma_semaphore, #tpu.memory_space<semaphore_mem>>) src(%dma_wait3A_107 : memref<112xi32, #tpu.memory_space<hbm>>) dst(%arg6 : memref<112xi32, #tpu.memory_space<vmem>>)
      tpu.yield
    }) : () -> ()
    %add3A_29 = arith.constant 0 : i32
    %add3A_30 = arith.addi %select_n3A, %add3A_29 : i32
    %mul3A_31 = arith.constant 112 : i32
    %mul3A_32 = arith.muli %add3A_30, %mul3A_31 : i32
    %dma_start3A = tpu.memref_slice %arg4[%mul3A_32] : memref<322560xi32, #tpu.memory_space<hbm>> -> memref<112xi32, #tpu.memory_space<hbm>>
    %dma_start3A_33 = tpu.memref_slice %arg4[%mul3A_32] : memref<322560xi32, #tpu.memory_space<hbm>> -> memref<112xi32, #tpu.memory_space<hbm>>
    tpu.enqueue_dma source(%dma_start3A_33 : memref<112xi32, #tpu.memory_space<hbm>>) target(%arg8 : memref<112xi32, #tpu.memory_space<vmem>>) target_semaphore(%arg17 : memref<!tpu.dma_semaphore, #tpu.memory_space<semaphore_mem>>)
    %add3A_34 = arith.constant 1 : i32
    %add3A_35 = arith.addi %select_n3A, %add3A_34 : i32
    %mul3A_36 = arith.constant 112 : i32
    %mul3A_37 = arith.muli %add3A_35, %mul3A_36 : i32
    %dma_start3A_38 = tpu.memref_slice %arg3[%mul3A_37] : memref<322560xi32, #tpu.memory_space<hbm>> -> memref<112xi32, #tpu.memory_space<hbm>>
    %dma_start3A_39 = tpu.memref_slice %arg3[%mul3A_37] : memref<322560xi32, #tpu.memory_space<hbm>> -> memref<112xi32, #tpu.memory_space<hbm>>
    tpu.enqueue_dma source(%dma_start3A_39 : memref<112xi32, #tpu.memory_space<hbm>>) target(%arg7 : memref<112xi32, #tpu.memory_space<vmem>>) target_semaphore(%arg16 : memref<!tpu.dma_semaphore, #tpu.memory_space<semaphore_mem>>)
    %add3A_40 = arith.constant 1 : i32
    %add3A_41 = arith.addi %select_n3A, %add3A_40 : i32
    %mul3A_42 = arith.constant 112 : i32
    %mul3A_43 = arith.muli %add3A_41, %mul3A_42 : i32
    %dma_start3A_44 = tpu.memref_slice %arg4[%mul3A_43] : memref<322560xi32, #tpu.memory_space<hbm>> -> memref<112xi32, #tpu.memory_space<hbm>>
    %dma_start3A_45 = tpu.memref_slice %arg4[%mul3A_43] : memref<322560xi32, #tpu.memory_space<hbm>> -> memref<112xi32, #tpu.memory_space<hbm>>
    tpu.enqueue_dma source(%dma_start3A_45 : memref<112xi32, #tpu.memory_space<hbm>>) target(%arg9 : memref<112xi32, #tpu.memory_space<vmem>>) target_semaphore(%arg18 : memref<!tpu.dma_semaphore, #tpu.memory_space<semaphore_mem>>)
    %dma_start3A_46 = arith.constant 0 : i32
    %dma_start3A_47 = arith.constant 0 : i32
    %dma_start3A_48 = tpu.memref_slice %arg2[%dma_start3A_46, %dma_start3A_47] : memref<10000x128xf32, #tpu.memory_space<hbm>> -> memref<10000x128xf32, #tpu.memory_space<hbm>>
    tpu.enqueue_indirect_dma source(%dma_start3A_48 : memref<10000x128xf32, #tpu.memory_space<hbm>>) target(%arg10 : memref<112x128xf32, #tpu.memory_space<vmem>>) offsets(%arg6 : memref<112xi32, #tpu.memory_space<vmem>>) semaphore(%arg13 : memref<!tpu.dma_semaphore, #tpu.memory_space<semaphore_mem>>)
    %jit3A_49 = arith.constant 2 : i32
    %div3A = arith.divsi %select_n3A_8, %jit3A_49 : i32
    %sign3A = arith.constant 0 : i32
    %sign3A_50 = arith.cmpi sgt, %select_n3A_8, %sign3A : i32
    %sign3A_51 = arith.extui %sign3A_50 : i1 to i32
    %sign3A_52 = arith.constant 0 : i32
    %sign3A_53 = arith.cmpi slt, %select_n3A_8, %sign3A_52 : i32
    %sign3A_54 = arith.extui %sign3A_53 : i1 to i32
    %sign3A_55 = arith.subi %sign3A_51, %sign3A_54 : i32
    %sign3A_56 = arith.constant 0 : i32
    %sign3A_57 = arith.cmpi sgt, %jit3A_49, %sign3A_56 : i32
    %sign3A_58 = arith.extui %sign3A_57 : i1 to i32
    %sign3A_59 = arith.constant 0 : i32
    %sign3A_60 = arith.cmpi slt, %jit3A_49, %sign3A_59 : i32
    %sign3A_61 = arith.extui %sign3A_60 : i1 to i32
    %sign3A_62 = arith.subi %sign3A_58, %sign3A_61 : i32
    %ne3A = arith.cmpi ne, %sign3A_55, %sign3A_62 : i32
    %rem3A = arith.remsi %select_n3A_8, %jit3A_49 : i32
    %ne3A_63 = arith.constant 0 : i32
    %ne3A_64 = arith.cmpi ne, %rem3A, %ne3A_63 : i32
    %and3A = arith.andi %ne3A, %ne3A_64 : i1
    %sub3A = arith.constant 1 : i32
    %sub3A_65 = arith.subi %div3A, %sub3A : i32
    %select_n3A_66 = arith.select %and3A, %sub3A_65, %div3A : i32
    %sub3A_67 = arith.constant 1 : i32
    %sub3A_68 = arith.subi %select_n3A_66, %sub3A_67 : i32
    %while3A = arith.constant 0 : i32
    %while3A_69 = arith.subi %sub3A_68, %while3A : i32
    %while3A_70 = arith.addi %while3A, %while3A_69 : i32
    %while3A_71 = arith.constant 1 : i32
    %while3A_72 = arith.divsi %while3A_69, %while3A_71 : i32
    %while3A_73 = arith.muli %while3A_72, %while3A_71 : i32
    %while3A_74 = arith.addi %while3A, %while3A_73 : i32
    %while3A_75 = arith.constant 1 : i32
    scf.for %while3A_104 = %while3A to %while3A_74 step %while3A_75  : i32 {
      %mul3A_105 = arith.constant 2 : i32
      %mul3A_106 = arith.muli %mul3A_105, %while3A_104 : i32
      %dma_wait3A_107 = arith.constant 0 : i32
      %dma_wait3A_108 = tpu.memref_slice %arg3[%dma_wait3A_107] : memref<322560xi32, #tpu.memory_space<hbm>> -> memref<112xi32, #tpu.memory_space<hbm>>
      %dma_wait3A_109 = arith.constant 0 : i32
      %dma_wait3A_110 = tpu.memref_slice %arg3[%dma_wait3A_109] : memref<322560xi32, #tpu.memory_space<hbm>> -> memref<112xi32, #tpu.memory_space<hbm>>
      tpu.wait_dma2 semaphore(%arg16 : memref<!tpu.dma_semaphore, #tpu.memory_space<semaphore_mem>>) src(%dma_wait3A_110 : memref<112xi32, #tpu.memory_space<hbm>>) dst(%arg7 : memref<112xi32, #tpu.memory_space<vmem>>)
      %dma_start3A_111 = arith.constant 0 : i32
      %dma_start3A_112 = arith.constant 0 : i32
      %dma_start3A_113 = tpu.memref_slice %arg2[%dma_start3A_111, %dma_start3A_112] : memref<10000x128xf32, #tpu.memory_space<hbm>> -> memref<10000x128xf32, #tpu.memory_space<hbm>>
      tpu.enqueue_indirect_dma source(%dma_start3A_113 : memref<10000x128xf32, #tpu.memory_space<hbm>>) target(%arg11 : memref<112x128xf32, #tpu.memory_space<vmem>>) offsets(%arg7 : memref<112xi32, #tpu.memory_space<vmem>>) semaphore(%arg14 : memref<!tpu.dma_semaphore, #tpu.memory_space<semaphore_mem>>)
      %dma_wait3A_114 = arith.constant 0 : i32
      %dma_wait3A_115 = arith.constant 0 : i32
      %dma_wait3A_116 = tpu.memref_slice %arg2[%dma_wait3A_114, %dma_wait3A_115] : memref<10000x128xf32, #tpu.memory_space<hbm>> -> memref<112x128xf32, #tpu.memory_space<hbm>>
      %dma_wait3A_117 = arith.constant 0 : i32
      %dma_wait3A_118 = arith.constant 0 : i32
      %dma_wait3A_119 = tpu.memref_slice %arg2[%dma_wait3A_117, %dma_wait3A_118] : memref<10000x128xf32, #tpu.memory_space<hbm>> -> memref<112x128xf32, #tpu.memory_space<hbm>>
      tpu.wait_dma2 semaphore(%arg13 : memref<!tpu.dma_semaphore, #tpu.memory_space<semaphore_mem>>) src(%dma_wait3A_119 : memref<112x128xf32, #tpu.memory_space<hbm>>) dst(%arg10 : memref<112x128xf32, #tpu.memory_space<vmem>>)
      %add3A_120 = arith.constant 2 : i32
      %add3A_121 = arith.addi %mul3A_106, %add3A_120 : i32
      %add3A_122 = arith.addi %select_n3A, %add3A_121 : i32
      %mul3A_123 = arith.constant 112 : i32
      %mul3A_124 = arith.muli %add3A_122, %mul3A_123 : i32
      %dma_start3A_125 = tpu.memref_slice %arg3[%mul3A_124] : memref<322560xi32, #tpu.memory_space<hbm>> -> memref<112xi32, #tpu.memory_space<hbm>>
      %dma_start3A_126 = tpu.memref_slice %arg3[%mul3A_124] : memref<322560xi32, #tpu.memory_space<hbm>> -> memref<112xi32, #tpu.memory_space<hbm>>
      tpu.enqueue_dma source(%dma_start3A_126 : memref<112xi32, #tpu.memory_space<hbm>>) target(%arg6 : memref<112xi32, #tpu.memory_space<vmem>>) target_semaphore(%arg15 : memref<!tpu.dma_semaphore, #tpu.memory_space<semaphore_mem>>)
      %dma_wait3A_127 = arith.constant 0 : i32
      %dma_wait3A_128 = tpu.memref_slice %arg4[%dma_wait3A_127] : memref<322560xi32, #tpu.memory_space<hbm>> -> memref<112xi32, #tpu.memory_space<hbm>>
      %dma_wait3A_129 = arith.constant 0 : i32
      %dma_wait3A_130 = tpu.memref_slice %arg4[%dma_wait3A_129] : memref<322560xi32, #tpu.memory_space<hbm>> -> memref<112xi32, #tpu.memory_space<hbm>>
      tpu.wait_dma2 semaphore(%arg17 : memref<!tpu.dma_semaphore, #tpu.memory_space<semaphore_mem>>) src(%dma_wait3A_130 : memref<112xi32, #tpu.memory_space<hbm>>) dst(%arg8 : memref<112xi32, #tpu.memory_space<vmem>>)
      "tpu.region"() ({
        %run_scoped3A = tpu.sem_alloc : memref<!tpu.dma_semaphore, #tpu.memory_space<semaphore_mem>>
        %dma_start3A_169 = arith.constant 0 : i32
        %dma_start3A_170 = arith.constant 0 : i32
        %dma_start3A_171 = tpu.memref_slice %arg12[%dma_start3A_169, %dma_start3A_170] : memref<10112x128xf32, #tpu.memory_space<vmem_shared>> -> memref<10112x128xf32, #tpu.memory_space<vmem_shared>>
        tpu.enqueue_indirect_dma source(%arg10 : memref<112x128xf32, #tpu.memory_space<vmem>>) target(%dma_start3A_171 : memref<10112x128xf32, #tpu.memory_space<vmem_shared>>) offsets(%arg8 : memref<112xi32, #tpu.memory_space<vmem>>) semaphore(%run_scoped3A : memref<!tpu.dma_semaphore, #tpu.memory_space<semaphore_mem>>) {add = true}
        %dma_wait3A_172 = arith.constant 0 : i32
        %dma_wait3A_173 = arith.constant 0 : i32
        %dma_wait3A_174 = tpu.memref_slice %arg12[%dma_wait3A_172, %dma_wait3A_173] : memref<10112x128xf32, #tpu.memory_space<vmem_shared>> -> memref<10112x128xf32, #tpu.memory_space<vmem_shared>>
        tpu.wait_indirect_dma semaphore(%run_scoped3A : memref<!tpu.dma_semaphore, #tpu.memory_space<semaphore_mem>>) src(%arg10 : memref<112x128xf32, #tpu.memory_space<vmem>>) dst(%dma_wait3A_174 : memref<10112x128xf32, #tpu.memory_space<vmem_shared>>)
        tpu.yield
      }) : () -> ()
      %add3A_131 = arith.constant 2 : i32
      %add3A_132 = arith.addi %mul3A_106, %add3A_131 : i32
      %add3A_133 = arith.addi %select_n3A, %add3A_132 : i32
      %mul3A_134 = arith.constant 112 : i32
      %mul3A_135 = arith.muli %add3A_133, %mul3A_134 : i32
      %dma_start3A_136 = tpu.memref_slice %arg4[%mul3A_135] : memref<322560xi32, #tpu.memory_space<hbm>> -> memref<112xi32, #tpu.memory_space<hbm>>
      %dma_start3A_137 = tpu.memref_slice %arg4[%mul3A_135] : memref<322560xi32, #tpu.memory_space<hbm>> -> memref<112xi32, #tpu.memory_space<hbm>>
      tpu.enqueue_dma source(%dma_start3A_137 : memref<112xi32, #tpu.memory_space<hbm>>) target(%arg8 : memref<112xi32, #tpu.memory_space<vmem>>) target_semaphore(%arg17 : memref<!tpu.dma_semaphore, #tpu.memory_space<semaphore_mem>>)
      %dma_wait3A_138 = arith.constant 0 : i32
      %dma_wait3A_139 = tpu.memref_slice %arg3[%dma_wait3A_138] : memref<322560xi32, #tpu.memory_space<hbm>> -> memref<112xi32, #tpu.memory_space<hbm>>
      %dma_wait3A_140 = arith.constant 0 : i32
      %dma_wait3A_141 = tpu.memref_slice %arg3[%dma_wait3A_140] : memref<322560xi32, #tpu.memory_space<hbm>> -> memref<112xi32, #tpu.memory_space<hbm>>
      tpu.wait_dma2 semaphore(%arg15 : memref<!tpu.dma_semaphore, #tpu.memory_space<semaphore_mem>>) src(%dma_wait3A_141 : memref<112xi32, #tpu.memory_space<hbm>>) dst(%arg6 : memref<112xi32, #tpu.memory_space<vmem>>)
      %dma_start3A_142 = arith.constant 0 : i32
      %dma_start3A_143 = arith.constant 0 : i32
      %dma_start3A_144 = tpu.memref_slice %arg2[%dma_start3A_142, %dma_start3A_143] : memref<10000x128xf32, #tpu.memory_space<hbm>> -> memref<10000x128xf32, #tpu.memory_space<hbm>>
      tpu.enqueue_indirect_dma source(%dma_start3A_144 : memref<10000x128xf32, #tpu.memory_space<hbm>>) target(%arg10 : memref<112x128xf32, #tpu.memory_space<vmem>>) offsets(%arg6 : memref<112xi32, #tpu.memory_space<vmem>>) semaphore(%arg13 : memref<!tpu.dma_semaphore, #tpu.memory_space<semaphore_mem>>)
      %dma_wait3A_145 = arith.constant 0 : i32
      %dma_wait3A_146 = arith.constant 0 : i32
      %dma_wait3A_147 = tpu.memref_slice %arg2[%dma_wait3A_145, %dma_wait3A_146] : memref<10000x128xf32, #tpu.memory_space<hbm>> -> memref<112x128xf32, #tpu.memory_space<hbm>>
      %dma_wait3A_148 = arith.constant 0 : i32
      %dma_wait3A_149 = arith.constant 0 : i32
      %dma_wait3A_150 = tpu.memref_slice %arg2[%dma_wait3A_148, %dma_wait3A_149] : memref<10000x128xf32, #tpu.memory_space<hbm>> -> memref<112x128xf32, #tpu.memory_space<hbm>>
      tpu.wait_dma2 semaphore(%arg14 : memref<!tpu.dma_semaphore, #tpu.memory_space<semaphore_mem>>) src(%dma_wait3A_150 : memref<112x128xf32, #tpu.memory_space<hbm>>) dst(%arg11 : memref<112x128xf32, #tpu.memory_space<vmem>>)
      %add3A_151 = arith.constant 3 : i32
      %add3A_152 = arith.addi %mul3A_106, %add3A_151 : i32
      %add3A_153 = arith.addi %select_n3A, %add3A_152 : i32
      %mul3A_154 = arith.constant 112 : i32
      %mul3A_155 = arith.muli %add3A_153, %mul3A_154 : i32
      %dma_start3A_156 = tpu.memref_slice %arg3[%mul3A_155] : memref<322560xi32, #tpu.memory_space<hbm>> -> memref<112xi32, #tpu.memory_space<hbm>>
      %dma_start3A_157 = tpu.memref_slice %arg3[%mul3A_155] : memref<322560xi32, #tpu.memory_space<hbm>> -> memref<112xi32, #tpu.memory_space<hbm>>
      tpu.enqueue_dma source(%dma_start3A_157 : memref<112xi32, #tpu.memory_space<hbm>>) target(%arg7 : memref<112xi32, #tpu.memory_space<vmem>>) target_semaphore(%arg16 : memref<!tpu.dma_semaphore, #tpu.memory_space<semaphore_mem>>)
      %dma_wait3A_158 = arith.constant 0 : i32
      %dma_wait3A_159 = tpu.memref_slice %arg4[%dma_wait3A_158] : memref<322560xi32, #tpu.memory_space<hbm>> -> memref<112xi32, #tpu.memory_space<hbm>>
      %dma_wait3A_160 = arith.constant 0 : i32
      %dma_wait3A_161 = tpu.memref_slice %arg4[%dma_wait3A_160] : memref<322560xi32, #tpu.memory_space<hbm>> -> memref<112xi32, #tpu.memory_space<hbm>>
      tpu.wait_dma2 semaphore(%arg18 : memref<!tpu.dma_semaphore, #tpu.memory_space<semaphore_mem>>) src(%dma_wait3A_161 : memref<112xi32, #tpu.memory_space<hbm>>) dst(%arg9 : memref<112xi32, #tpu.memory_space<vmem>>)
      "tpu.region"() ({
        %run_scoped3A = tpu.sem_alloc : memref<!tpu.dma_semaphore, #tpu.memory_space<semaphore_mem>>
        %dma_start3A_169 = arith.constant 0 : i32
        %dma_start3A_170 = arith.constant 0 : i32
        %dma_start3A_171 = tpu.memref_slice %arg12[%dma_start3A_169, %dma_start3A_170] : memref<10112x128xf32, #tpu.memory_space<vmem_shared>> -> memref<10112x128xf32, #tpu.memory_space<vmem_shared>>
        tpu.enqueue_indirect_dma source(%arg11 : memref<112x128xf32, #tpu.memory_space<vmem>>) target(%dma_start3A_171 : memref<10112x128xf32, #tpu.memory_space<vmem_shared>>) offsets(%arg9 : memref<112xi32, #tpu.memory_space<vmem>>) semaphore(%run_scoped3A : memref<!tpu.dma_semaphore, #tpu.memory_space<semaphore_mem>>) {add = true}
        %dma_wait3A_172 = arith.constant 0 : i32
        %dma_wait3A_173 = arith.constant 0 : i32
        %dma_wait3A_174 = tpu.memref_slice %arg12[%dma_wait3A_172, %dma_wait3A_173] : memref<10112x128xf32, #tpu.memory_space<vmem_shared>> -> memref<10112x128xf32, #tpu.memory_space<vmem_shared>>
        tpu.wait_indirect_dma semaphore(%run_scoped3A : memref<!tpu.dma_semaphore, #tpu.memory_space<semaphore_mem>>) src(%arg11 : memref<112x128xf32, #tpu.memory_space<vmem>>) dst(%dma_wait3A_174 : memref<10112x128xf32, #tpu.memory_space<vmem_shared>>)
        tpu.yield
      }) : () -> ()
      %add3A_162 = arith.constant 3 : i32
      %add3A_163 = arith.addi %mul3A_106, %add3A_162 : i32
      %add3A_164 = arith.addi %select_n3A, %add3A_163 : i32
      %mul3A_165 = arith.constant 112 : i32
      %mul3A_166 = arith.muli %add3A_164, %mul3A_165 : i32
      %dma_start3A_167 = tpu.memref_slice %arg4[%mul3A_166] : memref<322560xi32, #tpu.memory_space<hbm>> -> memref<112xi32, #tpu.memory_space<hbm>>
      %dma_start3A_168 = tpu.memref_slice %arg4[%mul3A_166] : memref<322560xi32, #tpu.memory_space<hbm>> -> memref<112xi32, #tpu.memory_space<hbm>>
      tpu.enqueue_dma source(%dma_start3A_168 : memref<112xi32, #tpu.memory_space<hbm>>) target(%arg9 : memref<112xi32, #tpu.memory_space<vmem>>) target_semaphore(%arg18 : memref<!tpu.dma_semaphore, #tpu.memory_space<semaphore_mem>>)
    }
    %while3A_76 = arith.constant 1 : i32
    scf.for %while3A_104 = %while3A_74 to %while3A_70 step %while3A_76  : i32 {
      %mul3A_105 = arith.constant 2 : i32
      %mul3A_106 = arith.muli %mul3A_105, %while3A_104 : i32
      %dma_wait3A_107 = arith.constant 0 : i32
      %dma_wait3A_108 = tpu.memref_slice %arg3[%dma_wait3A_107] : memref<322560xi32, #tpu.memory_space<hbm>> -> memref<112xi32, #tpu.memory_space<hbm>>
      %dma_wait3A_109 = arith.constant 0 : i32
      %dma_wait3A_110 = tpu.memref_slice %arg3[%dma_wait3A_109] : memref<322560xi32, #tpu.memory_space<hbm>> -> memref<112xi32, #tpu.memory_space<hbm>>
      tpu.wait_dma2 semaphore(%arg16 : memref<!tpu.dma_semaphore, #tpu.memory_space<semaphore_mem>>) src(%dma_wait3A_110 : memref<112xi32, #tpu.memory_space<hbm>>) dst(%arg7 : memref<112xi32, #tpu.memory_space<vmem>>)
      %dma_start3A_111 = arith.constant 0 : i32
      %dma_start3A_112 = arith.constant 0 : i32
      %dma_start3A_113 = tpu.memref_slice %arg2[%dma_start3A_111, %dma_start3A_112] : memref<10000x128xf32, #tpu.memory_space<hbm>> -> memref<10000x128xf32, #tpu.memory_space<hbm>>
      tpu.enqueue_indirect_dma source(%dma_start3A_113 : memref<10000x128xf32, #tpu.memory_space<hbm>>) target(%arg11 : memref<112x128xf32, #tpu.memory_space<vmem>>) offsets(%arg7 : memref<112xi32, #tpu.memory_space<vmem>>) semaphore(%arg14 : memref<!tpu.dma_semaphore, #tpu.memory_space<semaphore_mem>>)
      %dma_wait3A_114 = arith.constant 0 : i32
      %dma_wait3A_115 = arith.constant 0 : i32
      %dma_wait3A_116 = tpu.memref_slice %arg2[%dma_wait3A_114, %dma_wait3A_115] : memref<10000x128xf32, #tpu.memory_space<hbm>> -> memref<112x128xf32, #tpu.memory_space<hbm>>
      %dma_wait3A_117 = arith.constant 0 : i32
      %dma_wait3A_118 = arith.constant 0 : i32
      %dma_wait3A_119 = tpu.memref_slice %arg2[%dma_wait3A_117, %dma_wait3A_118] : memref<10000x128xf32, #tpu.memory_space<hbm>> -> memref<112x128xf32, #tpu.memory_space<hbm>>
      tpu.wait_dma2 semaphore(%arg13 : memref<!tpu.dma_semaphore, #tpu.memory_space<semaphore_mem>>) src(%dma_wait3A_119 : memref<112x128xf32, #tpu.memory_space<hbm>>) dst(%arg10 : memref<112x128xf32, #tpu.memory_space<vmem>>)
      %add3A_120 = arith.constant 2 : i32
      %add3A_121 = arith.addi %mul3A_106, %add3A_120 : i32
      %add3A_122 = arith.addi %select_n3A, %add3A_121 : i32
      %mul3A_123 = arith.constant 112 : i32
      %mul3A_124 = arith.muli %add3A_122, %mul3A_123 : i32
      %dma_start3A_125 = tpu.memref_slice %arg3[%mul3A_124] : memref<322560xi32, #tpu.memory_space<hbm>> -> memref<112xi32, #tpu.memory_space<hbm>>
      %dma_start3A_126 = tpu.memref_slice %arg3[%mul3A_124] : memref<322560xi32, #tpu.memory_space<hbm>> -> memref<112xi32, #tpu.memory_space<hbm>>
      tpu.enqueue_dma source(%dma_start3A_126 : memref<112xi32, #tpu.memory_space<hbm>>) target(%arg6 : memref<112xi32, #tpu.memory_space<vmem>>) target_semaphore(%arg15 : memref<!tpu.dma_semaphore, #tpu.memory_space<semaphore_mem>>)
      %dma_wait3A_127 = arith.constant 0 : i32
      %dma_wait3A_128 = tpu.memref_slice %arg4[%dma_wait3A_127] : memref<322560xi32, #tpu.memory_space<hbm>> -> memref<112xi32, #tpu.memory_space<hbm>>
      %dma_wait3A_129 = arith.constant 0 : i32
      %dma_wait3A_130 = tpu.memref_slice %arg4[%dma_wait3A_129] : memref<322560xi32, #tpu.memory_space<hbm>> -> memref<112xi32, #tpu.memory_space<hbm>>
      tpu.wait_dma2 semaphore(%arg17 : memref<!tpu.dma_semaphore, #tpu.memory_space<semaphore_mem>>) src(%dma_wait3A_130 : memref<112xi32, #tpu.memory_space<hbm>>) dst(%arg8 : memref<112xi32, #tpu.memory_space<vmem>>)
      "tpu.region"() ({
        %run_scoped3A = tpu.sem_alloc : memref<!tpu.dma_semaphore, #tpu.memory_space<semaphore_mem>>
        %dma_start3A_169 = arith.constant 0 : i32
        %dma_start3A_170 = arith.constant 0 : i32
        %dma_start3A_171 = tpu.memref_slice %arg12[%dma_start3A_169, %dma_start3A_170] : memref<10112x128xf32, #tpu.memory_space<vmem_shared>> -> memref<10112x128xf32, #tpu.memory_space<vmem_shared>>
        tpu.enqueue_indirect_dma source(%arg10 : memref<112x128xf32, #tpu.memory_space<vmem>>) target(%dma_start3A_171 : memref<10112x128xf32, #tpu.memory_space<vmem_shared>>) offsets(%arg8 : memref<112xi32, #tpu.memory_space<vmem>>) semaphore(%run_scoped3A : memref<!tpu.dma_semaphore, #tpu.memory_space<semaphore_mem>>) {add = true}
        %dma_wait3A_172 = arith.constant 0 : i32
        %dma_wait3A_173 = arith.constant 0 : i32
        %dma_wait3A_174 = tpu.memref_slice %arg12[%dma_wait3A_172, %dma_wait3A_173] : memref<10112x128xf32, #tpu.memory_space<vmem_shared>> -> memref<10112x128xf32, #tpu.memory_space<vmem_shared>>
        tpu.wait_indirect_dma semaphore(%run_scoped3A : memref<!tpu.dma_semaphore, #tpu.memory_space<semaphore_mem>>) src(%arg10 : memref<112x128xf32, #tpu.memory_space<vmem>>) dst(%dma_wait3A_174 : memref<10112x128xf32, #tpu.memory_space<vmem_shared>>)
        tpu.yield
      }) : () -> ()
      %add3A_131 = arith.constant 2 : i32
      %add3A_132 = arith.addi %mul3A_106, %add3A_131 : i32
      %add3A_133 = arith.addi %select_n3A, %add3A_132 : i32
      %mul3A_134 = arith.constant 112 : i32
      %mul3A_135 = arith.muli %add3A_133, %mul3A_134 : i32
      %dma_start3A_136 = tpu.memref_slice %arg4[%mul3A_135] : memref<322560xi32, #tpu.memory_space<hbm>> -> memref<112xi32, #tpu.memory_space<hbm>>
      %dma_start3A_137 = tpu.memref_slice %arg4[%mul3A_135] : memref<322560xi32, #tpu.memory_space<hbm>> -> memref<112xi32, #tpu.memory_space<hbm>>
      tpu.enqueue_dma source(%dma_start3A_137 : memref<112xi32, #tpu.memory_space<hbm>>) target(%arg8 : memref<112xi32, #tpu.memory_space<vmem>>) target_semaphore(%arg17 : memref<!tpu.dma_semaphore, #tpu.memory_space<semaphore_mem>>)
      %dma_wait3A_138 = arith.constant 0 : i32
      %dma_wait3A_139 = tpu.memref_slice %arg3[%dma_wait3A_138] : memref<322560xi32, #tpu.memory_space<hbm>> -> memref<112xi32, #tpu.memory_space<hbm>>
      %dma_wait3A_140 = arith.constant 0 : i32
      %dma_wait3A_141 = tpu.memref_slice %arg3[%dma_wait3A_140] : memref<322560xi32, #tpu.memory_space<hbm>> -> memref<112xi32, #tpu.memory_space<hbm>>
      tpu.wait_dma2 semaphore(%arg15 : memref<!tpu.dma_semaphore, #tpu.memory_space<semaphore_mem>>) src(%dma_wait3A_141 : memref<112xi32, #tpu.memory_space<hbm>>) dst(%arg6 : memref<112xi32, #tpu.memory_space<vmem>>)
      %dma_start3A_142 = arith.constant 0 : i32
      %dma_start3A_143 = arith.constant 0 : i32
      %dma_start3A_144 = tpu.memref_slice %arg2[%dma_start3A_142, %dma_start3A_143] : memref<10000x128xf32, #tpu.memory_space<hbm>> -> memref<10000x128xf32, #tpu.memory_space<hbm>>
      tpu.enqueue_indirect_dma source(%dma_start3A_144 : memref<10000x128xf32, #tpu.memory_space<hbm>>) target(%arg10 : memref<112x128xf32, #tpu.memory_space<vmem>>) offsets(%arg6 : memref<112xi32, #tpu.memory_space<vmem>>) semaphore(%arg13 : memref<!tpu.dma_semaphore, #tpu.memory_space<semaphore_mem>>)
      %dma_wait3A_145 = arith.constant 0 : i32
      %dma_wait3A_146 = arith.constant 0 : i32
      %dma_wait3A_147 = tpu.memref_slice %arg2[%dma_wait3A_145, %dma_wait3A_146] : memref<10000x128xf32, #tpu.memory_space<hbm>> -> memref<112x128xf32, #tpu.memory_space<hbm>>
      %dma_wait3A_148 = arith.constant 0 : i32
      %dma_wait3A_149 = arith.constant 0 : i32
      %dma_wait3A_150 = tpu.memref_slice %arg2[%dma_wait3A_148, %dma_wait3A_149] : memref<10000x128xf32, #tpu.memory_space<hbm>> -> memref<112x128xf32, #tpu.memory_space<hbm>>
      tpu.wait_dma2 semaphore(%arg14 : memref<!tpu.dma_semaphore, #tpu.memory_space<semaphore_mem>>) src(%dma_wait3A_150 : memref<112x128xf32, #tpu.memory_space<hbm>>) dst(%arg11 : memref<112x128xf32, #tpu.memory_space<vmem>>)
      %add3A_151 = arith.constant 3 : i32
      %add3A_152 = arith.addi %mul3A_106, %add3A_151 : i32
      %add3A_153 = arith.addi %select_n3A, %add3A_152 : i32
      %mul3A_154 = arith.constant 112 : i32
      %mul3A_155 = arith.muli %add3A_153, %mul3A_154 : i32
      %dma_start3A_156 = tpu.memref_slice %arg3[%mul3A_155] : memref<322560xi32, #tpu.memory_space<hbm>> -> memref<112xi32, #tpu.memory_space<hbm>>
      %dma_start3A_157 = tpu.memref_slice %arg3[%mul3A_155] : memref<322560xi32, #tpu.memory_space<hbm>> -> memref<112xi32, #tpu.memory_space<hbm>>
      tpu.enqueue_dma source(%dma_start3A_157 : memref<112xi32, #tpu.memory_space<hbm>>) target(%arg7 : memref<112xi32, #tpu.memory_space<vmem>>) target_semaphore(%arg16 : memref<!tpu.dma_semaphore, #tpu.memory_space<semaphore_mem>>)
      %dma_wait3A_158 = arith.constant 0 : i32
      %dma_wait3A_159 = tpu.memref_slice %arg4[%dma_wait3A_158] : memref<322560xi32, #tpu.memory_space<hbm>> -> memref<112xi32, #tpu.memory_space<hbm>>
      %dma_wait3A_160 = arith.constant 0 : i32
      %dma_wait3A_161 = tpu.memref_slice %arg4[%dma_wait3A_160] : memref<322560xi32, #tpu.memory_space<hbm>> -> memref<112xi32, #tpu.memory_space<hbm>>
      tpu.wait_dma2 semaphore(%arg18 : memref<!tpu.dma_semaphore, #tpu.memory_space<semaphore_mem>>) src(%dma_wait3A_161 : memref<112xi32, #tpu.memory_space<hbm>>) dst(%arg9 : memref<112xi32, #tpu.memory_space<vmem>>)
      "tpu.region"() ({
        %run_scoped3A = tpu.sem_alloc : memref<!tpu.dma_semaphore, #tpu.memory_space<semaphore_mem>>
        %dma_start3A_169 = arith.constant 0 : i32
        %dma_start3A_170 = arith.constant 0 : i32
        %dma_start3A_171 = tpu.memref_slice %arg12[%dma_start3A_169, %dma_start3A_170] : memref<10112x128xf32, #tpu.memory_space<vmem_shared>> -> memref<10112x128xf32, #tpu.memory_space<vmem_shared>>
        tpu.enqueue_indirect_dma source(%arg11 : memref<112x128xf32, #tpu.memory_space<vmem>>) target(%dma_start3A_171 : memref<10112x128xf32, #tpu.memory_space<vmem_shared>>) offsets(%arg9 : memref<112xi32, #tpu.memory_space<vmem>>) semaphore(%run_scoped3A : memref<!tpu.dma_semaphore, #tpu.memory_space<semaphore_mem>>) {add = true}
        %dma_wait3A_172 = arith.constant 0 : i32
        %dma_wait3A_173 = arith.constant 0 : i32
        %dma_wait3A_174 = tpu.memref_slice %arg12[%dma_wait3A_172, %dma_wait3A_173] : memref<10112x128xf32, #tpu.memory_space<vmem_shared>> -> memref<10112x128xf32, #tpu.memory_space<vmem_shared>>
        tpu.wait_indirect_dma semaphore(%run_scoped3A : memref<!tpu.dma_semaphore, #tpu.memory_space<semaphore_mem>>) src(%arg11 : memref<112x128xf32, #tpu.memory_space<vmem>>) dst(%dma_wait3A_174 : memref<10112x128xf32, #tpu.memory_space<vmem_shared>>)
        tpu.yield
      }) : () -> ()
      %add3A_162 = arith.constant 3 : i32
      %add3A_163 = arith.addi %mul3A_106, %add3A_162 : i32
      %add3A_164 = arith.addi %select_n3A, %add3A_163 : i32
      %mul3A_165 = arith.constant 112 : i32
      %mul3A_166 = arith.muli %add3A_164, %mul3A_165 : i32
      %dma_start3A_167 = tpu.memref_slice %arg4[%mul3A_166] : memref<322560xi32, #tpu.memory_space<hbm>> -> memref<112xi32, #tpu.memory_space<hbm>>
      %dma_start3A_168 = tpu.memref_slice %arg4[%mul3A_166] : memref<322560xi32, #tpu.memory_space<hbm>> -> memref<112xi32, #tpu.memory_space<hbm>>
      tpu.enqueue_dma source(%dma_start3A_168 : memref<112xi32, #tpu.memory_space<hbm>>) target(%arg9 : memref<112xi32, #tpu.memory_space<vmem>>) target_semaphore(%arg18 : memref<!tpu.dma_semaphore, #tpu.memory_space<semaphore_mem>>)
    }
    %dma_wait3A = arith.constant 0 : i32
    %dma_wait3A_77 = tpu.memref_slice %arg3[%dma_wait3A] : memref<322560xi32, #tpu.memory_space<hbm>> -> memref<112xi32, #tpu.memory_space<hbm>>
    %dma_wait3A_78 = arith.constant 0 : i32
    %dma_wait3A_79 = tpu.memref_slice %arg3[%dma_wait3A_78] : memref<322560xi32, #tpu.memory_space<hbm>> -> memref<112xi32, #tpu.memory_space<hbm>>
    tpu.wait_dma2 semaphore(%arg16 : memref<!tpu.dma_semaphore, #tpu.memory_space<semaphore_mem>>) src(%dma_wait3A_79 : memref<112xi32, #tpu.memory_space<hbm>>) dst(%arg7 : memref<112xi32, #tpu.memory_space<vmem>>)
    %dma_start3A_80 = arith.constant 0 : i32
    %dma_start3A_81 = arith.constant 0 : i32
    %dma_start3A_82 = tpu.memref_slice %arg2[%dma_start3A_80, %dma_start3A_81] : memref<10000x128xf32, #tpu.memory_space<hbm>> -> memref<10000x128xf32, #tpu.memory_space<hbm>>
    tpu.enqueue_indirect_dma source(%dma_start3A_82 : memref<10000x128xf32, #tpu.memory_space<hbm>>) target(%arg11 : memref<112x128xf32, #tpu.memory_space<vmem>>) offsets(%arg7 : memref<112xi32, #tpu.memory_space<vmem>>) semaphore(%arg14 : memref<!tpu.dma_semaphore, #tpu.memory_space<semaphore_mem>>)
    %dma_wait3A_83 = arith.constant 0 : i32
    %dma_wait3A_84 = arith.constant 0 : i32
    %dma_wait3A_85 = tpu.memref_slice %arg2[%dma_wait3A_83, %dma_wait3A_84] : memref<10000x128xf32, #tpu.memory_space<hbm>> -> memref<112x128xf32, #tpu.memory_space<hbm>>
    %dma_wait3A_86 = arith.constant 0 : i32
    %dma_wait3A_87 = arith.constant 0 : i32
    %dma_wait3A_88 = tpu.memref_slice %arg2[%dma_wait3A_86, %dma_wait3A_87] : memref<10000x128xf32, #tpu.memory_space<hbm>> -> memref<112x128xf32, #tpu.memory_space<hbm>>
    tpu.wait_dma2 semaphore(%arg13 : memref<!tpu.dma_semaphore, #tpu.memory_space<semaphore_mem>>) src(%dma_wait3A_88 : memref<112x128xf32, #tpu.memory_space<hbm>>) dst(%arg10 : memref<112x128xf32, #tpu.memory_space<vmem>>)
    %dma_wait3A_89 = arith.constant 0 : i32
    %dma_wait3A_90 = tpu.memref_slice %arg4[%dma_wait3A_89] : memref<322560xi32, #tpu.memory_space<hbm>> -> memref<112xi32, #tpu.memory_space<hbm>>
    %dma_wait3A_91 = arith.constant 0 : i32
    %dma_wait3A_92 = tpu.memref_slice %arg4[%dma_wait3A_91] : memref<322560xi32, #tpu.memory_space<hbm>> -> memref<112xi32, #tpu.memory_space<hbm>>
    tpu.wait_dma2 semaphore(%arg17 : memref<!tpu.dma_semaphore, #tpu.memory_space<semaphore_mem>>) src(%dma_wait3A_92 : memref<112xi32, #tpu.memory_space<hbm>>) dst(%arg8 : memref<112xi32, #tpu.memory_space<vmem>>)
    "tpu.region"() ({
      %run_scoped3A = tpu.sem_alloc : memref<!tpu.dma_semaphore, #tpu.memory_space<semaphore_mem>>
      %dma_start3A_104 = arith.constant 0 : i32
      %dma_start3A_105 = arith.constant 0 : i32
      %dma_start3A_106 = tpu.memref_slice %arg12[%dma_start3A_104, %dma_start3A_105] : memref<10112x128xf32, #tpu.memory_space<vmem_shared>> -> memref<10112x128xf32, #tpu.memory_space<vmem_shared>>
      tpu.enqueue_indirect_dma source(%arg10 : memref<112x128xf32, #tpu.memory_space<vmem>>) target(%dma_start3A_106 : memref<10112x128xf32, #tpu.memory_space<vmem_shared>>) offsets(%arg8 : memref<112xi32, #tpu.memory_space<vmem>>) semaphore(%run_scoped3A : memref<!tpu.dma_semaphore, #tpu.memory_space<semaphore_mem>>) {add = true}
      %dma_wait3A_107 = arith.constant 0 : i32
      %dma_wait3A_108 = arith.constant 0 : i32
      %dma_wait3A_109 = tpu.memref_slice %arg12[%dma_wait3A_107, %dma_wait3A_108] : memref<10112x128xf32, #tpu.memory_space<vmem_shared>> -> memref<10112x128xf32, #tpu.memory_space<vmem_shared>>
      tpu.wait_indirect_dma semaphore(%run_scoped3A : memref<!tpu.dma_semaphore, #tpu.memory_space<semaphore_mem>>) src(%arg10 : memref<112x128xf32, #tpu.memory_space<vmem>>) dst(%dma_wait3A_109 : memref<10112x128xf32, #tpu.memory_space<vmem_shared>>)
      tpu.yield
    }) : () -> ()
    %dma_wait3A_93 = arith.constant 0 : i32
    %dma_wait3A_94 = arith.constant 0 : i32
    %dma_wait3A_95 = tpu.memref_slice %arg2[%dma_wait3A_93, %dma_wait3A_94] : memref<10000x128xf32, #tpu.memory_space<hbm>> -> memref<112x128xf32, #tpu.memory_space<hbm>>
    %dma_wait3A_96 = arith.constant 0 : i32
    %dma_wait3A_97 = arith.constant 0 : i32
    %dma_wait3A_98 = tpu.memref_slice %arg2[%dma_wait3A_96, %dma_wait3A_97] : memref<10000x128xf32, #tpu.memory_space<hbm>> -> memref<112x128xf32, #tpu.memory_space<hbm>>
    tpu.wait_dma2 semaphore(%arg14 : memref<!tpu.dma_semaphore, #tpu.memory_space<semaphore_mem>>) src(%dma_wait3A_98 : memref<112x128xf32, #tpu.memory_space<hbm>>) dst(%arg11 : memref<112x128xf32, #tpu.memory_space<vmem>>)
    %dma_wait3A_99 = arith.constant 0 : i32
    %dma_wait3A_100 = tpu.memref_slice %arg4[%dma_wait3A_99] : memref<322560xi32, #tpu.memory_space<hbm>> -> memref<112xi32, #tpu.memory_space<hbm>>
    %dma_wait3A_101 = arith.constant 0 : i32
    %dma_wait3A_102 = tpu.memref_slice %arg4[%dma_wait3A_101] : memref<322560xi32, #tpu.memory_space<hbm>> -> memref<112xi32, #tpu.memory_space<hbm>>
    tpu.wait_dma2 semaphore(%arg18 : memref<!tpu.dma_semaphore, #tpu.memory_space<semaphore_mem>>) src(%dma_wait3A_102 : memref<112xi32, #tpu.memory_space<hbm>>) dst(%arg9 : memref<112xi32, #tpu.memory_space<vmem>>)
    "tpu.region"() ({
      %run_scoped3A = tpu.sem_alloc : memref<!tpu.dma_semaphore, #tpu.memory_space<semaphore_mem>>
      %dma_start3A_104 = arith.constant 0 : i32
      %dma_start3A_105 = arith.constant 0 : i32
      %dma_start3A_106 = tpu.memref_slice %arg12[%dma_start3A_104, %dma_start3A_105] : memref<10112x128xf32, #tpu.memory_space<vmem_shared>> -> memref<10112x128xf32, #tpu.memory_space<vmem_shared>>
      tpu.enqueue_indirect_dma source(%arg11 : memref<112x128xf32, #tpu.memory_space<vmem>>) target(%dma_start3A_106 : memref<10112x128xf32, #tpu.memory_space<vmem_shared>>) offsets(%arg9 : memref<112xi32, #tpu.memory_space<vmem>>) semaphore(%run_scoped3A : memref<!tpu.dma_semaphore, #tpu.memory_space<semaphore_mem>>) {add = true}
      %dma_wait3A_107 = arith.constant 0 : i32
      %dma_wait3A_108 = arith.constant 0 : i32
      %dma_wait3A_109 = tpu.memref_slice %arg12[%dma_wait3A_107, %dma_wait3A_108] : memref<10112x128xf32, #tpu.memory_space<vmem_shared>> -> memref<10112x128xf32, #tpu.memory_space<vmem_shared>>
      tpu.wait_indirect_dma semaphore(%run_scoped3A : memref<!tpu.dma_semaphore, #tpu.memory_space<semaphore_mem>>) src(%arg11 : memref<112x128xf32, #tpu.memory_space<vmem>>) dst(%dma_wait3A_109 : memref<10112x128xf32, #tpu.memory_space<vmem_shared>>)
      tpu.yield
    }) : () -> ()
    %barrier3A_103 = arith.constant 0 : index
    tpu.barrier barrier_id(%barrier3A_103)
    "tpu.region"() ({
      %run_scoped3A = tpu.sem_alloc : memref<!tpu.dma_semaphore, #tpu.memory_space<semaphore_mem>>
      %dma_start3A_104 = arith.constant 0 : i32
      %dma_start3A_105 = tpu.memref_slice %arg5[%arg0, %mul3A_14, %dma_start3A_104] : memref<2x10112x128xf32, #tpu.memory_space<hbm>> -> memref<1x632x128xf32, #tpu.memory_space<hbm>>
      %dma_start3A_106 = tpu.memref_squeeze %dma_start3A_105 : memref<1x632x128xf32, #tpu.memory_space<hbm>> -> memref<632x128xf32, #tpu.memory_space<hbm>>
      %dma_start3A_107 = arith.constant 0 : i32
      %dma_start3A_108 = tpu.memref_slice %arg12[%mul3A_14, %dma_start3A_107] : memref<10112x128xf32, #tpu.memory_space<vmem_shared>> -> memref<632x128xf32, #tpu.memory_space<vmem_shared>>
      tpu.enqueue_dma source(%dma_start3A_108 : memref<632x128xf32, #tpu.memory_space<vmem_shared>>) target(%dma_start3A_106 : memref<632x128xf32, #tpu.memory_space<hbm>>) target_semaphore(%run_scoped3A : memref<!tpu.dma_semaphore, #tpu.memory_space<semaphore_mem>>)
      %dma_wait3A_109 = arith.constant 0 : i32
      %dma_wait3A_110 = tpu.memref_slice %arg5[%arg0, %mul3A_14, %dma_wait3A_109] : memref<2x10112x128xf32, #tpu.memory_space<hbm>> -> memref<1x632x128xf32, #tpu.memory_space<hbm>>
      %dma_wait3A_111 = tpu.memref_squeeze %dma_wait3A_110 : memref<1x632x128xf32, #tpu.memory_space<hbm>> -> memref<632x128xf32, #tpu.memory_space<hbm>>
      %dma_wait3A_112 = arith.constant 0 : i32
      %dma_wait3A_113 = tpu.memref_slice %arg12[%mul3A_14, %dma_wait3A_112] : memref<10112x128xf32, #tpu.memory_space<vmem_shared>> -> memref<632x128xf32, #tpu.memory_space<vmem_shared>>
      tpu.wait_dma2 semaphore(%run_scoped3A : memref<!tpu.dma_semaphore, #tpu.memory_space<semaphore_mem>>) src(%dma_wait3A_113 : memref<632x128xf32, #tpu.memory_space<vmem_shared>>) dst(%dma_wait3A_111 : memref<632x128xf32, #tpu.memory_space<hbm>>)
      tpu.yield
    }) : () -> ()
    return
  }
}

#map = affine_map<(d0, d1) -> (0, 0, 0)>
module attributes {stable_mosaic.version = 14 : i64} {
  func.func @_sc_cnt_body(%arg0: i32, %arg1: i32, %arg2: memref<32x79x128xi32, #tpu.memory_space<hbm>>, %arg3: memref<2x10112x128xf32, #tpu.memory_space<hbm>>, %arg4: memref<79x128xi32, #tpu.memory_space<vmem>>, %arg5: memref<128x128xf32, #tpu.memory_space<vmem>>, %arg6: memref<10112x128xf32, #tpu.memory_space<vmem_shared>>, %arg7: memref<!tpu.dma_semaphore, #tpu.memory_space<semaphore_mem>>) attributes {dimension_semantics = [#tpu.dimension_semantics<core_parallel>, #tpu.dimension_semantics<subcore_parallel>], iteration_bounds = array<i64: 2, 16>, scalar_prefetch = 0 : i64, scratch_operands = 4 : i64, tpu.core_type = #tpu.core_type<sc_vector_subcore>, window_params = [{transform_indices = #map}, {transform_indices = #map}]} {
    %mul3A = arith.constant 16 : i32
    %mul3A_0 = arith.muli %arg0, %mul3A : i32
    %add3A = arith.addi %mul3A_0, %arg1 : i32
    %scan3A = arith.constant 0 : i32
    %scan3A_1 = arith.constant 1024 : i32
    %scan3A_2 = arith.addi %scan3A, %scan3A_1 : i32
    %scan3A_3 = arith.constant 1 : i32
    scf.for %scan3A_33 = %scan3A to %scan3A_2 step %scan3A_3  : i32 {
      %jit3A = arith.constant 8 : i32
      %div3A = arith.divsi %scan3A_33, %jit3A : i32
      %sign3A = arith.constant 0 : i32
      %sign3A_34 = arith.cmpi sgt, %scan3A_33, %sign3A : i32
      %sign3A_35 = arith.extui %sign3A_34 : i1 to i32
      %sign3A_36 = arith.constant 0 : i32
      %sign3A_37 = arith.cmpi slt, %scan3A_33, %sign3A_36 : i32
      %sign3A_38 = arith.extui %sign3A_37 : i1 to i32
      %sign3A_39 = arith.subi %sign3A_35, %sign3A_38 : i32
      %sign3A_40 = arith.constant 0 : i32
      %sign3A_41 = arith.cmpi sgt, %jit3A, %sign3A_40 : i32
      %sign3A_42 = arith.extui %sign3A_41 : i1 to i32
      %sign3A_43 = arith.constant 0 : i32
      %sign3A_44 = arith.cmpi slt, %jit3A, %sign3A_43 : i32
      %sign3A_45 = arith.extui %sign3A_44 : i1 to i32
      %sign3A_46 = arith.subi %sign3A_42, %sign3A_45 : i32
      %ne3A = arith.cmpi ne, %sign3A_39, %sign3A_46 : i32
      %rem3A = arith.remsi %scan3A_33, %jit3A : i32
      %ne3A_47 = arith.constant 0 : i32
      %ne3A_48 = arith.cmpi ne, %rem3A, %ne3A_47 : i32
      %and3A = arith.andi %ne3A, %ne3A_48 : i1
      %sub3A = arith.constant 1 : i32
      %sub3A_49 = arith.subi %div3A, %sub3A : i32
      %select_n3A = arith.select %and3A, %sub3A_49, %div3A : i32
      %jit3A_50 = arith.constant 8 : i32
      %eq3A = arith.constant 0 : i32
      %eq3A_51 = arith.cmpi eq, %jit3A_50, %eq3A : i32
      %jit3A_52 = arith.constant 1 : i32
      %select_n3A_53 = arith.select %eq3A_51, %jit3A_52, %jit3A_50 : i32
      %rem3A_54 = arith.remsi %scan3A_33, %select_n3A_53 : i32
      %ne3A_55 = arith.constant 0 : i32
      %ne3A_56 = arith.cmpi ne, %rem3A_54, %ne3A_55 : i32
      %lt3A = arith.constant 0 : i32
      %lt3A_57 = arith.cmpi slt, %rem3A_54, %lt3A : i32
      %lt3A_58 = arith.constant 0 : i32
      %lt3A_59 = arith.cmpi slt, %select_n3A_53, %lt3A_58 : i32
      %ne3A_60 = arith.xori %lt3A_57, %lt3A_59 : i1
      %and3A_61 = arith.andi %ne3A_60, %ne3A_56 : i1
      %add3A_62 = arith.addi %rem3A_54, %select_n3A_53 : i32
      %select_n3A_63 = arith.select %and3A_61, %add3A_62, %rem3A_54 : i32
      %broadcast_in_dim3A = arith.constant 0.000000e+00 : f32
      %broadcast_in_dim3A_64 = vector.broadcast %broadcast_in_dim3A : f32 to vector<16xf32>
      %mul3A_65 = arith.constant 16 : i32
      %mul3A_66 = arith.muli %select_n3A_63, %mul3A_65 : i32
      %swap3A = arith.index_cast %select_n3A : i32 to index
      %swap3A_67 = arith.index_cast %mul3A_66 : i32 to index
      %swap3A_68 = tpu.vector_load %arg5[%swap3A, %swap3A_67] {strides = array<i32>} : memref<128x128xf32, #tpu.memory_space<vmem>>, vector<1x16xf32>,
      %swap3A_69 = vector.shape_cast %swap3A_68 : vector<1x16xf32> to vector<16xf32>
      %swap3A_70 = vector.shape_cast %broadcast_in_dim3A_64 : vector<16xf32> to vector<1x16xf32>
      tpu.vector_store %arg5[%swap3A, %swap3A_67], %swap3A_70 {strides = array<i32>} : memref<128x128xf32, #tpu.memory_space<vmem>>, vector<1x16xf32>,
    }
    %scan3A_4 = arith.constant 1024 : i32
    %mul3A_5 = arith.constant 632 : i32
    %mul3A_6 = arith.muli %arg1, %mul3A_5 : i32
    %add3A_7 = arith.constant 0 : i32
    %add3A_8 = arith.addi %mul3A_6, %add3A_7 : i32
    "tpu.region"() ({
      %run_scoped3A = tpu.sem_alloc : memref<!tpu.dma_semaphore, #tpu.memory_space<semaphore_mem>>
      %dma_start3A = arith.constant 0 : i32
      %dma_start3A_33 = arith.constant 0 : i32
      %dma_start3A_34 = tpu.memref_slice %arg5[%dma_start3A, %dma_start3A_33] : memref<128x128xf32, #tpu.memory_space<vmem>> -> memref<128x128xf32, #tpu.memory_space<vmem>>
      %dma_start3A_35 = arith.constant 0 : i32
      %dma_start3A_36 = tpu.memref_slice %arg6[%add3A_8, %dma_start3A_35] : memref<10112x128xf32, #tpu.memory_space<vmem_shared>> -> memref<128x128xf32, #tpu.memory_space<vmem_shared>>
      %dma_start3A_37 = arith.constant 0 : i32
      %dma_start3A_38 = tpu.memref_slice %arg6[%add3A_8, %dma_start3A_37] : memref<10112x128xf32, #tpu.memory_space<vmem_shared>> -> memref<128x128xf32, #tpu.memory_space<vmem_shared>>
      %dma_start3A_39 = arith.constant 0 : i32
      %dma_start3A_40 = arith.constant 0 : i32
      %dma_start3A_41 = tpu.memref_slice %arg5[%dma_start3A_39, %dma_start3A_40] : memref<128x128xf32, #tpu.memory_space<vmem>> -> memref<128x128xf32, #tpu.memory_space<vmem>>
      tpu.enqueue_dma source(%dma_start3A_41 : memref<128x128xf32, #tpu.memory_space<vmem>>) target(%dma_start3A_38 : memref<128x128xf32, #tpu.memory_space<vmem_shared>>) target_semaphore(%run_scoped3A : memref<!tpu.dma_semaphore, #tpu.memory_space<semaphore_mem>>)
      %dma_wait3A = arith.constant 0 : i32
      %dma_wait3A_42 = arith.constant 0 : i32
      %dma_wait3A_43 = tpu.memref_slice %arg5[%dma_wait3A, %dma_wait3A_42] : memref<128x128xf32, #tpu.memory_space<vmem>> -> memref<128x128xf32, #tpu.memory_space<vmem>>
      %dma_wait3A_44 = arith.constant 0 : i32
      %dma_wait3A_45 = tpu.memref_slice %arg6[%add3A_8, %dma_wait3A_44] : memref<10112x128xf32, #tpu.memory_space<vmem_shared>> -> memref<128x128xf32, #tpu.memory_space<vmem_shared>>
      %dma_wait3A_46 = arith.constant 0 : i32
      %dma_wait3A_47 = tpu.memref_slice %arg6[%add3A_8, %dma_wait3A_46] : memref<10112x128xf32, #tpu.memory_space<vmem_shared>> -> memref<128x128xf32, #tpu.memory_space<vmem_shared>>
      %dma_wait3A_48 = arith.constant 0 : i32
      %dma_wait3A_49 = arith.constant 0 : i32
      %dma_wait3A_50 = tpu.memref_slice %arg5[%dma_wait3A_48, %dma_wait3A_49] : memref<128x128xf32, #tpu.memory_space<vmem>> -> memref<128x128xf32, #tpu.memory_space<vmem>>
      tpu.wait_dma2 semaphore(%run_scoped3A : memref<!tpu.dma_semaphore, #tpu.memory_space<semaphore_mem>>) src(%dma_wait3A_50 : memref<128x128xf32, #tpu.memory_space<vmem>>) dst(%dma_wait3A_47 : memref<128x128xf32, #tpu.memory_space<vmem_shared>>)
      tpu.yield
    }) : () -> ()
    %add3A_9 = arith.constant 128 : i32
    %add3A_10 = arith.addi %mul3A_6, %add3A_9 : i32
    "tpu.region"() ({
      %run_scoped3A = tpu.sem_alloc : memref<!tpu.dma_semaphore, #tpu.memory_space<semaphore_mem>>
      %dma_start3A = arith.constant 0 : i32
      %dma_start3A_33 = arith.constant 0 : i32
      %dma_start3A_34 = tpu.memref_slice %arg5[%dma_start3A, %dma_start3A_33] : memref<128x128xf32, #tpu.memory_space<vmem>> -> memref<128x128xf32, #tpu.memory_space<vmem>>
      %dma_start3A_35 = arith.constant 0 : i32
      %dma_start3A_36 = tpu.memref_slice %arg6[%add3A_10, %dma_start3A_35] : memref<10112x128xf32, #tpu.memory_space<vmem_shared>> -> memref<128x128xf32, #tpu.memory_space<vmem_shared>>
      %dma_start3A_37 = arith.constant 0 : i32
      %dma_start3A_38 = tpu.memref_slice %arg6[%add3A_10, %dma_start3A_37] : memref<10112x128xf32, #tpu.memory_space<vmem_shared>> -> memref<128x128xf32, #tpu.memory_space<vmem_shared>>
      %dma_start3A_39 = arith.constant 0 : i32
      %dma_start3A_40 = arith.constant 0 : i32
      %dma_start3A_41 = tpu.memref_slice %arg5[%dma_start3A_39, %dma_start3A_40] : memref<128x128xf32, #tpu.memory_space<vmem>> -> memref<128x128xf32, #tpu.memory_space<vmem>>
      tpu.enqueue_dma source(%dma_start3A_41 : memref<128x128xf32, #tpu.memory_space<vmem>>) target(%dma_start3A_38 : memref<128x128xf32, #tpu.memory_space<vmem_shared>>) target_semaphore(%run_scoped3A : memref<!tpu.dma_semaphore, #tpu.memory_space<semaphore_mem>>)
      %dma_wait3A = arith.constant 0 : i32
      %dma_wait3A_42 = arith.constant 0 : i32
      %dma_wait3A_43 = tpu.memref_slice %arg5[%dma_wait3A, %dma_wait3A_42] : memref<128x128xf32, #tpu.memory_space<vmem>> -> memref<128x128xf32, #tpu.memory_space<vmem>>
      %dma_wait3A_44 = arith.constant 0 : i32
      %dma_wait3A_45 = tpu.memref_slice %arg6[%add3A_10, %dma_wait3A_44] : memref<10112x128xf32, #tpu.memory_space<vmem_shared>> -> memref<128x128xf32, #tpu.memory_space<vmem_shared>>
      %dma_wait3A_46 = arith.constant 0 : i32
      %dma_wait3A_47 = tpu.memref_slice %arg6[%add3A_10, %dma_wait3A_46] : memref<10112x128xf32, #tpu.memory_space<vmem_shared>> -> memref<128x128xf32, #tpu.memory_space<vmem_shared>>
      %dma_wait3A_48 = arith.constant 0 : i32
      %dma_wait3A_49 = arith.constant 0 : i32
      %dma_wait3A_50 = tpu.memref_slice %arg5[%dma_wait3A_48, %dma_wait3A_49] : memref<128x128xf32, #tpu.memory_space<vmem>> -> memref<128x128xf32, #tpu.memory_space<vmem>>
      tpu.wait_dma2 semaphore(%run_scoped3A : memref<!tpu.dma_semaphore, #tpu.memory_space<semaphore_mem>>) src(%dma_wait3A_50 : memref<128x128xf32, #tpu.memory_space<vmem>>) dst(%dma_wait3A_47 : memref<128x128xf32, #tpu.memory_space<vmem_shared>>)
      tpu.yield
    }) : () -> ()
    %add3A_11 = arith.constant 256 : i32
    %add3A_12 = arith.addi %mul3A_6, %add3A_11 : i32
    "tpu.region"() ({
      %run_scoped3A = tpu.sem_alloc : memref<!tpu.dma_semaphore, #tpu.memory_space<semaphore_mem>>
      %dma_start3A = arith.constant 0 : i32
      %dma_start3A_33 = arith.constant 0 : i32
      %dma_start3A_34 = tpu.memref_slice %arg5[%dma_start3A, %dma_start3A_33] : memref<128x128xf32, #tpu.memory_space<vmem>> -> memref<128x128xf32, #tpu.memory_space<vmem>>
      %dma_start3A_35 = arith.constant 0 : i32
      %dma_start3A_36 = tpu.memref_slice %arg6[%add3A_12, %dma_start3A_35] : memref<10112x128xf32, #tpu.memory_space<vmem_shared>> -> memref<128x128xf32, #tpu.memory_space<vmem_shared>>
      %dma_start3A_37 = arith.constant 0 : i32
      %dma_start3A_38 = tpu.memref_slice %arg6[%add3A_12, %dma_start3A_37] : memref<10112x128xf32, #tpu.memory_space<vmem_shared>> -> memref<128x128xf32, #tpu.memory_space<vmem_shared>>
      %dma_start3A_39 = arith.constant 0 : i32
      %dma_start3A_40 = arith.constant 0 : i32
      %dma_start3A_41 = tpu.memref_slice %arg5[%dma_start3A_39, %dma_start3A_40] : memref<128x128xf32, #tpu.memory_space<vmem>> -> memref<128x128xf32, #tpu.memory_space<vmem>>
      tpu.enqueue_dma source(%dma_start3A_41 : memref<128x128xf32, #tpu.memory_space<vmem>>) target(%dma_start3A_38 : memref<128x128xf32, #tpu.memory_space<vmem_shared>>) target_semaphore(%run_scoped3A : memref<!tpu.dma_semaphore, #tpu.memory_space<semaphore_mem>>)
      %dma_wait3A = arith.constant 0 : i32
      %dma_wait3A_42 = arith.constant 0 : i32
      %dma_wait3A_43 = tpu.memref_slice %arg5[%dma_wait3A, %dma_wait3A_42] : memref<128x128xf32, #tpu.memory_space<vmem>> -> memref<128x128xf32, #tpu.memory_space<vmem>>
      %dma_wait3A_44 = arith.constant 0 : i32
      %dma_wait3A_45 = tpu.memref_slice %arg6[%add3A_12, %dma_wait3A_44] : memref<10112x128xf32, #tpu.memory_space<vmem_shared>> -> memref<128x128xf32, #tpu.memory_space<vmem_shared>>
      %dma_wait3A_46 = arith.constant 0 : i32
      %dma_wait3A_47 = tpu.memref_slice %arg6[%add3A_12, %dma_wait3A_46] : memref<10112x128xf32, #tpu.memory_space<vmem_shared>> -> memref<128x128xf32, #tpu.memory_space<vmem_shared>>
      %dma_wait3A_48 = arith.constant 0 : i32
      %dma_wait3A_49 = arith.constant 0 : i32
      %dma_wait3A_50 = tpu.memref_slice %arg5[%dma_wait3A_48, %dma_wait3A_49] : memref<128x128xf32, #tpu.memory_space<vmem>> -> memref<128x128xf32, #tpu.memory_space<vmem>>
      tpu.wait_dma2 semaphore(%run_scoped3A : memref<!tpu.dma_semaphore, #tpu.memory_space<semaphore_mem>>) src(%dma_wait3A_50 : memref<128x128xf32, #tpu.memory_space<vmem>>) dst(%dma_wait3A_47 : memref<128x128xf32, #tpu.memory_space<vmem_shared>>)
      tpu.yield
    }) : () -> ()
    %add3A_13 = arith.constant 384 : i32
    %add3A_14 = arith.addi %mul3A_6, %add3A_13 : i32
    "tpu.region"() ({
      %run_scoped3A = tpu.sem_alloc : memref<!tpu.dma_semaphore, #tpu.memory_space<semaphore_mem>>
      %dma_start3A = arith.constant 0 : i32
      %dma_start3A_33 = arith.constant 0 : i32
      %dma_start3A_34 = tpu.memref_slice %arg5[%dma_start3A, %dma_start3A_33] : memref<128x128xf32, #tpu.memory_space<vmem>> -> memref<128x128xf32, #tpu.memory_space<vmem>>
      %dma_start3A_35 = arith.constant 0 : i32
      %dma_start3A_36 = tpu.memref_slice %arg6[%add3A_14, %dma_start3A_35] : memref<10112x128xf32, #tpu.memory_space<vmem_shared>> -> memref<128x128xf32, #tpu.memory_space<vmem_shared>>
      %dma_start3A_37 = arith.constant 0 : i32
      %dma_start3A_38 = tpu.memref_slice %arg6[%add3A_14, %dma_start3A_37] : memref<10112x128xf32, #tpu.memory_space<vmem_shared>> -> memref<128x128xf32, #tpu.memory_space<vmem_shared>>
      %dma_start3A_39 = arith.constant 0 : i32
      %dma_start3A_40 = arith.constant 0 : i32
      %dma_start3A_41 = tpu.memref_slice %arg5[%dma_start3A_39, %dma_start3A_40] : memref<128x128xf32, #tpu.memory_space<vmem>> -> memref<128x128xf32, #tpu.memory_space<vmem>>
      tpu.enqueue_dma source(%dma_start3A_41 : memref<128x128xf32, #tpu.memory_space<vmem>>) target(%dma_start3A_38 : memref<128x128xf32, #tpu.memory_space<vmem_shared>>) target_semaphore(%run_scoped3A : memref<!tpu.dma_semaphore, #tpu.memory_space<semaphore_mem>>)
      %dma_wait3A = arith.constant 0 : i32
      %dma_wait3A_42 = arith.constant 0 : i32
      %dma_wait3A_43 = tpu.memref_slice %arg5[%dma_wait3A, %dma_wait3A_42] : memref<128x128xf32, #tpu.memory_space<vmem>> -> memref<128x128xf32, #tpu.memory_space<vmem>>
      %dma_wait3A_44 = arith.constant 0 : i32
      %dma_wait3A_45 = tpu.memref_slice %arg6[%add3A_14, %dma_wait3A_44] : memref<10112x128xf32, #tpu.memory_space<vmem_shared>> -> memref<128x128xf32, #tpu.memory_space<vmem_shared>>
      %dma_wait3A_46 = arith.constant 0 : i32
      %dma_wait3A_47 = tpu.memref_slice %arg6[%add3A_14, %dma_wait3A_46] : memref<10112x128xf32, #tpu.memory_space<vmem_shared>> -> memref<128x128xf32, #tpu.memory_space<vmem_shared>>
      %dma_wait3A_48 = arith.constant 0 : i32
      %dma_wait3A_49 = arith.constant 0 : i32
      %dma_wait3A_50 = tpu.memref_slice %arg5[%dma_wait3A_48, %dma_wait3A_49] : memref<128x128xf32, #tpu.memory_space<vmem>> -> memref<128x128xf32, #tpu.memory_space<vmem>>
      tpu.wait_dma2 semaphore(%run_scoped3A : memref<!tpu.dma_semaphore, #tpu.memory_space<semaphore_mem>>) src(%dma_wait3A_50 : memref<128x128xf32, #tpu.memory_space<vmem>>) dst(%dma_wait3A_47 : memref<128x128xf32, #tpu.memory_space<vmem_shared>>)
      tpu.yield
    }) : () -> ()
    %add3A_15 = arith.constant 512 : i32
    %add3A_16 = arith.addi %mul3A_6, %add3A_15 : i32
    "tpu.region"() ({
      %run_scoped3A = tpu.sem_alloc : memref<!tpu.dma_semaphore, #tpu.memory_space<semaphore_mem>>
      %dma_start3A = arith.constant 0 : i32
      %dma_start3A_33 = arith.constant 0 : i32
      %dma_start3A_34 = tpu.memref_slice %arg5[%dma_start3A, %dma_start3A_33] : memref<128x128xf32, #tpu.memory_space<vmem>> -> memref<120x128xf32, #tpu.memory_space<vmem>>
      %dma_start3A_35 = arith.constant 0 : i32
      %dma_start3A_36 = tpu.memref_slice %arg6[%add3A_16, %dma_start3A_35] : memref<10112x128xf32, #tpu.memory_space<vmem_shared>> -> memref<120x128xf32, #tpu.memory_space<vmem_shared>>
      %dma_start3A_37 = arith.constant 0 : i32
      %dma_start3A_38 = tpu.memref_slice %arg6[%add3A_16, %dma_start3A_37] : memref<10112x128xf32, #tpu.memory_space<vmem_shared>> -> memref<120x128xf32, #tpu.memory_space<vmem_shared>>
      %dma_start3A_39 = arith.constant 0 : i32
      %dma_start3A_40 = arith.constant 0 : i32
      %dma_start3A_41 = tpu.memref_slice %arg5[%dma_start3A_39, %dma_start3A_40] : memref<128x128xf32, #tpu.memory_space<vmem>> -> memref<120x128xf32, #tpu.memory_space<vmem>>
      tpu.enqueue_dma source(%dma_start3A_41 : memref<120x128xf32, #tpu.memory_space<vmem>>) target(%dma_start3A_38 : memref<120x128xf32, #tpu.memory_space<vmem_shared>>) target_semaphore(%run_scoped3A : memref<!tpu.dma_semaphore, #tpu.memory_space<semaphore_mem>>)
      %dma_wait3A = arith.constant 0 : i32
      %dma_wait3A_42 = arith.constant 0 : i32
      %dma_wait3A_43 = tpu.memref_slice %arg5[%dma_wait3A, %dma_wait3A_42] : memref<128x128xf32, #tpu.memory_space<vmem>> -> memref<120x128xf32, #tpu.memory_space<vmem>>
      %dma_wait3A_44 = arith.constant 0 : i32
      %dma_wait3A_45 = tpu.memref_slice %arg6[%add3A_16, %dma_wait3A_44] : memref<10112x128xf32, #tpu.memory_space<vmem_shared>> -> memref<120x128xf32, #tpu.memory_space<vmem_shared>>
      %dma_wait3A_46 = arith.constant 0 : i32
      %dma_wait3A_47 = tpu.memref_slice %arg6[%add3A_16, %dma_wait3A_46] : memref<10112x128xf32, #tpu.memory_space<vmem_shared>> -> memref<120x128xf32, #tpu.memory_space<vmem_shared>>
      %dma_wait3A_48 = arith.constant 0 : i32
      %dma_wait3A_49 = arith.constant 0 : i32
      %dma_wait3A_50 = tpu.memref_slice %arg5[%dma_wait3A_48, %dma_wait3A_49] : memref<128x128xf32, #tpu.memory_space<vmem>> -> memref<120x128xf32, #tpu.memory_space<vmem>>
      tpu.wait_dma2 semaphore(%run_scoped3A : memref<!tpu.dma_semaphore, #tpu.memory_space<semaphore_mem>>) src(%dma_wait3A_50 : memref<120x128xf32, #tpu.memory_space<vmem>>) dst(%dma_wait3A_47 : memref<120x128xf32, #tpu.memory_space<vmem_shared>>)
      tpu.yield
    }) : () -> ()
    %scan3A_17 = arith.constant 0 : i32
    %scan3A_18 = arith.constant 1024 : i32
    %scan3A_19 = arith.addi %scan3A_17, %scan3A_18 : i32
    %scan3A_20 = arith.constant 1 : i32
    scf.for %scan3A_33 = %scan3A_17 to %scan3A_19 step %scan3A_20  : i32 {
      %jit3A = arith.constant 8 : i32
      %div3A = arith.divsi %scan3A_33, %jit3A : i32
      %sign3A = arith.constant 0 : i32
      %sign3A_34 = arith.cmpi sgt, %scan3A_33, %sign3A : i32
      %sign3A_35 = arith.extui %sign3A_34 : i1 to i32
      %sign3A_36 = arith.constant 0 : i32
      %sign3A_37 = arith.cmpi slt, %scan3A_33, %sign3A_36 : i32
      %sign3A_38 = arith.extui %sign3A_37 : i1 to i32
      %sign3A_39 = arith.subi %sign3A_35, %sign3A_38 : i32
      %sign3A_40 = arith.constant 0 : i32
      %sign3A_41 = arith.cmpi sgt, %jit3A, %sign3A_40 : i32
      %sign3A_42 = arith.extui %sign3A_41 : i1 to i32
      %sign3A_43 = arith.constant 0 : i32
      %sign3A_44 = arith.cmpi slt, %jit3A, %sign3A_43 : i32
      %sign3A_45 = arith.extui %sign3A_44 : i1 to i32
      %sign3A_46 = arith.subi %sign3A_42, %sign3A_45 : i32
      %ne3A = arith.cmpi ne, %sign3A_39, %sign3A_46 : i32
      %rem3A = arith.remsi %scan3A_33, %jit3A : i32
      %ne3A_47 = arith.constant 0 : i32
      %ne3A_48 = arith.cmpi ne, %rem3A, %ne3A_47 : i32
      %and3A = arith.andi %ne3A, %ne3A_48 : i1
      %sub3A = arith.constant 1 : i32
      %sub3A_49 = arith.subi %div3A, %sub3A : i32
      %select_n3A = arith.select %and3A, %sub3A_49, %div3A : i32
      %jit3A_50 = arith.constant 8 : i32
      %eq3A = arith.constant 0 : i32
      %eq3A_51 = arith.cmpi eq, %jit3A_50, %eq3A : i32
      %jit3A_52 = arith.constant 1 : i32
      %select_n3A_53 = arith.select %eq3A_51, %jit3A_52, %jit3A_50 : i32
      %rem3A_54 = arith.remsi %scan3A_33, %select_n3A_53 : i32
      %ne3A_55 = arith.constant 0 : i32
      %ne3A_56 = arith.cmpi ne, %rem3A_54, %ne3A_55 : i32
      %lt3A = arith.constant 0 : i32
      %lt3A_57 = arith.cmpi slt, %rem3A_54, %lt3A : i32
      %lt3A_58 = arith.constant 0 : i32
      %lt3A_59 = arith.cmpi slt, %select_n3A_53, %lt3A_58 : i32
      %ne3A_60 = arith.xori %lt3A_57, %lt3A_59 : i1
      %and3A_61 = arith.andi %ne3A_60, %ne3A_56 : i1
      %add3A_62 = arith.addi %rem3A_54, %select_n3A_53 : i32
      %select_n3A_63 = arith.select %and3A_61, %add3A_62, %rem3A_54 : i32
      %broadcast_in_dim3A = arith.constant 1.000000e+00 : f32
      %broadcast_in_dim3A_64 = vector.broadcast %broadcast_in_dim3A : f32 to vector<16xf32>
      %mul3A_65 = arith.constant 16 : i32
      %mul3A_66 = arith.muli %select_n3A_63, %mul3A_65 : i32
      %swap3A = arith.index_cast %select_n3A : i32 to index
      %swap3A_67 = arith.index_cast %mul3A_66 : i32 to index
      %swap3A_68 = tpu.vector_load %arg5[%swap3A, %swap3A_67] {strides = array<i32>} : memref<128x128xf32, #tpu.memory_space<vmem>>, vector<1x16xf32>,
      %swap3A_69 = vector.shape_cast %swap3A_68 : vector<1x16xf32> to vector<16xf32>
      %swap3A_70 = vector.shape_cast %broadcast_in_dim3A_64 : vector<16xf32> to vector<1x16xf32>
      tpu.vector_store %arg5[%swap3A, %swap3A_67], %swap3A_70 {strides = array<i32>} : memref<128x128xf32, #tpu.memory_space<vmem>>, vector<1x16xf32>,
    }
    %scan3A_21 = arith.constant 1024 : i32
    "tpu.region"() ({
      %run_scoped3A = tpu.sem_alloc : memref<!tpu.dma_semaphore, #tpu.memory_space<semaphore_mem>>
      %dma_start3A = arith.constant 0 : i32
      %dma_start3A_33 = arith.constant 0 : i32
      %dma_start3A_34 = tpu.memref_slice %arg2[%add3A, %dma_start3A, %dma_start3A_33] : memref<32x79x128xi32, #tpu.memory_space<hbm>> -> memref<1x79x128xi32, #tpu.memory_space<hbm>>
      %dma_start3A_35 = tpu.memref_squeeze %dma_start3A_34 : memref<1x79x128xi32, #tpu.memory_space<hbm>> -> memref<79x128xi32, #tpu.memory_space<hbm>>
      %dma_start3A_36 = arith.constant 0 : i32
      %dma_start3A_37 = arith.constant 0 : i32
      %dma_start3A_38 = tpu.memref_slice %arg2[%add3A, %dma_start3A_36, %dma_start3A_37] : memref<32x79x128xi32, #tpu.memory_space<hbm>> -> memref<1x79x128xi32, #tpu.memory_space<hbm>>
      %dma_start3A_39 = tpu.memref_squeeze %dma_start3A_38 : memref<1x79x128xi32, #tpu.memory_space<hbm>> -> memref<79x128xi32, #tpu.memory_space<hbm>>
      tpu.enqueue_dma source(%dma_start3A_39 : memref<79x128xi32, #tpu.memory_space<hbm>>) target(%arg4 : memref<79x128xi32, #tpu.memory_space<vmem>>) target_semaphore(%run_scoped3A : memref<!tpu.dma_semaphore, #tpu.memory_space<semaphore_mem>>)
      %dma_wait3A = arith.constant 0 : i32
      %dma_wait3A_40 = arith.constant 0 : i32
      %dma_wait3A_41 = tpu.memref_slice %arg2[%add3A, %dma_wait3A, %dma_wait3A_40] : memref<32x79x128xi32, #tpu.memory_space<hbm>> -> memref<1x79x128xi32, #tpu.memory_space<hbm>>
      %dma_wait3A_42 = tpu.memref_squeeze %dma_wait3A_41 : memref<1x79x128xi32, #tpu.memory_space<hbm>> -> memref<79x128xi32, #tpu.memory_space<hbm>>
      %dma_wait3A_43 = arith.constant 0 : i32
      %dma_wait3A_44 = arith.constant 0 : i32
      %dma_wait3A_45 = tpu.memref_slice %arg2[%add3A, %dma_wait3A_43, %dma_wait3A_44] : memref<32x79x128xi32, #tpu.memory_space<hbm>> -> memref<1x79x128xi32, #tpu.memory_space<hbm>>
      %dma_wait3A_46 = tpu.memref_squeeze %dma_wait3A_45 : memref<1x79x128xi32, #tpu.memory_space<hbm>> -> memref<79x128xi32, #tpu.memory_space<hbm>>
      tpu.wait_dma2 semaphore(%run_scoped3A : memref<!tpu.dma_semaphore, #tpu.memory_space<semaphore_mem>>) src(%dma_wait3A_46 : memref<79x128xi32, #tpu.memory_space<hbm>>) dst(%arg4 : memref<79x128xi32, #tpu.memory_space<vmem>>)
      tpu.yield
    }) : () -> ()
    %barrier3A = arith.constant 0 : index
    tpu.barrier barrier_id(%barrier3A)
    %scan3A_22 = arith.constant 0 : i32
    %scan3A_23 = arith.constant 79 : i32
    %scan3A_24 = arith.addi %scan3A_22, %scan3A_23 : i32
    %scan3A_25 = arith.constant 1 : i32
    scf.for %scan3A_33 = %scan3A_22 to %scan3A_24 step %scan3A_25  : i32 {
      %dma_start3A = arith.constant 0 : i32
      %dma_start3A_34 = tpu.memref_slice %arg4[%scan3A_33, %dma_start3A] : memref<79x128xi32, #tpu.memory_space<vmem>> -> memref<1x128xi32, #tpu.memory_space<vmem>>
      %dma_start3A_35 = tpu.memref_squeeze %dma_start3A_34 : memref<1x128xi32, #tpu.memory_space<vmem>> -> memref<128xi32, #tpu.memory_space<vmem>>
      %dma_start3A_36 = arith.constant 0 : i32
      %dma_start3A_37 = arith.constant 0 : i32
      %dma_start3A_38 = tpu.memref_slice %arg6[%dma_start3A_36, %dma_start3A_37] : memref<10112x128xf32, #tpu.memory_space<vmem_shared>> -> memref<10112x128xf32, #tpu.memory_space<vmem_shared>>
      tpu.enqueue_indirect_dma source(%arg5 : memref<128x128xf32, #tpu.memory_space<vmem>>) target(%dma_start3A_38 : memref<10112x128xf32, #tpu.memory_space<vmem_shared>>) offsets(%dma_start3A_35 : memref<128xi32, #tpu.memory_space<vmem>>) semaphore(%arg7 : memref<!tpu.dma_semaphore, #tpu.memory_space<semaphore_mem>>) {add = true}
    }
    %scan3A_26 = arith.constant 79 : i32
    %scan3A_27 = arith.constant 0 : i32
    %scan3A_28 = arith.constant 79 : i32
    %scan3A_29 = arith.addi %scan3A_27, %scan3A_28 : i32
    %scan3A_30 = arith.constant 1 : i32
    scf.for %scan3A_33 = %scan3A_27 to %scan3A_29 step %scan3A_30  : i32 {
      %dma_wait3A = arith.constant 0 : i32
      %dma_wait3A_34 = arith.constant 0 : i32
      %dma_wait3A_35 = tpu.memref_slice %arg6[%dma_wait3A, %dma_wait3A_34] : memref<10112x128xf32, #tpu.memory_space<vmem_shared>> -> memref<128x128xf32, #tpu.memory_space<vmem_shared>>
      %dma_wait3A_36 = arith.constant 0 : i32
      %dma_wait3A_37 = arith.constant 0 : i32
      %dma_wait3A_38 = tpu.memref_slice %arg6[%dma_wait3A_36, %dma_wait3A_37] : memref<10112x128xf32, #tpu.memory_space<vmem_shared>> -> memref<128x128xf32, #tpu.memory_space<vmem_shared>>
      tpu.wait_dma2 semaphore(%arg7 : memref<!tpu.dma_semaphore, #tpu.memory_space<semaphore_mem>>) src(%arg5 : memref<128x128xf32, #tpu.memory_space<vmem>>) dst(%dma_wait3A_38 : memref<128x128xf32, #tpu.memory_space<vmem_shared>>)
    }
    %scan3A_31 = arith.constant 79 : i32
    %barrier3A_32 = arith.constant 0 : index
    tpu.barrier barrier_id(%barrier3A_32)
    "tpu.region"() ({
      %run_scoped3A = tpu.sem_alloc : memref<!tpu.dma_semaphore, #tpu.memory_space<semaphore_mem>>
      %dma_start3A = arith.constant 0 : i32
      %dma_start3A_33 = tpu.memref_slice %arg3[%arg0, %mul3A_6, %dma_start3A] : memref<2x10112x128xf32, #tpu.memory_space<hbm>> -> memref<1x632x128xf32, #tpu.memory_space<hbm>>
      %dma_start3A_34 = tpu.memref_squeeze %dma_start3A_33 : memref<1x632x128xf32, #tpu.memory_space<hbm>> -> memref<632x128xf32, #tpu.memory_space<hbm>>
      %dma_start3A_35 = arith.constant 0 : i32
      %dma_start3A_36 = tpu.memref_slice %arg6[%mul3A_6, %dma_start3A_35] : memref<10112x128xf32, #tpu.memory_space<vmem_shared>> -> memref<632x128xf32, #tpu.memory_space<vmem_shared>>
      tpu.enqueue_dma source(%dma_start3A_36 : memref<632x128xf32, #tpu.memory_space<vmem_shared>>) target(%dma_start3A_34 : memref<632x128xf32, #tpu.memory_space<hbm>>) target_semaphore(%run_scoped3A : memref<!tpu.dma_semaphore, #tpu.memory_space<semaphore_mem>>)
      %dma_wait3A = arith.constant 0 : i32
      %dma_wait3A_37 = tpu.memref_slice %arg3[%arg0, %mul3A_6, %dma_wait3A] : memref<2x10112x128xf32, #tpu.memory_space<hbm>> -> memref<1x632x128xf32, #tpu.memory_space<hbm>>
      %dma_wait3A_38 = tpu.memref_squeeze %dma_wait3A_37 : memref<1x632x128xf32, #tpu.memory_space<hbm>> -> memref<632x128xf32, #tpu.memory_space<hbm>>
      %dma_wait3A_39 = arith.constant 0 : i32
      %dma_wait3A_40 = tpu.memref_slice %arg6[%mul3A_6, %dma_wait3A_39] : memref<10112x128xf32, #tpu.memory_space<vmem_shared>> -> memref<632x128xf32, #tpu.memory_space<vmem_shared>>
      tpu.wait_dma2 semaphore(%run_scoped3A : memref<!tpu.dma_semaphore, #tpu.memory_space<semaphore_mem>>) src(%dma_wait3A_40 : memref<632x128xf32, #tpu.memory_space<vmem_shared>>) dst(%dma_wait3A_38 : memref<632x128xf32, #tpu.memory_space<hbm>>)
      tpu.yield
    }) : () -> ()
    return
  }
}

#map = affine_map<(d0, d1) -> (0, 0)>
#map1 = affine_map<(d0, d1) -> (0)>
#map2 = affine_map<(d0, d1) -> (0, 0, 0)>
module attributes {stable_mosaic.version = 14 : i64} {
  func.func @_sc_agg_body(%arg0: i32, %arg1: i32, %arg2: memref<10000x128xf32, #tpu.memory_space<hbm>>, %arg3: memref<322560xi32, #tpu.memory_space<hbm>>, %arg4: memref<322560xi32, #tpu.memory_space<hbm>>, %arg5: memref<2x10112x128xf32, #tpu.memory_space<hbm>>, %arg6: memref<112xi32, #tpu.memory_space<vmem>>, %arg7: memref<112xi32, #tpu.memory_space<vmem>>, %arg8: memref<112xi32, #tpu.memory_space<vmem>>, %arg9: memref<112xi32, #tpu.memory_space<vmem>>, %arg10: memref<112x128xf32, #tpu.memory_space<vmem>>, %arg11: memref<112x128xf32, #tpu.memory_space<vmem>>, %arg12: memref<10112x128xf32, #tpu.memory_space<vmem_shared>>, %arg13: memref<!tpu.dma_semaphore, #tpu.memory_space<semaphore_mem>>, %arg14: memref<!tpu.dma_semaphore, #tpu.memory_space<semaphore_mem>>, %arg15: memref<!tpu.dma_semaphore, #tpu.memory_space<semaphore_mem>>, %arg16: memref<!tpu.dma_semaphore, #tpu.memory_space<semaphore_mem>>, %arg17: memref<!tpu.dma_semaphore, #tpu.memory_space<semaphore_mem>>, %arg18: memref<!tpu.dma_semaphore, #tpu.memory_space<semaphore_mem>>) attributes {dimension_semantics = [#tpu.dimension_semantics<core_parallel>, #tpu.dimension_semantics<subcore_parallel>], iteration_bounds = array<i64: 2, 16>, scalar_prefetch = 0 : i64, scratch_operands = 13 : i64, tpu.core_type = #tpu.core_type<sc_vector_subcore>, window_params = [{transform_indices = #map}, {transform_indices = #map1}, {transform_indices = #map1}, {transform_indices = #map2}]} {
    %eq3A = arith.constant 0 : i32
    %eq3A_0 = arith.cmpi eq, %arg0, %eq3A : i32
    %mul3A = arith.constant 120 : i32
    %mul3A_1 = arith.muli %arg1, %mul3A : i32
    %mul3A_2 = arith.constant 60 : i32
    %mul3A_3 = arith.muli %arg1, %mul3A_2 : i32
    %add3A = arith.constant 1920 : i32
    %add3A_4 = arith.addi %add3A, %mul3A_3 : i32
    %select_n3A = arith.select %eq3A_0, %mul3A_1, %add3A_4 : i32
    %eq3A_5 = arith.constant 0 : i32
    %eq3A_6 = arith.cmpi eq, %arg0, %eq3A_5 : i32
    %jit3A = arith.constant 120 : i32
    %jit3A_7 = arith.constant 60 : i32
    %select_n3A_8 = arith.select %eq3A_6, %jit3A, %jit3A_7 : i32
    %scan3A = arith.constant 0 : i32
    %scan3A_9 = arith.constant 896 : i32
    %scan3A_10 = arith.addi %scan3A, %scan3A_9 : i32
    %scan3A_11 = arith.constant 1 : i32
    scf.for %scan3A_104 = %scan3A to %scan3A_10 step %scan3A_11  : i32 {
      %jit3A_105 = arith.constant 8 : i32
      %div3A_106 = arith.divsi %scan3A_104, %jit3A_105 : i32
      %sign3A_107 = arith.constant 0 : i32
      %sign3A_108 = arith.cmpi sgt, %scan3A_104, %sign3A_107 : i32
      %sign3A_109 = arith.extui %sign3A_108 : i1 to i32
      %sign3A_110 = arith.constant 0 : i32
      %sign3A_111 = arith.cmpi slt, %scan3A_104, %sign3A_110 : i32
      %sign3A_112 = arith.extui %sign3A_111 : i1 to i32
      %sign3A_113 = arith.subi %sign3A_109, %sign3A_112 : i32
      %sign3A_114 = arith.constant 0 : i32
      %sign3A_115 = arith.cmpi sgt, %jit3A_105, %sign3A_114 : i32
      %sign3A_116 = arith.extui %sign3A_115 : i1 to i32
      %sign3A_117 = arith.constant 0 : i32
      %sign3A_118 = arith.cmpi slt, %jit3A_105, %sign3A_117 : i32
      %sign3A_119 = arith.extui %sign3A_118 : i1 to i32
      %sign3A_120 = arith.subi %sign3A_116, %sign3A_119 : i32
      %ne3A_121 = arith.cmpi ne, %sign3A_113, %sign3A_120 : i32
      %rem3A_122 = arith.remsi %scan3A_104, %jit3A_105 : i32
      %ne3A_123 = arith.constant 0 : i32
      %ne3A_124 = arith.cmpi ne, %rem3A_122, %ne3A_123 : i32
      %and3A_125 = arith.andi %ne3A_121, %ne3A_124 : i1
      %sub3A_126 = arith.constant 1 : i32
      %sub3A_127 = arith.subi %div3A_106, %sub3A_126 : i32
      %select_n3A_128 = arith.select %and3A_125, %sub3A_127, %div3A_106 : i32
      %jit3A_129 = arith.constant 8 : i32
      %eq3A_130 = arith.constant 0 : i32
      %eq3A_131 = arith.cmpi eq, %jit3A_129, %eq3A_130 : i32
      %jit3A_132 = arith.constant 1 : i32
      %select_n3A_133 = arith.select %eq3A_131, %jit3A_132, %jit3A_129 : i32
      %rem3A_134 = arith.remsi %scan3A_104, %select_n3A_133 : i32
      %ne3A_135 = arith.constant 0 : i32
      %ne3A_136 = arith.cmpi ne, %rem3A_134, %ne3A_135 : i32
      %lt3A = arith.constant 0 : i32
      %lt3A_137 = arith.cmpi slt, %rem3A_134, %lt3A : i32
      %lt3A_138 = arith.constant 0 : i32
      %lt3A_139 = arith.cmpi slt, %select_n3A_133, %lt3A_138 : i32
      %ne3A_140 = arith.xori %lt3A_137, %lt3A_139 : i1
      %and3A_141 = arith.andi %ne3A_140, %ne3A_136 : i1
      %add3A_142 = arith.addi %rem3A_134, %select_n3A_133 : i32
      %select_n3A_143 = arith.select %and3A_141, %add3A_142, %rem3A_134 : i32
      %broadcast_in_dim3A = arith.constant 0.000000e+00 : f32
      %broadcast_in_dim3A_144 = vector.broadcast %broadcast_in_dim3A : f32 to vector<16xf32>
      %mul3A_145 = arith.constant 16 : i32
      %mul3A_146 = arith.muli %select_n3A_143, %mul3A_145 : i32
      %swap3A = arith.index_cast %select_n3A_128 : i32 to index
      %swap3A_147 = arith.index_cast %mul3A_146 : i32 to index
      %swap3A_148 = tpu.vector_load %arg10[%swap3A, %swap3A_147] {strides = array<i32>} : memref<112x128xf32, #tpu.memory_space<vmem>>, vector<1x16xf32>,
      %swap3A_149 = vector.shape_cast %swap3A_148 : vector<1x16xf32> to vector<16xf32>
      %swap3A_150 = vector.shape_cast %broadcast_in_dim3A_144 : vector<16xf32> to vector<1x16xf32>
      tpu.vector_store %arg10[%swap3A, %swap3A_147], %swap3A_150 {strides = array<i32>} : memref<112x128xf32, #tpu.memory_space<vmem>>, vector<1x16xf32>,
    }
    %scan3A_12 = arith.constant 896 : i32
    %mul3A_13 = arith.constant 632 : i32
    %mul3A_14 = arith.muli %arg1, %mul3A_13 : i32
    %add3A_15 = arith.constant 0 : i32
    %add3A_16 = arith.addi %mul3A_14, %add3A_15 : i32
    "tpu.region"() ({
      %run_scoped3A = tpu.sem_alloc : memref<!tpu.dma_semaphore, #tpu.memory_space<semaphore_mem>>
      %dma_start3A_104 = arith.constant 0 : i32
      %dma_start3A_105 = arith.constant 0 : i32
      %dma_start3A_106 = tpu.memref_slice %arg10[%dma_start3A_104, %dma_start3A_105] : memref<112x128xf32, #tpu.memory_space<vmem>> -> memref<112x128xf32, #tpu.memory_space<vmem>>
      %dma_start3A_107 = arith.constant 0 : i32
      %dma_start3A_108 = tpu.memref_slice %arg12[%add3A_16, %dma_start3A_107] : memref<10112x128xf32, #tpu.memory_space<vmem_shared>> -> memref<112x128xf32, #tpu.memory_space<vmem_shared>>
      %dma_start3A_109 = arith.constant 0 : i32
      %dma_start3A_110 = tpu.memref_slice %arg12[%add3A_16, %dma_start3A_109] : memref<10112x128xf32, #tpu.memory_space<vmem_shared>> -> memref<112x128xf32, #tpu.memory_space<vmem_shared>>
      %dma_start3A_111 = arith.constant 0 : i32
      %dma_start3A_112 = arith.constant 0 : i32
      %dma_start3A_113 = tpu.memref_slice %arg10[%dma_start3A_111, %dma_start3A_112] : memref<112x128xf32, #tpu.memory_space<vmem>> -> memref<112x128xf32, #tpu.memory_space<vmem>>
      tpu.enqueue_dma source(%dma_start3A_113 : memref<112x128xf32, #tpu.memory_space<vmem>>) target(%dma_start3A_110 : memref<112x128xf32, #tpu.memory_space<vmem_shared>>) target_semaphore(%run_scoped3A : memref<!tpu.dma_semaphore, #tpu.memory_space<semaphore_mem>>)
      %dma_wait3A_114 = arith.constant 0 : i32
      %dma_wait3A_115 = arith.constant 0 : i32
      %dma_wait3A_116 = tpu.memref_slice %arg10[%dma_wait3A_114, %dma_wait3A_115] : memref<112x128xf32, #tpu.memory_space<vmem>> -> memref<112x128xf32, #tpu.memory_space<vmem>>
      %dma_wait3A_117 = arith.constant 0 : i32
      %dma_wait3A_118 = tpu.memref_slice %arg12[%add3A_16, %dma_wait3A_117] : memref<10112x128xf32, #tpu.memory_space<vmem_shared>> -> memref<112x128xf32, #tpu.memory_space<vmem_shared>>
      %dma_wait3A_119 = arith.constant 0 : i32
      %dma_wait3A_120 = tpu.memref_slice %arg12[%add3A_16, %dma_wait3A_119] : memref<10112x128xf32, #tpu.memory_space<vmem_shared>> -> memref<112x128xf32, #tpu.memory_space<vmem_shared>>
      %dma_wait3A_121 = arith.constant 0 : i32
      %dma_wait3A_122 = arith.constant 0 : i32
      %dma_wait3A_123 = tpu.memref_slice %arg10[%dma_wait3A_121, %dma_wait3A_122] : memref<112x128xf32, #tpu.memory_space<vmem>> -> memref<112x128xf32, #tpu.memory_space<vmem>>
      tpu.wait_dma2 semaphore(%run_scoped3A : memref<!tpu.dma_semaphore, #tpu.memory_space<semaphore_mem>>) src(%dma_wait3A_123 : memref<112x128xf32, #tpu.memory_space<vmem>>) dst(%dma_wait3A_120 : memref<112x128xf32, #tpu.memory_space<vmem_shared>>)
      tpu.yield
    }) : () -> ()
    %add3A_17 = arith.constant 112 : i32
    %add3A_18 = arith.addi %mul3A_14, %add3A_17 : i32
    "tpu.region"() ({
      %run_scoped3A = tpu.sem_alloc : memref<!tpu.dma_semaphore, #tpu.memory_space<semaphore_mem>>
      %dma_start3A_104 = arith.constant 0 : i32
      %dma_start3A_105 = arith.constant 0 : i32
      %dma_start3A_106 = tpu.memref_slice %arg10[%dma_start3A_104, %dma_start3A_105] : memref<112x128xf32, #tpu.memory_space<vmem>> -> memref<112x128xf32, #tpu.memory_space<vmem>>
      %dma_start3A_107 = arith.constant 0 : i32
      %dma_start3A_108 = tpu.memref_slice %arg12[%add3A_18, %dma_start3A_107] : memref<10112x128xf32, #tpu.memory_space<vmem_shared>> -> memref<112x128xf32, #tpu.memory_space<vmem_shared>>
      %dma_start3A_109 = arith.constant 0 : i32
      %dma_start3A_110 = tpu.memref_slice %arg12[%add3A_18, %dma_start3A_109] : memref<10112x128xf32, #tpu.memory_space<vmem_shared>> -> memref<112x128xf32, #tpu.memory_space<vmem_shared>>
      %dma_start3A_111 = arith.constant 0 : i32
      %dma_start3A_112 = arith.constant 0 : i32
      %dma_start3A_113 = tpu.memref_slice %arg10[%dma_start3A_111, %dma_start3A_112] : memref<112x128xf32, #tpu.memory_space<vmem>> -> memref<112x128xf32, #tpu.memory_space<vmem>>
      tpu.enqueue_dma source(%dma_start3A_113 : memref<112x128xf32, #tpu.memory_space<vmem>>) target(%dma_start3A_110 : memref<112x128xf32, #tpu.memory_space<vmem_shared>>) target_semaphore(%run_scoped3A : memref<!tpu.dma_semaphore, #tpu.memory_space<semaphore_mem>>)
      %dma_wait3A_114 = arith.constant 0 : i32
      %dma_wait3A_115 = arith.constant 0 : i32
      %dma_wait3A_116 = tpu.memref_slice %arg10[%dma_wait3A_114, %dma_wait3A_115] : memref<112x128xf32, #tpu.memory_space<vmem>> -> memref<112x128xf32, #tpu.memory_space<vmem>>
      %dma_wait3A_117 = arith.constant 0 : i32
      %dma_wait3A_118 = tpu.memref_slice %arg12[%add3A_18, %dma_wait3A_117] : memref<10112x128xf32, #tpu.memory_space<vmem_shared>> -> memref<112x128xf32, #tpu.memory_space<vmem_shared>>
      %dma_wait3A_119 = arith.constant 0 : i32
      %dma_wait3A_120 = tpu.memref_slice %arg12[%add3A_18, %dma_wait3A_119] : memref<10112x128xf32, #tpu.memory_space<vmem_shared>> -> memref<112x128xf32, #tpu.memory_space<vmem_shared>>
      %dma_wait3A_121 = arith.constant 0 : i32
      %dma_wait3A_122 = arith.constant 0 : i32
      %dma_wait3A_123 = tpu.memref_slice %arg10[%dma_wait3A_121, %dma_wait3A_122] : memref<112x128xf32, #tpu.memory_space<vmem>> -> memref<112x128xf32, #tpu.memory_space<vmem>>
      tpu.wait_dma2 semaphore(%run_scoped3A : memref<!tpu.dma_semaphore, #tpu.memory_space<semaphore_mem>>) src(%dma_wait3A_123 : memref<112x128xf32, #tpu.memory_space<vmem>>) dst(%dma_wait3A_120 : memref<112x128xf32, #tpu.memory_space<vmem_shared>>)
      tpu.yield
    }) : () -> ()
    %add3A_19 = arith.constant 224 : i32
    %add3A_20 = arith.addi %mul3A_14, %add3A_19 : i32
    "tpu.region"() ({
      %run_scoped3A = tpu.sem_alloc : memref<!tpu.dma_semaphore, #tpu.memory_space<semaphore_mem>>
      %dma_start3A_104 = arith.constant 0 : i32
      %dma_start3A_105 = arith.constant 0 : i32
      %dma_start3A_106 = tpu.memref_slice %arg10[%dma_start3A_104, %dma_start3A_105] : memref<112x128xf32, #tpu.memory_space<vmem>> -> memref<112x128xf32, #tpu.memory_space<vmem>>
      %dma_start3A_107 = arith.constant 0 : i32
      %dma_start3A_108 = tpu.memref_slice %arg12[%add3A_20, %dma_start3A_107] : memref<10112x128xf32, #tpu.memory_space<vmem_shared>> -> memref<112x128xf32, #tpu.memory_space<vmem_shared>>
      %dma_start3A_109 = arith.constant 0 : i32
      %dma_start3A_110 = tpu.memref_slice %arg12[%add3A_20, %dma_start3A_109] : memref<10112x128xf32, #tpu.memory_space<vmem_shared>> -> memref<112x128xf32, #tpu.memory_space<vmem_shared>>
      %dma_start3A_111 = arith.constant 0 : i32
      %dma_start3A_112 = arith.constant 0 : i32
      %dma_start3A_113 = tpu.memref_slice %arg10[%dma_start3A_111, %dma_start3A_112] : memref<112x128xf32, #tpu.memory_space<vmem>> -> memref<112x128xf32, #tpu.memory_space<vmem>>
      tpu.enqueue_dma source(%dma_start3A_113 : memref<112x128xf32, #tpu.memory_space<vmem>>) target(%dma_start3A_110 : memref<112x128xf32, #tpu.memory_space<vmem_shared>>) target_semaphore(%run_scoped3A : memref<!tpu.dma_semaphore, #tpu.memory_space<semaphore_mem>>)
      %dma_wait3A_114 = arith.constant 0 : i32
      %dma_wait3A_115 = arith.constant 0 : i32
      %dma_wait3A_116 = tpu.memref_slice %arg10[%dma_wait3A_114, %dma_wait3A_115] : memref<112x128xf32, #tpu.memory_space<vmem>> -> memref<112x128xf32, #tpu.memory_space<vmem>>
      %dma_wait3A_117 = arith.constant 0 : i32
      %dma_wait3A_118 = tpu.memref_slice %arg12[%add3A_20, %dma_wait3A_117] : memref<10112x128xf32, #tpu.memory_space<vmem_shared>> -> memref<112x128xf32, #tpu.memory_space<vmem_shared>>
      %dma_wait3A_119 = arith.constant 0 : i32
      %dma_wait3A_120 = tpu.memref_slice %arg12[%add3A_20, %dma_wait3A_119] : memref<10112x128xf32, #tpu.memory_space<vmem_shared>> -> memref<112x128xf32, #tpu.memory_space<vmem_shared>>
      %dma_wait3A_121 = arith.constant 0 : i32
      %dma_wait3A_122 = arith.constant 0 : i32
      %dma_wait3A_123 = tpu.memref_slice %arg10[%dma_wait3A_121, %dma_wait3A_122] : memref<112x128xf32, #tpu.memory_space<vmem>> -> memref<112x128xf32, #tpu.memory_space<vmem>>
      tpu.wait_dma2 semaphore(%run_scoped3A : memref<!tpu.dma_semaphore, #tpu.memory_space<semaphore_mem>>) src(%dma_wait3A_123 : memref<112x128xf32, #tpu.memory_space<vmem>>) dst(%dma_wait3A_120 : memref<112x128xf32, #tpu.memory_space<vmem_shared>>)
      tpu.yield
    }) : () -> ()
    %add3A_21 = arith.constant 336 : i32
    %add3A_22 = arith.addi %mul3A_14, %add3A_21 : i32
    "tpu.region"() ({
      %run_scoped3A = tpu.sem_alloc : memref<!tpu.dma_semaphore, #tpu.memory_space<semaphore_mem>>
      %dma_start3A_104 = arith.constant 0 : i32
      %dma_start3A_105 = arith.constant 0 : i32
      %dma_start3A_106 = tpu.memref_slice %arg10[%dma_start3A_104, %dma_start3A_105] : memref<112x128xf32, #tpu.memory_space<vmem>> -> memref<112x128xf32, #tpu.memory_space<vmem>>
      %dma_start3A_107 = arith.constant 0 : i32
      %dma_start3A_108 = tpu.memref_slice %arg12[%add3A_22, %dma_start3A_107] : memref<10112x128xf32, #tpu.memory_space<vmem_shared>> -> memref<112x128xf32, #tpu.memory_space<vmem_shared>>
      %dma_start3A_109 = arith.constant 0 : i32
      %dma_start3A_110 = tpu.memref_slice %arg12[%add3A_22, %dma_start3A_109] : memref<10112x128xf32, #tpu.memory_space<vmem_shared>> -> memref<112x128xf32, #tpu.memory_space<vmem_shared>>
      %dma_start3A_111 = arith.constant 0 : i32
      %dma_start3A_112 = arith.constant 0 : i32
      %dma_start3A_113 = tpu.memref_slice %arg10[%dma_start3A_111, %dma_start3A_112] : memref<112x128xf32, #tpu.memory_space<vmem>> -> memref<112x128xf32, #tpu.memory_space<vmem>>
      tpu.enqueue_dma source(%dma_start3A_113 : memref<112x128xf32, #tpu.memory_space<vmem>>) target(%dma_start3A_110 : memref<112x128xf32, #tpu.memory_space<vmem_shared>>) target_semaphore(%run_scoped3A : memref<!tpu.dma_semaphore, #tpu.memory_space<semaphore_mem>>)
      %dma_wait3A_114 = arith.constant 0 : i32
      %dma_wait3A_115 = arith.constant 0 : i32
      %dma_wait3A_116 = tpu.memref_slice %arg10[%dma_wait3A_114, %dma_wait3A_115] : memref<112x128xf32, #tpu.memory_space<vmem>> -> memref<112x128xf32, #tpu.memory_space<vmem>>
      %dma_wait3A_117 = arith.constant 0 : i32
      %dma_wait3A_118 = tpu.memref_slice %arg12[%add3A_22, %dma_wait3A_117] : memref<10112x128xf32, #tpu.memory_space<vmem_shared>> -> memref<112x128xf32, #tpu.memory_space<vmem_shared>>
      %dma_wait3A_119 = arith.constant 0 : i32
      %dma_wait3A_120 = tpu.memref_slice %arg12[%add3A_22, %dma_wait3A_119] : memref<10112x128xf32, #tpu.memory_space<vmem_shared>> -> memref<112x128xf32, #tpu.memory_space<vmem_shared>>
      %dma_wait3A_121 = arith.constant 0 : i32
      %dma_wait3A_122 = arith.constant 0 : i32
      %dma_wait3A_123 = tpu.memref_slice %arg10[%dma_wait3A_121, %dma_wait3A_122] : memref<112x128xf32, #tpu.memory_space<vmem>> -> memref<112x128xf32, #tpu.memory_space<vmem>>
      tpu.wait_dma2 semaphore(%run_scoped3A : memref<!tpu.dma_semaphore, #tpu.memory_space<semaphore_mem>>) src(%dma_wait3A_123 : memref<112x128xf32, #tpu.memory_space<vmem>>) dst(%dma_wait3A_120 : memref<112x128xf32, #tpu.memory_space<vmem_shared>>)
      tpu.yield
    }) : () -> ()
    %add3A_23 = arith.constant 448 : i32
    %add3A_24 = arith.addi %mul3A_14, %add3A_23 : i32
    "tpu.region"() ({
      %run_scoped3A = tpu.sem_alloc : memref<!tpu.dma_semaphore, #tpu.memory_space<semaphore_mem>>
      %dma_start3A_104 = arith.constant 0 : i32
      %dma_start3A_105 = arith.constant 0 : i32
      %dma_start3A_106 = tpu.memref_slice %arg10[%dma_start3A_104, %dma_start3A_105] : memref<112x128xf32, #tpu.memory_space<vmem>> -> memref<112x128xf32, #tpu.memory_space<vmem>>
      %dma_start3A_107 = arith.constant 0 : i32
      %dma_start3A_108 = tpu.memref_slice %arg12[%add3A_24, %dma_start3A_107] : memref<10112x128xf32, #tpu.memory_space<vmem_shared>> -> memref<112x128xf32, #tpu.memory_space<vmem_shared>>
      %dma_start3A_109 = arith.constant 0 : i32
      %dma_start3A_110 = tpu.memref_slice %arg12[%add3A_24, %dma_start3A_109] : memref<10112x128xf32, #tpu.memory_space<vmem_shared>> -> memref<112x128xf32, #tpu.memory_space<vmem_shared>>
      %dma_start3A_111 = arith.constant 0 : i32
      %dma_start3A_112 = arith.constant 0 : i32
      %dma_start3A_113 = tpu.memref_slice %arg10[%dma_start3A_111, %dma_start3A_112] : memref<112x128xf32, #tpu.memory_space<vmem>> -> memref<112x128xf32, #tpu.memory_space<vmem>>
      tpu.enqueue_dma source(%dma_start3A_113 : memref<112x128xf32, #tpu.memory_space<vmem>>) target(%dma_start3A_110 : memref<112x128xf32, #tpu.memory_space<vmem_shared>>) target_semaphore(%run_scoped3A : memref<!tpu.dma_semaphore, #tpu.memory_space<semaphore_mem>>)
      %dma_wait3A_114 = arith.constant 0 : i32
      %dma_wait3A_115 = arith.constant 0 : i32
      %dma_wait3A_116 = tpu.memref_slice %arg10[%dma_wait3A_114, %dma_wait3A_115] : memref<112x128xf32, #tpu.memory_space<vmem>> -> memref<112x128xf32, #tpu.memory_space<vmem>>
      %dma_wait3A_117 = arith.constant 0 : i32
      %dma_wait3A_118 = tpu.memref_slice %arg12[%add3A_24, %dma_wait3A_117] : memref<10112x128xf32, #tpu.memory_space<vmem_shared>> -> memref<112x128xf32, #tpu.memory_space<vmem_shared>>
      %dma_wait3A_119 = arith.constant 0 : i32
      %dma_wait3A_120 = tpu.memref_slice %arg12[%add3A_24, %dma_wait3A_119] : memref<10112x128xf32, #tpu.memory_space<vmem_shared>> -> memref<112x128xf32, #tpu.memory_space<vmem_shared>>
      %dma_wait3A_121 = arith.constant 0 : i32
      %dma_wait3A_122 = arith.constant 0 : i32
      %dma_wait3A_123 = tpu.memref_slice %arg10[%dma_wait3A_121, %dma_wait3A_122] : memref<112x128xf32, #tpu.memory_space<vmem>> -> memref<112x128xf32, #tpu.memory_space<vmem>>
      tpu.wait_dma2 semaphore(%run_scoped3A : memref<!tpu.dma_semaphore, #tpu.memory_space<semaphore_mem>>) src(%dma_wait3A_123 : memref<112x128xf32, #tpu.memory_space<vmem>>) dst(%dma_wait3A_120 : memref<112x128xf32, #tpu.memory_space<vmem_shared>>)
      tpu.yield
    }) : () -> ()
    %add3A_25 = arith.constant 560 : i32
    %add3A_26 = arith.addi %mul3A_14, %add3A_25 : i32
    "tpu.region"() ({
      %run_scoped3A = tpu.sem_alloc : memref<!tpu.dma_semaphore, #tpu.memory_space<semaphore_mem>>
      %dma_start3A_104 = arith.constant 0 : i32
      %dma_start3A_105 = arith.constant 0 : i32
      %dma_start3A_106 = tpu.memref_slice %arg10[%dma_start3A_104, %dma_start3A_105] : memref<112x128xf32, #tpu.memory_space<vmem>> -> memref<72x128xf32, #tpu.memory_space<vmem>>
      %dma_start3A_107 = arith.constant 0 : i32
      %dma_start3A_108 = tpu.memref_slice %arg12[%add3A_26, %dma_start3A_107] : memref<10112x128xf32, #tpu.memory_space<vmem_shared>> -> memref<72x128xf32, #tpu.memory_space<vmem_shared>>
      %dma_start3A_109 = arith.constant 0 : i32
      %dma_start3A_110 = tpu.memref_slice %arg12[%add3A_26, %dma_start3A_109] : memref<10112x128xf32, #tpu.memory_space<vmem_shared>> -> memref<72x128xf32, #tpu.memory_space<vmem_shared>>
      %dma_start3A_111 = arith.constant 0 : i32
      %dma_start3A_112 = arith.constant 0 : i32
      %dma_start3A_113 = tpu.memref_slice %arg10[%dma_start3A_111, %dma_start3A_112] : memref<112x128xf32, #tpu.memory_space<vmem>> -> memref<72x128xf32, #tpu.memory_space<vmem>>
      tpu.enqueue_dma source(%dma_start3A_113 : memref<72x128xf32, #tpu.memory_space<vmem>>) target(%dma_start3A_110 : memref<72x128xf32, #tpu.memory_space<vmem_shared>>) target_semaphore(%run_scoped3A : memref<!tpu.dma_semaphore, #tpu.memory_space<semaphore_mem>>)
      %dma_wait3A_114 = arith.constant 0 : i32
      %dma_wait3A_115 = arith.constant 0 : i32
      %dma_wait3A_116 = tpu.memref_slice %arg10[%dma_wait3A_114, %dma_wait3A_115] : memref<112x128xf32, #tpu.memory_space<vmem>> -> memref<72x128xf32, #tpu.memory_space<vmem>>
      %dma_wait3A_117 = arith.constant 0 : i32
      %dma_wait3A_118 = tpu.memref_slice %arg12[%add3A_26, %dma_wait3A_117] : memref<10112x128xf32, #tpu.memory_space<vmem_shared>> -> memref<72x128xf32, #tpu.memory_space<vmem_shared>>
      %dma_wait3A_119 = arith.constant 0 : i32
      %dma_wait3A_120 = tpu.memref_slice %arg12[%add3A_26, %dma_wait3A_119] : memref<10112x128xf32, #tpu.memory_space<vmem_shared>> -> memref<72x128xf32, #tpu.memory_space<vmem_shared>>
      %dma_wait3A_121 = arith.constant 0 : i32
      %dma_wait3A_122 = arith.constant 0 : i32
      %dma_wait3A_123 = tpu.memref_slice %arg10[%dma_wait3A_121, %dma_wait3A_122] : memref<112x128xf32, #tpu.memory_space<vmem>> -> memref<72x128xf32, #tpu.memory_space<vmem>>
      tpu.wait_dma2 semaphore(%run_scoped3A : memref<!tpu.dma_semaphore, #tpu.memory_space<semaphore_mem>>) src(%dma_wait3A_123 : memref<72x128xf32, #tpu.memory_space<vmem>>) dst(%dma_wait3A_120 : memref<72x128xf32, #tpu.memory_space<vmem_shared>>)
      tpu.yield
    }) : () -> ()
    %barrier3A = arith.constant 0 : index
    tpu.barrier barrier_id(%barrier3A)
    %mul3A_27 = arith.constant 112 : i32
    %mul3A_28 = arith.muli %select_n3A, %mul3A_27 : i32
    "tpu.region"() ({
      %run_scoped3A = tpu.sem_alloc : memref<!tpu.dma_semaphore, #tpu.memory_space<semaphore_mem>>
      %dma_start3A_104 = tpu.memref_slice %arg3[%mul3A_28] : memref<322560xi32, #tpu.memory_space<hbm>> -> memref<112xi32, #tpu.memory_space<hbm>>
      %dma_start3A_105 = tpu.memref_slice %arg3[%mul3A_28] : memref<322560xi32, #tpu.memory_space<hbm>> -> memref<112xi32, #tpu.memory_space<hbm>>
      tpu.enqueue_dma source(%dma_start3A_105 : memref<112xi32, #tpu.memory_space<hbm>>) target(%arg6 : memref<112xi32, #tpu.memory_space<vmem>>) target_semaphore(%run_scoped3A : memref<!tpu.dma_semaphore, #tpu.memory_space<semaphore_mem>>)
      %dma_wait3A_106 = tpu.memref_slice %arg3[%mul3A_28] : memref<322560xi32, #tpu.memory_space<hbm>> -> memref<112xi32, #tpu.memory_space<hbm>>
      %dma_wait3A_107 = tpu.memref_slice %arg3[%mul3A_28] : memref<322560xi32, #tpu.memory_space<hbm>> -> memref<112xi32, #tpu.memory_space<hbm>>
      tpu.wait_dma2 semaphore(%run_scoped3A : memref<!tpu.dma_semaphore, #tpu.memory_space<semaphore_mem>>) src(%dma_wait3A_107 : memref<112xi32, #tpu.memory_space<hbm>>) dst(%arg6 : memref<112xi32, #tpu.memory_space<vmem>>)
      tpu.yield
    }) : () -> ()
    %add3A_29 = arith.constant 0 : i32
    %add3A_30 = arith.addi %select_n3A, %add3A_29 : i32
    %mul3A_31 = arith.constant 112 : i32
    %mul3A_32 = arith.muli %add3A_30, %mul3A_31 : i32
    %dma_start3A = tpu.memref_slice %arg4[%mul3A_32] : memref<322560xi32, #tpu.memory_space<hbm>> -> memref<112xi32, #tpu.memory_space<hbm>>
    %dma_start3A_33 = tpu.memref_slice %arg4[%mul3A_32] : memref<322560xi32, #tpu.memory_space<hbm>> -> memref<112xi32, #tpu.memory_space<hbm>>
    tpu.enqueue_dma source(%dma_start3A_33 : memref<112xi32, #tpu.memory_space<hbm>>) target(%arg8 : memref<112xi32, #tpu.memory_space<vmem>>) target_semaphore(%arg17 : memref<!tpu.dma_semaphore, #tpu.memory_space<semaphore_mem>>)
    %add3A_34 = arith.constant 1 : i32
    %add3A_35 = arith.addi %select_n3A, %add3A_34 : i32
    %mul3A_36 = arith.constant 112 : i32
    %mul3A_37 = arith.muli %add3A_35, %mul3A_36 : i32
    %dma_start3A_38 = tpu.memref_slice %arg3[%mul3A_37] : memref<322560xi32, #tpu.memory_space<hbm>> -> memref<112xi32, #tpu.memory_space<hbm>>
    %dma_start3A_39 = tpu.memref_slice %arg3[%mul3A_37] : memref<322560xi32, #tpu.memory_space<hbm>> -> memref<112xi32, #tpu.memory_space<hbm>>
    tpu.enqueue_dma source(%dma_start3A_39 : memref<112xi32, #tpu.memory_space<hbm>>) target(%arg7 : memref<112xi32, #tpu.memory_space<vmem>>) target_semaphore(%arg16 : memref<!tpu.dma_semaphore, #tpu.memory_space<semaphore_mem>>)
    %add3A_40 = arith.constant 1 : i32
    %add3A_41 = arith.addi %select_n3A, %add3A_40 : i32
    %mul3A_42 = arith.constant 112 : i32
    %mul3A_43 = arith.muli %add3A_41, %mul3A_42 : i32
    %dma_start3A_44 = tpu.memref_slice %arg4[%mul3A_43] : memref<322560xi32, #tpu.memory_space<hbm>> -> memref<112xi32, #tpu.memory_space<hbm>>
    %dma_start3A_45 = tpu.memref_slice %arg4[%mul3A_43] : memref<322560xi32, #tpu.memory_space<hbm>> -> memref<112xi32, #tpu.memory_space<hbm>>
    tpu.enqueue_dma source(%dma_start3A_45 : memref<112xi32, #tpu.memory_space<hbm>>) target(%arg9 : memref<112xi32, #tpu.memory_space<vmem>>) target_semaphore(%arg18 : memref<!tpu.dma_semaphore, #tpu.memory_space<semaphore_mem>>)
    %dma_start3A_46 = arith.constant 0 : i32
    %dma_start3A_47 = arith.constant 0 : i32
    %dma_start3A_48 = tpu.memref_slice %arg2[%dma_start3A_46, %dma_start3A_47] : memref<10000x128xf32, #tpu.memory_space<hbm>> -> memref<10000x128xf32, #tpu.memory_space<hbm>>
    tpu.enqueue_indirect_dma source(%dma_start3A_48 : memref<10000x128xf32, #tpu.memory_space<hbm>>) target(%arg10 : memref<112x128xf32, #tpu.memory_space<vmem>>) offsets(%arg6 : memref<112xi32, #tpu.memory_space<vmem>>) semaphore(%arg13 : memref<!tpu.dma_semaphore, #tpu.memory_space<semaphore_mem>>)
    %jit3A_49 = arith.constant 2 : i32
    %div3A = arith.divsi %select_n3A_8, %jit3A_49 : i32
    %sign3A = arith.constant 0 : i32
    %sign3A_50 = arith.cmpi sgt, %select_n3A_8, %sign3A : i32
    %sign3A_51 = arith.extui %sign3A_50 : i1 to i32
    %sign3A_52 = arith.constant 0 : i32
    %sign3A_53 = arith.cmpi slt, %select_n3A_8, %sign3A_52 : i32
    %sign3A_54 = arith.extui %sign3A_53 : i1 to i32
    %sign3A_55 = arith.subi %sign3A_51, %sign3A_54 : i32
    %sign3A_56 = arith.constant 0 : i32
    %sign3A_57 = arith.cmpi sgt, %jit3A_49, %sign3A_56 : i32
    %sign3A_58 = arith.extui %sign3A_57 : i1 to i32
    %sign3A_59 = arith.constant 0 : i32
    %sign3A_60 = arith.cmpi slt, %jit3A_49, %sign3A_59 : i32
    %sign3A_61 = arith.extui %sign3A_60 : i1 to i32
    %sign3A_62 = arith.subi %sign3A_58, %sign3A_61 : i32
    %ne3A = arith.cmpi ne, %sign3A_55, %sign3A_62 : i32
    %rem3A = arith.remsi %select_n3A_8, %jit3A_49 : i32
    %ne3A_63 = arith.constant 0 : i32
    %ne3A_64 = arith.cmpi ne, %rem3A, %ne3A_63 : i32
    %and3A = arith.andi %ne3A, %ne3A_64 : i1
    %sub3A = arith.constant 1 : i32
    %sub3A_65 = arith.subi %div3A, %sub3A : i32
    %select_n3A_66 = arith.select %and3A, %sub3A_65, %div3A : i32
    %sub3A_67 = arith.constant 1 : i32
    %sub3A_68 = arith.subi %select_n3A_66, %sub3A_67 : i32
    %while3A = arith.constant 0 : i32
    %while3A_69 = arith.subi %sub3A_68, %while3A : i32
    %while3A_70 = arith.addi %while3A, %while3A_69 : i32
    %while3A_71 = arith.constant 1 : i32
    %while3A_72 = arith.divsi %while3A_69, %while3A_71 : i32
    %while3A_73 = arith.muli %while3A_72, %while3A_71 : i32
    %while3A_74 = arith.addi %while3A, %while3A_73 : i32
    %while3A_75 = arith.constant 1 : i32
    scf.for %while3A_104 = %while3A to %while3A_74 step %while3A_75  : i32 {
      %mul3A_105 = arith.constant 2 : i32
      %mul3A_106 = arith.muli %mul3A_105, %while3A_104 : i32
      %dma_wait3A_107 = arith.constant 0 : i32
      %dma_wait3A_108 = tpu.memref_slice %arg3[%dma_wait3A_107] : memref<322560xi32, #tpu.memory_space<hbm>> -> memref<112xi32, #tpu.memory_space<hbm>>
      %dma_wait3A_109 = arith.constant 0 : i32
      %dma_wait3A_110 = tpu.memref_slice %arg3[%dma_wait3A_109] : memref<322560xi32, #tpu.memory_space<hbm>> -> memref<112xi32, #tpu.memory_space<hbm>>
      tpu.wait_dma2 semaphore(%arg16 : memref<!tpu.dma_semaphore, #tpu.memory_space<semaphore_mem>>) src(%dma_wait3A_110 : memref<112xi32, #tpu.memory_space<hbm>>) dst(%arg7 : memref<112xi32, #tpu.memory_space<vmem>>)
      %dma_start3A_111 = arith.constant 0 : i32
      %dma_start3A_112 = arith.constant 0 : i32
      %dma_start3A_113 = tpu.memref_slice %arg2[%dma_start3A_111, %dma_start3A_112] : memref<10000x128xf32, #tpu.memory_space<hbm>> -> memref<10000x128xf32, #tpu.memory_space<hbm>>
      tpu.enqueue_indirect_dma source(%dma_start3A_113 : memref<10000x128xf32, #tpu.memory_space<hbm>>) target(%arg11 : memref<112x128xf32, #tpu.memory_space<vmem>>) offsets(%arg7 : memref<112xi32, #tpu.memory_space<vmem>>) semaphore(%arg14 : memref<!tpu.dma_semaphore, #tpu.memory_space<semaphore_mem>>)
      %dma_wait3A_114 = arith.constant 0 : i32
      %dma_wait3A_115 = arith.constant 0 : i32
      %dma_wait3A_116 = tpu.memref_slice %arg2[%dma_wait3A_114, %dma_wait3A_115] : memref<10000x128xf32, #tpu.memory_space<hbm>> -> memref<112x128xf32, #tpu.memory_space<hbm>>
      %dma_wait3A_117 = arith.constant 0 : i32
      %dma_wait3A_118 = arith.constant 0 : i32
      %dma_wait3A_119 = tpu.memref_slice %arg2[%dma_wait3A_117, %dma_wait3A_118] : memref<10000x128xf32, #tpu.memory_space<hbm>> -> memref<112x128xf32, #tpu.memory_space<hbm>>
      tpu.wait_dma2 semaphore(%arg13 : memref<!tpu.dma_semaphore, #tpu.memory_space<semaphore_mem>>) src(%dma_wait3A_119 : memref<112x128xf32, #tpu.memory_space<hbm>>) dst(%arg10 : memref<112x128xf32, #tpu.memory_space<vmem>>)
      %add3A_120 = arith.constant 2 : i32
      %add3A_121 = arith.addi %mul3A_106, %add3A_120 : i32
      %add3A_122 = arith.addi %select_n3A, %add3A_121 : i32
      %mul3A_123 = arith.constant 112 : i32
      %mul3A_124 = arith.muli %add3A_122, %mul3A_123 : i32
      %dma_start3A_125 = tpu.memref_slice %arg3[%mul3A_124] : memref<322560xi32, #tpu.memory_space<hbm>> -> memref<112xi32, #tpu.memory_space<hbm>>
      %dma_start3A_126 = tpu.memref_slice %arg3[%mul3A_124] : memref<322560xi32, #tpu.memory_space<hbm>> -> memref<112xi32, #tpu.memory_space<hbm>>
      tpu.enqueue_dma source(%dma_start3A_126 : memref<112xi32, #tpu.memory_space<hbm>>) target(%arg6 : memref<112xi32, #tpu.memory_space<vmem>>) target_semaphore(%arg15 : memref<!tpu.dma_semaphore, #tpu.memory_space<semaphore_mem>>)
      %dma_wait3A_127 = arith.constant 0 : i32
      %dma_wait3A_128 = tpu.memref_slice %arg4[%dma_wait3A_127] : memref<322560xi32, #tpu.memory_space<hbm>> -> memref<112xi32, #tpu.memory_space<hbm>>
      %dma_wait3A_129 = arith.constant 0 : i32
      %dma_wait3A_130 = tpu.memref_slice %arg4[%dma_wait3A_129] : memref<322560xi32, #tpu.memory_space<hbm>> -> memref<112xi32, #tpu.memory_space<hbm>>
      tpu.wait_dma2 semaphore(%arg17 : memref<!tpu.dma_semaphore, #tpu.memory_space<semaphore_mem>>) src(%dma_wait3A_130 : memref<112xi32, #tpu.memory_space<hbm>>) dst(%arg8 : memref<112xi32, #tpu.memory_space<vmem>>)
      "tpu.region"() ({
        %run_scoped3A = tpu.sem_alloc : memref<!tpu.dma_semaphore, #tpu.memory_space<semaphore_mem>>
        %dma_start3A_169 = arith.constant 0 : i32
        %dma_start3A_170 = arith.constant 0 : i32
        %dma_start3A_171 = tpu.memref_slice %arg12[%dma_start3A_169, %dma_start3A_170] : memref<10112x128xf32, #tpu.memory_space<vmem_shared>> -> memref<10112x128xf32, #tpu.memory_space<vmem_shared>>
        tpu.enqueue_indirect_dma source(%arg10 : memref<112x128xf32, #tpu.memory_space<vmem>>) target(%dma_start3A_171 : memref<10112x128xf32, #tpu.memory_space<vmem_shared>>) offsets(%arg8 : memref<112xi32, #tpu.memory_space<vmem>>) semaphore(%run_scoped3A : memref<!tpu.dma_semaphore, #tpu.memory_space<semaphore_mem>>) {add = true}
        %dma_wait3A_172 = arith.constant 0 : i32
        %dma_wait3A_173 = arith.constant 0 : i32
        %dma_wait3A_174 = tpu.memref_slice %arg12[%dma_wait3A_172, %dma_wait3A_173] : memref<10112x128xf32, #tpu.memory_space<vmem_shared>> -> memref<10112x128xf32, #tpu.memory_space<vmem_shared>>
        tpu.wait_indirect_dma semaphore(%run_scoped3A : memref<!tpu.dma_semaphore, #tpu.memory_space<semaphore_mem>>) src(%arg10 : memref<112x128xf32, #tpu.memory_space<vmem>>) dst(%dma_wait3A_174 : memref<10112x128xf32, #tpu.memory_space<vmem_shared>>)
        tpu.yield
      }) : () -> ()
      %add3A_131 = arith.constant 2 : i32
      %add3A_132 = arith.addi %mul3A_106, %add3A_131 : i32
      %add3A_133 = arith.addi %select_n3A, %add3A_132 : i32
      %mul3A_134 = arith.constant 112 : i32
      %mul3A_135 = arith.muli %add3A_133, %mul3A_134 : i32
      %dma_start3A_136 = tpu.memref_slice %arg4[%mul3A_135] : memref<322560xi32, #tpu.memory_space<hbm>> -> memref<112xi32, #tpu.memory_space<hbm>>
      %dma_start3A_137 = tpu.memref_slice %arg4[%mul3A_135] : memref<322560xi32, #tpu.memory_space<hbm>> -> memref<112xi32, #tpu.memory_space<hbm>>
      tpu.enqueue_dma source(%dma_start3A_137 : memref<112xi32, #tpu.memory_space<hbm>>) target(%arg8 : memref<112xi32, #tpu.memory_space<vmem>>) target_semaphore(%arg17 : memref<!tpu.dma_semaphore, #tpu.memory_space<semaphore_mem>>)
      %dma_wait3A_138 = arith.constant 0 : i32
      %dma_wait3A_139 = tpu.memref_slice %arg3[%dma_wait3A_138] : memref<322560xi32, #tpu.memory_space<hbm>> -> memref<112xi32, #tpu.memory_space<hbm>>
      %dma_wait3A_140 = arith.constant 0 : i32
      %dma_wait3A_141 = tpu.memref_slice %arg3[%dma_wait3A_140] : memref<322560xi32, #tpu.memory_space<hbm>> -> memref<112xi32, #tpu.memory_space<hbm>>
      tpu.wait_dma2 semaphore(%arg15 : memref<!tpu.dma_semaphore, #tpu.memory_space<semaphore_mem>>) src(%dma_wait3A_141 : memref<112xi32, #tpu.memory_space<hbm>>) dst(%arg6 : memref<112xi32, #tpu.memory_space<vmem>>)
      %dma_start3A_142 = arith.constant 0 : i32
      %dma_start3A_143 = arith.constant 0 : i32
      %dma_start3A_144 = tpu.memref_slice %arg2[%dma_start3A_142, %dma_start3A_143] : memref<10000x128xf32, #tpu.memory_space<hbm>> -> memref<10000x128xf32, #tpu.memory_space<hbm>>
      tpu.enqueue_indirect_dma source(%dma_start3A_144 : memref<10000x128xf32, #tpu.memory_space<hbm>>) target(%arg10 : memref<112x128xf32, #tpu.memory_space<vmem>>) offsets(%arg6 : memref<112xi32, #tpu.memory_space<vmem>>) semaphore(%arg13 : memref<!tpu.dma_semaphore, #tpu.memory_space<semaphore_mem>>)
      %dma_wait3A_145 = arith.constant 0 : i32
      %dma_wait3A_146 = arith.constant 0 : i32
      %dma_wait3A_147 = tpu.memref_slice %arg2[%dma_wait3A_145, %dma_wait3A_146] : memref<10000x128xf32, #tpu.memory_space<hbm>> -> memref<112x128xf32, #tpu.memory_space<hbm>>
      %dma_wait3A_148 = arith.constant 0 : i32
      %dma_wait3A_149 = arith.constant 0 : i32
      %dma_wait3A_150 = tpu.memref_slice %arg2[%dma_wait3A_148, %dma_wait3A_149] : memref<10000x128xf32, #tpu.memory_space<hbm>> -> memref<112x128xf32, #tpu.memory_space<hbm>>
      tpu.wait_dma2 semaphore(%arg14 : memref<!tpu.dma_semaphore, #tpu.memory_space<semaphore_mem>>) src(%dma_wait3A_150 : memref<112x128xf32, #tpu.memory_space<hbm>>) dst(%arg11 : memref<112x128xf32, #tpu.memory_space<vmem>>)
      %add3A_151 = arith.constant 3 : i32
      %add3A_152 = arith.addi %mul3A_106, %add3A_151 : i32
      %add3A_153 = arith.addi %select_n3A, %add3A_152 : i32
      %mul3A_154 = arith.constant 112 : i32
      %mul3A_155 = arith.muli %add3A_153, %mul3A_154 : i32
      %dma_start3A_156 = tpu.memref_slice %arg3[%mul3A_155] : memref<322560xi32, #tpu.memory_space<hbm>> -> memref<112xi32, #tpu.memory_space<hbm>>
      %dma_start3A_157 = tpu.memref_slice %arg3[%mul3A_155] : memref<322560xi32, #tpu.memory_space<hbm>> -> memref<112xi32, #tpu.memory_space<hbm>>
      tpu.enqueue_dma source(%dma_start3A_157 : memref<112xi32, #tpu.memory_space<hbm>>) target(%arg7 : memref<112xi32, #tpu.memory_space<vmem>>) target_semaphore(%arg16 : memref<!tpu.dma_semaphore, #tpu.memory_space<semaphore_mem>>)
      %dma_wait3A_158 = arith.constant 0 : i32
      %dma_wait3A_159 = tpu.memref_slice %arg4[%dma_wait3A_158] : memref<322560xi32, #tpu.memory_space<hbm>> -> memref<112xi32, #tpu.memory_space<hbm>>
      %dma_wait3A_160 = arith.constant 0 : i32
      %dma_wait3A_161 = tpu.memref_slice %arg4[%dma_wait3A_160] : memref<322560xi32, #tpu.memory_space<hbm>> -> memref<112xi32, #tpu.memory_space<hbm>>
      tpu.wait_dma2 semaphore(%arg18 : memref<!tpu.dma_semaphore, #tpu.memory_space<semaphore_mem>>) src(%dma_wait3A_161 : memref<112xi32, #tpu.memory_space<hbm>>) dst(%arg9 : memref<112xi32, #tpu.memory_space<vmem>>)
      "tpu.region"() ({
        %run_scoped3A = tpu.sem_alloc : memref<!tpu.dma_semaphore, #tpu.memory_space<semaphore_mem>>
        %dma_start3A_169 = arith.constant 0 : i32
        %dma_start3A_170 = arith.constant 0 : i32
        %dma_start3A_171 = tpu.memref_slice %arg12[%dma_start3A_169, %dma_start3A_170] : memref<10112x128xf32, #tpu.memory_space<vmem_shared>> -> memref<10112x128xf32, #tpu.memory_space<vmem_shared>>
        tpu.enqueue_indirect_dma source(%arg11 : memref<112x128xf32, #tpu.memory_space<vmem>>) target(%dma_start3A_171 : memref<10112x128xf32, #tpu.memory_space<vmem_shared>>) offsets(%arg9 : memref<112xi32, #tpu.memory_space<vmem>>) semaphore(%run_scoped3A : memref<!tpu.dma_semaphore, #tpu.memory_space<semaphore_mem>>) {add = true}
        %dma_wait3A_172 = arith.constant 0 : i32
        %dma_wait3A_173 = arith.constant 0 : i32
        %dma_wait3A_174 = tpu.memref_slice %arg12[%dma_wait3A_172, %dma_wait3A_173] : memref<10112x128xf32, #tpu.memory_space<vmem_shared>> -> memref<10112x128xf32, #tpu.memory_space<vmem_shared>>
        tpu.wait_indirect_dma semaphore(%run_scoped3A : memref<!tpu.dma_semaphore, #tpu.memory_space<semaphore_mem>>) src(%arg11 : memref<112x128xf32, #tpu.memory_space<vmem>>) dst(%dma_wait3A_174 : memref<10112x128xf32, #tpu.memory_space<vmem_shared>>)
        tpu.yield
      }) : () -> ()
      %add3A_162 = arith.constant 3 : i32
      %add3A_163 = arith.addi %mul3A_106, %add3A_162 : i32
      %add3A_164 = arith.addi %select_n3A, %add3A_163 : i32
      %mul3A_165 = arith.constant 112 : i32
      %mul3A_166 = arith.muli %add3A_164, %mul3A_165 : i32
      %dma_start3A_167 = tpu.memref_slice %arg4[%mul3A_166] : memref<322560xi32, #tpu.memory_space<hbm>> -> memref<112xi32, #tpu.memory_space<hbm>>
      %dma_start3A_168 = tpu.memref_slice %arg4[%mul3A_166] : memref<322560xi32, #tpu.memory_space<hbm>> -> memref<112xi32, #tpu.memory_space<hbm>>
      tpu.enqueue_dma source(%dma_start3A_168 : memref<112xi32, #tpu.memory_space<hbm>>) target(%arg9 : memref<112xi32, #tpu.memory_space<vmem>>) target_semaphore(%arg18 : memref<!tpu.dma_semaphore, #tpu.memory_space<semaphore_mem>>)
    }
    %while3A_76 = arith.constant 1 : i32
    scf.for %while3A_104 = %while3A_74 to %while3A_70 step %while3A_76  : i32 {
      %mul3A_105 = arith.constant 2 : i32
      %mul3A_106 = arith.muli %mul3A_105, %while3A_104 : i32
      %dma_wait3A_107 = arith.constant 0 : i32
      %dma_wait3A_108 = tpu.memref_slice %arg3[%dma_wait3A_107] : memref<322560xi32, #tpu.memory_space<hbm>> -> memref<112xi32, #tpu.memory_space<hbm>>
      %dma_wait3A_109 = arith.constant 0 : i32
      %dma_wait3A_110 = tpu.memref_slice %arg3[%dma_wait3A_109] : memref<322560xi32, #tpu.memory_space<hbm>> -> memref<112xi32, #tpu.memory_space<hbm>>
      tpu.wait_dma2 semaphore(%arg16 : memref<!tpu.dma_semaphore, #tpu.memory_space<semaphore_mem>>) src(%dma_wait3A_110 : memref<112xi32, #tpu.memory_space<hbm>>) dst(%arg7 : memref<112xi32, #tpu.memory_space<vmem>>)
      %dma_start3A_111 = arith.constant 0 : i32
      %dma_start3A_112 = arith.constant 0 : i32
      %dma_start3A_113 = tpu.memref_slice %arg2[%dma_start3A_111, %dma_start3A_112] : memref<10000x128xf32, #tpu.memory_space<hbm>> -> memref<10000x128xf32, #tpu.memory_space<hbm>>
      tpu.enqueue_indirect_dma source(%dma_start3A_113 : memref<10000x128xf32, #tpu.memory_space<hbm>>) target(%arg11 : memref<112x128xf32, #tpu.memory_space<vmem>>) offsets(%arg7 : memref<112xi32, #tpu.memory_space<vmem>>) semaphore(%arg14 : memref<!tpu.dma_semaphore, #tpu.memory_space<semaphore_mem>>)
      %dma_wait3A_114 = arith.constant 0 : i32
      %dma_wait3A_115 = arith.constant 0 : i32
      %dma_wait3A_116 = tpu.memref_slice %arg2[%dma_wait3A_114, %dma_wait3A_115] : memref<10000x128xf32, #tpu.memory_space<hbm>> -> memref<112x128xf32, #tpu.memory_space<hbm>>
      %dma_wait3A_117 = arith.constant 0 : i32
      %dma_wait3A_118 = arith.constant 0 : i32
      %dma_wait3A_119 = tpu.memref_slice %arg2[%dma_wait3A_117, %dma_wait3A_118] : memref<10000x128xf32, #tpu.memory_space<hbm>> -> memref<112x128xf32, #tpu.memory_space<hbm>>
      tpu.wait_dma2 semaphore(%arg13 : memref<!tpu.dma_semaphore, #tpu.memory_space<semaphore_mem>>) src(%dma_wait3A_119 : memref<112x128xf32, #tpu.memory_space<hbm>>) dst(%arg10 : memref<112x128xf32, #tpu.memory_space<vmem>>)
      %add3A_120 = arith.constant 2 : i32
      %add3A_121 = arith.addi %mul3A_106, %add3A_120 : i32
      %add3A_122 = arith.addi %select_n3A, %add3A_121 : i32
      %mul3A_123 = arith.constant 112 : i32
      %mul3A_124 = arith.muli %add3A_122, %mul3A_123 : i32
      %dma_start3A_125 = tpu.memref_slice %arg3[%mul3A_124] : memref<322560xi32, #tpu.memory_space<hbm>> -> memref<112xi32, #tpu.memory_space<hbm>>
      %dma_start3A_126 = tpu.memref_slice %arg3[%mul3A_124] : memref<322560xi32, #tpu.memory_space<hbm>> -> memref<112xi32, #tpu.memory_space<hbm>>
      tpu.enqueue_dma source(%dma_start3A_126 : memref<112xi32, #tpu.memory_space<hbm>>) target(%arg6 : memref<112xi32, #tpu.memory_space<vmem>>) target_semaphore(%arg15 : memref<!tpu.dma_semaphore, #tpu.memory_space<semaphore_mem>>)
      %dma_wait3A_127 = arith.constant 0 : i32
      %dma_wait3A_128 = tpu.memref_slice %arg4[%dma_wait3A_127] : memref<322560xi32, #tpu.memory_space<hbm>> -> memref<112xi32, #tpu.memory_space<hbm>>
      %dma_wait3A_129 = arith.constant 0 : i32
      %dma_wait3A_130 = tpu.memref_slice %arg4[%dma_wait3A_129] : memref<322560xi32, #tpu.memory_space<hbm>> -> memref<112xi32, #tpu.memory_space<hbm>>
      tpu.wait_dma2 semaphore(%arg17 : memref<!tpu.dma_semaphore, #tpu.memory_space<semaphore_mem>>) src(%dma_wait3A_130 : memref<112xi32, #tpu.memory_space<hbm>>) dst(%arg8 : memref<112xi32, #tpu.memory_space<vmem>>)
      "tpu.region"() ({
        %run_scoped3A = tpu.sem_alloc : memref<!tpu.dma_semaphore, #tpu.memory_space<semaphore_mem>>
        %dma_start3A_169 = arith.constant 0 : i32
        %dma_start3A_170 = arith.constant 0 : i32
        %dma_start3A_171 = tpu.memref_slice %arg12[%dma_start3A_169, %dma_start3A_170] : memref<10112x128xf32, #tpu.memory_space<vmem_shared>> -> memref<10112x128xf32, #tpu.memory_space<vmem_shared>>
        tpu.enqueue_indirect_dma source(%arg10 : memref<112x128xf32, #tpu.memory_space<vmem>>) target(%dma_start3A_171 : memref<10112x128xf32, #tpu.memory_space<vmem_shared>>) offsets(%arg8 : memref<112xi32, #tpu.memory_space<vmem>>) semaphore(%run_scoped3A : memref<!tpu.dma_semaphore, #tpu.memory_space<semaphore_mem>>) {add = true}
        %dma_wait3A_172 = arith.constant 0 : i32
        %dma_wait3A_173 = arith.constant 0 : i32
        %dma_wait3A_174 = tpu.memref_slice %arg12[%dma_wait3A_172, %dma_wait3A_173] : memref<10112x128xf32, #tpu.memory_space<vmem_shared>> -> memref<10112x128xf32, #tpu.memory_space<vmem_shared>>
        tpu.wait_indirect_dma semaphore(%run_scoped3A : memref<!tpu.dma_semaphore, #tpu.memory_space<semaphore_mem>>) src(%arg10 : memref<112x128xf32, #tpu.memory_space<vmem>>) dst(%dma_wait3A_174 : memref<10112x128xf32, #tpu.memory_space<vmem_shared>>)
        tpu.yield
      }) : () -> ()
      %add3A_131 = arith.constant 2 : i32
      %add3A_132 = arith.addi %mul3A_106, %add3A_131 : i32
      %add3A_133 = arith.addi %select_n3A, %add3A_132 : i32
      %mul3A_134 = arith.constant 112 : i32
      %mul3A_135 = arith.muli %add3A_133, %mul3A_134 : i32
      %dma_start3A_136 = tpu.memref_slice %arg4[%mul3A_135] : memref<322560xi32, #tpu.memory_space<hbm>> -> memref<112xi32, #tpu.memory_space<hbm>>
      %dma_start3A_137 = tpu.memref_slice %arg4[%mul3A_135] : memref<322560xi32, #tpu.memory_space<hbm>> -> memref<112xi32, #tpu.memory_space<hbm>>
      tpu.enqueue_dma source(%dma_start3A_137 : memref<112xi32, #tpu.memory_space<hbm>>) target(%arg8 : memref<112xi32, #tpu.memory_space<vmem>>) target_semaphore(%arg17 : memref<!tpu.dma_semaphore, #tpu.memory_space<semaphore_mem>>)
      %dma_wait3A_138 = arith.constant 0 : i32
      %dma_wait3A_139 = tpu.memref_slice %arg3[%dma_wait3A_138] : memref<322560xi32, #tpu.memory_space<hbm>> -> memref<112xi32, #tpu.memory_space<hbm>>
      %dma_wait3A_140 = arith.constant 0 : i32
      %dma_wait3A_141 = tpu.memref_slice %arg3[%dma_wait3A_140] : memref<322560xi32, #tpu.memory_space<hbm>> -> memref<112xi32, #tpu.memory_space<hbm>>
      tpu.wait_dma2 semaphore(%arg15 : memref<!tpu.dma_semaphore, #tpu.memory_space<semaphore_mem>>) src(%dma_wait3A_141 : memref<112xi32, #tpu.memory_space<hbm>>) dst(%arg6 : memref<112xi32, #tpu.memory_space<vmem>>)
      %dma_start3A_142 = arith.constant 0 : i32
      %dma_start3A_143 = arith.constant 0 : i32
      %dma_start3A_144 = tpu.memref_slice %arg2[%dma_start3A_142, %dma_start3A_143] : memref<10000x128xf32, #tpu.memory_space<hbm>> -> memref<10000x128xf32, #tpu.memory_space<hbm>>
      tpu.enqueue_indirect_dma source(%dma_start3A_144 : memref<10000x128xf32, #tpu.memory_space<hbm>>) target(%arg10 : memref<112x128xf32, #tpu.memory_space<vmem>>) offsets(%arg6 : memref<112xi32, #tpu.memory_space<vmem>>) semaphore(%arg13 : memref<!tpu.dma_semaphore, #tpu.memory_space<semaphore_mem>>)
      %dma_wait3A_145 = arith.constant 0 : i32
      %dma_wait3A_146 = arith.constant 0 : i32
      %dma_wait3A_147 = tpu.memref_slice %arg2[%dma_wait3A_145, %dma_wait3A_146] : memref<10000x128xf32, #tpu.memory_space<hbm>> -> memref<112x128xf32, #tpu.memory_space<hbm>>
      %dma_wait3A_148 = arith.constant 0 : i32
      %dma_wait3A_149 = arith.constant 0 : i32
      %dma_wait3A_150 = tpu.memref_slice %arg2[%dma_wait3A_148, %dma_wait3A_149] : memref<10000x128xf32, #tpu.memory_space<hbm>> -> memref<112x128xf32, #tpu.memory_space<hbm>>
      tpu.wait_dma2 semaphore(%arg14 : memref<!tpu.dma_semaphore, #tpu.memory_space<semaphore_mem>>) src(%dma_wait3A_150 : memref<112x128xf32, #tpu.memory_space<hbm>>) dst(%arg11 : memref<112x128xf32, #tpu.memory_space<vmem>>)
      %add3A_151 = arith.constant 3 : i32
      %add3A_152 = arith.addi %mul3A_106, %add3A_151 : i32
      %add3A_153 = arith.addi %select_n3A, %add3A_152 : i32
      %mul3A_154 = arith.constant 112 : i32
      %mul3A_155 = arith.muli %add3A_153, %mul3A_154 : i32
      %dma_start3A_156 = tpu.memref_slice %arg3[%mul3A_155] : memref<322560xi32, #tpu.memory_space<hbm>> -> memref<112xi32, #tpu.memory_space<hbm>>
      %dma_start3A_157 = tpu.memref_slice %arg3[%mul3A_155] : memref<322560xi32, #tpu.memory_space<hbm>> -> memref<112xi32, #tpu.memory_space<hbm>>
      tpu.enqueue_dma source(%dma_start3A_157 : memref<112xi32, #tpu.memory_space<hbm>>) target(%arg7 : memref<112xi32, #tpu.memory_space<vmem>>) target_semaphore(%arg16 : memref<!tpu.dma_semaphore, #tpu.memory_space<semaphore_mem>>)
      %dma_wait3A_158 = arith.constant 0 : i32
      %dma_wait3A_159 = tpu.memref_slice %arg4[%dma_wait3A_158] : memref<322560xi32, #tpu.memory_space<hbm>> -> memref<112xi32, #tpu.memory_space<hbm>>
      %dma_wait3A_160 = arith.constant 0 : i32
      %dma_wait3A_161 = tpu.memref_slice %arg4[%dma_wait3A_160] : memref<322560xi32, #tpu.memory_space<hbm>> -> memref<112xi32, #tpu.memory_space<hbm>>
      tpu.wait_dma2 semaphore(%arg18 : memref<!tpu.dma_semaphore, #tpu.memory_space<semaphore_mem>>) src(%dma_wait3A_161 : memref<112xi32, #tpu.memory_space<hbm>>) dst(%arg9 : memref<112xi32, #tpu.memory_space<vmem>>)
      "tpu.region"() ({
        %run_scoped3A = tpu.sem_alloc : memref<!tpu.dma_semaphore, #tpu.memory_space<semaphore_mem>>
        %dma_start3A_169 = arith.constant 0 : i32
        %dma_start3A_170 = arith.constant 0 : i32
        %dma_start3A_171 = tpu.memref_slice %arg12[%dma_start3A_169, %dma_start3A_170] : memref<10112x128xf32, #tpu.memory_space<vmem_shared>> -> memref<10112x128xf32, #tpu.memory_space<vmem_shared>>
        tpu.enqueue_indirect_dma source(%arg11 : memref<112x128xf32, #tpu.memory_space<vmem>>) target(%dma_start3A_171 : memref<10112x128xf32, #tpu.memory_space<vmem_shared>>) offsets(%arg9 : memref<112xi32, #tpu.memory_space<vmem>>) semaphore(%run_scoped3A : memref<!tpu.dma_semaphore, #tpu.memory_space<semaphore_mem>>) {add = true}
        %dma_wait3A_172 = arith.constant 0 : i32
        %dma_wait3A_173 = arith.constant 0 : i32
        %dma_wait3A_174 = tpu.memref_slice %arg12[%dma_wait3A_172, %dma_wait3A_173] : memref<10112x128xf32, #tpu.memory_space<vmem_shared>> -> memref<10112x128xf32, #tpu.memory_space<vmem_shared>>
        tpu.wait_indirect_dma semaphore(%run_scoped3A : memref<!tpu.dma_semaphore, #tpu.memory_space<semaphore_mem>>) src(%arg11 : memref<112x128xf32, #tpu.memory_space<vmem>>) dst(%dma_wait3A_174 : memref<10112x128xf32, #tpu.memory_space<vmem_shared>>)
        tpu.yield
      }) : () -> ()
      %add3A_162 = arith.constant 3 : i32
      %add3A_163 = arith.addi %mul3A_106, %add3A_162 : i32
      %add3A_164 = arith.addi %select_n3A, %add3A_163 : i32
      %mul3A_165 = arith.constant 112 : i32
      %mul3A_166 = arith.muli %add3A_164, %mul3A_165 : i32
      %dma_start3A_167 = tpu.memref_slice %arg4[%mul3A_166] : memref<322560xi32, #tpu.memory_space<hbm>> -> memref<112xi32, #tpu.memory_space<hbm>>
      %dma_start3A_168 = tpu.memref_slice %arg4[%mul3A_166] : memref<322560xi32, #tpu.memory_space<hbm>> -> memref<112xi32, #tpu.memory_space<hbm>>
      tpu.enqueue_dma source(%dma_start3A_168 : memref<112xi32, #tpu.memory_space<hbm>>) target(%arg9 : memref<112xi32, #tpu.memory_space<vmem>>) target_semaphore(%arg18 : memref<!tpu.dma_semaphore, #tpu.memory_space<semaphore_mem>>)
    }
    %dma_wait3A = arith.constant 0 : i32
    %dma_wait3A_77 = tpu.memref_slice %arg3[%dma_wait3A] : memref<322560xi32, #tpu.memory_space<hbm>> -> memref<112xi32, #tpu.memory_space<hbm>>
    %dma_wait3A_78 = arith.constant 0 : i32
    %dma_wait3A_79 = tpu.memref_slice %arg3[%dma_wait3A_78] : memref<322560xi32, #tpu.memory_space<hbm>> -> memref<112xi32, #tpu.memory_space<hbm>>
    tpu.wait_dma2 semaphore(%arg16 : memref<!tpu.dma_semaphore, #tpu.memory_space<semaphore_mem>>) src(%dma_wait3A_79 : memref<112xi32, #tpu.memory_space<hbm>>) dst(%arg7 : memref<112xi32, #tpu.memory_space<vmem>>)
    %dma_start3A_80 = arith.constant 0 : i32
    %dma_start3A_81 = arith.constant 0 : i32
    %dma_start3A_82 = tpu.memref_slice %arg2[%dma_start3A_80, %dma_start3A_81] : memref<10000x128xf32, #tpu.memory_space<hbm>> -> memref<10000x128xf32, #tpu.memory_space<hbm>>
    tpu.enqueue_indirect_dma source(%dma_start3A_82 : memref<10000x128xf32, #tpu.memory_space<hbm>>) target(%arg11 : memref<112x128xf32, #tpu.memory_space<vmem>>) offsets(%arg7 : memref<112xi32, #tpu.memory_space<vmem>>) semaphore(%arg14 : memref<!tpu.dma_semaphore, #tpu.memory_space<semaphore_mem>>)
    %dma_wait3A_83 = arith.constant 0 : i32
    %dma_wait3A_84 = arith.constant 0 : i32
    %dma_wait3A_85 = tpu.memref_slice %arg2[%dma_wait3A_83, %dma_wait3A_84] : memref<10000x128xf32, #tpu.memory_space<hbm>> -> memref<112x128xf32, #tpu.memory_space<hbm>>
    %dma_wait3A_86 = arith.constant 0 : i32
    %dma_wait3A_87 = arith.constant 0 : i32
    %dma_wait3A_88 = tpu.memref_slice %arg2[%dma_wait3A_86, %dma_wait3A_87] : memref<10000x128xf32, #tpu.memory_space<hbm>> -> memref<112x128xf32, #tpu.memory_space<hbm>>
    tpu.wait_dma2 semaphore(%arg13 : memref<!tpu.dma_semaphore, #tpu.memory_space<semaphore_mem>>) src(%dma_wait3A_88 : memref<112x128xf32, #tpu.memory_space<hbm>>) dst(%arg10 : memref<112x128xf32, #tpu.memory_space<vmem>>)
    %dma_wait3A_89 = arith.constant 0 : i32
    %dma_wait3A_90 = tpu.memref_slice %arg4[%dma_wait3A_89] : memref<322560xi32, #tpu.memory_space<hbm>> -> memref<112xi32, #tpu.memory_space<hbm>>
    %dma_wait3A_91 = arith.constant 0 : i32
    %dma_wait3A_92 = tpu.memref_slice %arg4[%dma_wait3A_91] : memref<322560xi32, #tpu.memory_space<hbm>> -> memref<112xi32, #tpu.memory_space<hbm>>
    tpu.wait_dma2 semaphore(%arg17 : memref<!tpu.dma_semaphore, #tpu.memory_space<semaphore_mem>>) src(%dma_wait3A_92 : memref<112xi32, #tpu.memory_space<hbm>>) dst(%arg8 : memref<112xi32, #tpu.memory_space<vmem>>)
    "tpu.region"() ({
      %run_scoped3A = tpu.sem_alloc : memref<!tpu.dma_semaphore, #tpu.memory_space<semaphore_mem>>
      %dma_start3A_104 = arith.constant 0 : i32
      %dma_start3A_105 = arith.constant 0 : i32
      %dma_start3A_106 = tpu.memref_slice %arg12[%dma_start3A_104, %dma_start3A_105] : memref<10112x128xf32, #tpu.memory_space<vmem_shared>> -> memref<10112x128xf32, #tpu.memory_space<vmem_shared>>
      tpu.enqueue_indirect_dma source(%arg10 : memref<112x128xf32, #tpu.memory_space<vmem>>) target(%dma_start3A_106 : memref<10112x128xf32, #tpu.memory_space<vmem_shared>>) offsets(%arg8 : memref<112xi32, #tpu.memory_space<vmem>>) semaphore(%run_scoped3A : memref<!tpu.dma_semaphore, #tpu.memory_space<semaphore_mem>>) {add = true}
      %dma_wait3A_107 = arith.constant 0 : i32
      %dma_wait3A_108 = arith.constant 0 : i32
      %dma_wait3A_109 = tpu.memref_slice %arg12[%dma_wait3A_107, %dma_wait3A_108] : memref<10112x128xf32, #tpu.memory_space<vmem_shared>> -> memref<10112x128xf32, #tpu.memory_space<vmem_shared>>
      tpu.wait_indirect_dma semaphore(%run_scoped3A : memref<!tpu.dma_semaphore, #tpu.memory_space<semaphore_mem>>) src(%arg10 : memref<112x128xf32, #tpu.memory_space<vmem>>) dst(%dma_wait3A_109 : memref<10112x128xf32, #tpu.memory_space<vmem_shared>>)
      tpu.yield
    }) : () -> ()
    %dma_wait3A_93 = arith.constant 0 : i32
    %dma_wait3A_94 = arith.constant 0 : i32
    %dma_wait3A_95 = tpu.memref_slice %arg2[%dma_wait3A_93, %dma_wait3A_94] : memref<10000x128xf32, #tpu.memory_space<hbm>> -> memref<112x128xf32, #tpu.memory_space<hbm>>
    %dma_wait3A_96 = arith.constant 0 : i32
    %dma_wait3A_97 = arith.constant 0 : i32
    %dma_wait3A_98 = tpu.memref_slice %arg2[%dma_wait3A_96, %dma_wait3A_97] : memref<10000x128xf32, #tpu.memory_space<hbm>> -> memref<112x128xf32, #tpu.memory_space<hbm>>
    tpu.wait_dma2 semaphore(%arg14 : memref<!tpu.dma_semaphore, #tpu.memory_space<semaphore_mem>>) src(%dma_wait3A_98 : memref<112x128xf32, #tpu.memory_space<hbm>>) dst(%arg11 : memref<112x128xf32, #tpu.memory_space<vmem>>)
    %dma_wait3A_99 = arith.constant 0 : i32
    %dma_wait3A_100 = tpu.memref_slice %arg4[%dma_wait3A_99] : memref<322560xi32, #tpu.memory_space<hbm>> -> memref<112xi32, #tpu.memory_space<hbm>>
    %dma_wait3A_101 = arith.constant 0 : i32
    %dma_wait3A_102 = tpu.memref_slice %arg4[%dma_wait3A_101] : memref<322560xi32, #tpu.memory_space<hbm>> -> memref<112xi32, #tpu.memory_space<hbm>>
    tpu.wait_dma2 semaphore(%arg18 : memref<!tpu.dma_semaphore, #tpu.memory_space<semaphore_mem>>) src(%dma_wait3A_102 : memref<112xi32, #tpu.memory_space<hbm>>) dst(%arg9 : memref<112xi32, #tpu.memory_space<vmem>>)
    "tpu.region"() ({
      %run_scoped3A = tpu.sem_alloc : memref<!tpu.dma_semaphore, #tpu.memory_space<semaphore_mem>>
      %dma_start3A_104 = arith.constant 0 : i32
      %dma_start3A_105 = arith.constant 0 : i32
      %dma_start3A_106 = tpu.memref_slice %arg12[%dma_start3A_104, %dma_start3A_105] : memref<10112x128xf32, #tpu.memory_space<vmem_shared>> -> memref<10112x128xf32, #tpu.memory_space<vmem_shared>>
      tpu.enqueue_indirect_dma source(%arg11 : memref<112x128xf32, #tpu.memory_space<vmem>>) target(%dma_start3A_106 : memref<10112x128xf32, #tpu.memory_space<vmem_shared>>) offsets(%arg9 : memref<112xi32, #tpu.memory_space<vmem>>) semaphore(%run_scoped3A : memref<!tpu.dma_semaphore, #tpu.memory_space<semaphore_mem>>) {add = true}
      %dma_wait3A_107 = arith.constant 0 : i32
      %dma_wait3A_108 = arith.constant 0 : i32
      %dma_wait3A_109 = tpu.memref_slice %arg12[%dma_wait3A_107, %dma_wait3A_108] : memref<10112x128xf32, #tpu.memory_space<vmem_shared>> -> memref<10112x128xf32, #tpu.memory_space<vmem_shared>>
      tpu.wait_indirect_dma semaphore(%run_scoped3A : memref<!tpu.dma_semaphore, #tpu.memory_space<semaphore_mem>>) src(%arg11 : memref<112x128xf32, #tpu.memory_space<vmem>>) dst(%dma_wait3A_109 : memref<10112x128xf32, #tpu.memory_space<vmem_shared>>)
      tpu.yield
    }) : () -> ()
    %barrier3A_103 = arith.constant 0 : index
    tpu.barrier barrier_id(%barrier3A_103)
    "tpu.region"() ({
      %run_scoped3A = tpu.sem_alloc : memref<!tpu.dma_semaphore, #tpu.memory_space<semaphore_mem>>
      %dma_start3A_104 = arith.constant 0 : i32
      %dma_start3A_105 = tpu.memref_slice %arg5[%arg0, %mul3A_14, %dma_start3A_104] : memref<2x10112x128xf32, #tpu.memory_space<hbm>> -> memref<1x632x128xf32, #tpu.memory_space<hbm>>
      %dma_start3A_106 = tpu.memref_squeeze %dma_start3A_105 : memref<1x632x128xf32, #tpu.memory_space<hbm>> -> memref<632x128xf32, #tpu.memory_space<hbm>>
      %dma_start3A_107 = arith.constant 0 : i32
      %dma_start3A_108 = tpu.memref_slice %arg12[%mul3A_14, %dma_start3A_107] : memref<10112x128xf32, #tpu.memory_space<vmem_shared>> -> memref<632x128xf32, #tpu.memory_space<vmem_shared>>
      tpu.enqueue_dma source(%dma_start3A_108 : memref<632x128xf32, #tpu.memory_space<vmem_shared>>) target(%dma_start3A_106 : memref<632x128xf32, #tpu.memory_space<hbm>>) target_semaphore(%run_scoped3A : memref<!tpu.dma_semaphore, #tpu.memory_space<semaphore_mem>>)
      %dma_wait3A_109 = arith.constant 0 : i32
      %dma_wait3A_110 = tpu.memref_slice %arg5[%arg0, %mul3A_14, %dma_wait3A_109] : memref<2x10112x128xf32, #tpu.memory_space<hbm>> -> memref<1x632x128xf32, #tpu.memory_space<hbm>>
      %dma_wait3A_111 = tpu.memref_squeeze %dma_wait3A_110 : memref<1x632x128xf32, #tpu.memory_space<hbm>> -> memref<632x128xf32, #tpu.memory_space<hbm>>
      %dma_wait3A_112 = arith.constant 0 : i32
      %dma_wait3A_113 = tpu.memref_slice %arg12[%mul3A_14, %dma_wait3A_112] : memref<10112x128xf32, #tpu.memory_space<vmem_shared>> -> memref<632x128xf32, #tpu.memory_space<vmem_shared>>
      tpu.wait_dma2 semaphore(%run_scoped3A : memref<!tpu.dma_semaphore, #tpu.memory_space<semaphore_mem>>) src(%dma_wait3A_113 : memref<632x128xf32, #tpu.memory_space<vmem_shared>>) dst(%dma_wait3A_111 : memref<632x128xf32, #tpu.memory_space<hbm>>)
      tpu.yield
    }) : () -> ()
    return
  }
}

module attributes {stable_mosaic.version = 14 : i64} {
  func.func @_tc_dense_body(%arg0: i32, %arg1: memref<400x128xf32, #tpu.memory_space<vmem>>, %arg2: memref<2x400x128xf32, #tpu.memory_space<vmem>>, %arg3: memref<2x400x128xf32, #tpu.memory_space<vmem>>, %arg4: memref<128x128xf32, #tpu.memory_space<vmem>>, %arg5: memref<1x128xf32, #tpu.memory_space<vmem>>, %arg6: memref<128x128xf32, #tpu.memory_space<vmem>>, %arg7: memref<1x128xf32, #tpu.memory_space<vmem>>, %arg8: memref<1x128xf32, #tpu.memory_space<vmem>>, %arg9: memref<400x128xf32, #tpu.memory_space<vmem>>) attributes {dimension_semantics = [#tpu.dimension_semantics<arbitrary>], iteration_bounds = array<i64: 25>, scalar_prefetch = 0 : i64, scratch_operands = 0 : i64, tpu.core_type = #tpu.core_type<tc>, window_params = [{transform_indices = @transform_0, window_bounds = array<i64: 400, 128>}, {transform_indices = @transform_1, window_bounds = array<i64: 2, 400, 128>}, {transform_indices = @transform_2, window_bounds = array<i64: 2, 400, 128>}, {pipeline_mode = #tpu.pipeline_mode<synchronous>, transform_indices = @transform_3, window_bounds = array<i64: 128, 128>}, {pipeline_mode = #tpu.pipeline_mode<synchronous>, transform_indices = @transform_4, window_bounds = array<i64: 1, 128>}, {pipeline_mode = #tpu.pipeline_mode<synchronous>, transform_indices = @transform_5, window_bounds = array<i64: 128, 128>}, {pipeline_mode = #tpu.pipeline_mode<synchronous>, transform_indices = @transform_6, window_bounds = array<i64: 1, 128>}, {pipeline_mode = #tpu.pipeline_mode<synchronous>, transform_indices = @transform_7, window_bounds = array<i64: 1, 128>}, {transform_indices = @transform_8, window_bounds = array<i64: 400, 128>}]} {
    %get3A = arith.constant 0 : index
    %get3A_0 = arith.constant 0 : index
    %get3A_1 = vector.load %arg1[%get3A, %get3A_0] : memref<400x128xf32, #tpu.memory_space<vmem>>, vector<400x128xf32>
    %get3A_2 = arith.constant 0 : index
    %get3A_3 = arith.constant 0 : index
    %get3A_4 = arith.constant 0 : index
    %get3A_5 = vector.load %arg2[%get3A_2, %get3A_3, %get3A_4] : memref<2x400x128xf32, #tpu.memory_space<vmem>>, vector<1x400x128xf32>
    %get3A_6 = vector.shape_cast %get3A_5 : vector<1x400x128xf32> to vector<400x128xf32>
    %get3A_7 = arith.constant 1 : index
    %get3A_8 = arith.constant 0 : index
    %get3A_9 = arith.constant 0 : index
    %get3A_10 = vector.load %arg2[%get3A_7, %get3A_8, %get3A_9] : memref<2x400x128xf32, #tpu.memory_space<vmem>>, vector<1x400x128xf32>
    %get3A_11 = vector.shape_cast %get3A_10 : vector<1x400x128xf32> to vector<400x128xf32>
    %add3A = arith.addf %get3A_6, %get3A_11 : vector<400x128xf32>
    %get3A_12 = arith.constant 0 : index
    %get3A_13 = arith.constant 0 : index
    %get3A_14 = arith.constant 0 : index
    %get3A_15 = vector.load %arg3[%get3A_12, %get3A_13, %get3A_14] : memref<2x400x128xf32, #tpu.memory_space<vmem>>, vector<1x400x1xf32>
    %get3A_16 = vector.shape_cast %get3A_15 : vector<1x400x1xf32> to vector<400x1xf32>
    %get3A_17 = arith.constant 1 : index
    %get3A_18 = arith.constant 0 : index
    %get3A_19 = arith.constant 0 : index
    %get3A_20 = vector.load %arg3[%get3A_17, %get3A_18, %get3A_19] : memref<2x400x128xf32, #tpu.memory_space<vmem>>, vector<1x400x1xf32>
    %get3A_21 = vector.shape_cast %get3A_20 : vector<1x400x1xf32> to vector<400x1xf32>
    %add3A_22 = arith.addf %get3A_16, %get3A_21 : vector<400x1xf32>
    %max3A = arith.constant 1.000000e+00 : f32
    %max3A_23 = vector.broadcast %max3A : f32 to vector<400x1xf32>
    %max3A_24 = arith.maximumf %add3A_22, %max3A_23 : vector<400x1xf32>
    %div3A = vector.broadcast %max3A_24 : vector<400x1xf32> to vector<400x128xf32>
    %div3A_25 = arith.divf %add3A, %div3A : vector<400x128xf32>
    %get3A_26 = arith.constant 0 : index
    %get3A_27 = arith.constant 0 : index
    %get3A_28 = vector.load %arg4[%get3A_26, %get3A_27] : memref<128x128xf32, #tpu.memory_space<vmem>>, vector<128x128xf32>
    %dot_general3A = arith.constant dense<0.000000e+00> : vector<400x128xf32>
    %dot_general3A_29 = tpu.matmul %div3A_25, %get3A_28, %dot_general3A {dimension_numbers = #tpu.dot_dimension_numbers<[1], [0], [0], [1], [0, 0, 1, 1], [], []>, transpose_lhs_hint = false} : vector<400x128xf32>, vector<128x128xf32>, vector<400x128xf32> -> vector<400x128xf32>
    %get3A_30 = arith.constant 0 : index
    %get3A_31 = arith.constant 0 : index
    %get3A_32 = vector.load %arg5[%get3A_30, %get3A_31] : memref<1x128xf32, #tpu.memory_space<vmem>>, vector<1x128xf32>
    %add3A_33 = vector.broadcast %get3A_32 : vector<1x128xf32> to vector<400x128xf32>
    %add3A_34 = arith.addf %dot_general3A_29, %add3A_33 : vector<400x128xf32>
    %get3A_35 = arith.constant 0 : index
    %get3A_36 = arith.constant 0 : index
    %get3A_37 = vector.load %arg6[%get3A_35, %get3A_36] : memref<128x128xf32, #tpu.memory_space<vmem>>, vector<128x128xf32>
    %dot_general3A_38 = arith.constant dense<0.000000e+00> : vector<400x128xf32>
    %dot_general3A_39 = tpu.matmul %get3A_1, %get3A_37, %dot_general3A_38 {dimension_numbers = #tpu.dot_dimension_numbers<[1], [0], [0], [1], [0, 0, 1, 1], [], []>, transpose_lhs_hint = false} : vector<400x128xf32>, vector<128x128xf32>, vector<400x128xf32> -> vector<400x128xf32>
    %add3A_40 = arith.addf %add3A_34, %dot_general3A_39 : vector<400x128xf32>
    %reduce_sum3A = arith.constant dense<0.000000e+00> : vector<400xf32>
    %reduce_sum3A_41 = vector.multi_reduction <add>, %add3A_40, %reduce_sum3A [1] : vector<400x128xf32> to vector<400xf32>
    %broadcast_in_dim3A = vector.shape_cast %reduce_sum3A_41 : vector<400xf32> to vector<400x1xf32>
    %div3A_42 = arith.constant 1.280000e+02 : f32
    %div3A_43 = vector.broadcast %div3A_42 : f32 to vector<400x1xf32>
    %div3A_44 = arith.divf %broadcast_in_dim3A, %div3A_43 : vector<400x1xf32>
    %sub3A = vector.broadcast %div3A_44 : vector<400x1xf32> to vector<400x128xf32>
    %sub3A_45 = arith.subf %add3A_40, %sub3A : vector<400x128xf32>
    %integer_pow3A = arith.mulf %sub3A_45, %sub3A_45 : vector<400x128xf32>
    %reduce_sum3A_46 = arith.constant dense<0.000000e+00> : vector<400xf32>
    %reduce_sum3A_47 = vector.multi_reduction <add>, %integer_pow3A, %reduce_sum3A_46 [1] : vector<400x128xf32> to vector<400xf32>
    %broadcast_in_dim3A_48 = vector.shape_cast %reduce_sum3A_47 : vector<400xf32> to vector<400x1xf32>
    %div3A_49 = arith.constant 1.280000e+02 : f32
    %div3A_50 = vector.broadcast %div3A_49 : f32 to vector<400x1xf32>
    %div3A_51 = arith.divf %broadcast_in_dim3A_48, %div3A_50 : vector<400x1xf32>
    %sub3A_52 = vector.broadcast %div3A_44 : vector<400x1xf32> to vector<400x128xf32>
    %sub3A_53 = arith.subf %add3A_40, %sub3A_52 : vector<400x128xf32>
    %add3A_54 = arith.constant 9.99999974E-6 : f32
    %add3A_55 = vector.broadcast %add3A_54 : f32 to vector<400x1xf32>
    %add3A_56 = arith.addf %div3A_51, %add3A_55 : vector<400x1xf32>
    %rsqrt3A = math.rsqrt %add3A_56 : vector<400x1xf32>
    %mul3A = vector.broadcast %rsqrt3A : vector<400x1xf32> to vector<400x128xf32>
    %mul3A_57 = arith.mulf %sub3A_53, %mul3A : vector<400x128xf32>
    %get3A_58 = arith.constant 0 : index
    %get3A_59 = arith.constant 0 : index
    %get3A_60 = vector.load %arg7[%get3A_58, %get3A_59] : memref<1x128xf32, #tpu.memory_space<vmem>>, vector<1x128xf32>
    %mul3A_61 = vector.broadcast %get3A_60 : vector<1x128xf32> to vector<400x128xf32>
    %mul3A_62 = arith.mulf %mul3A_57, %mul3A_61 : vector<400x128xf32>
    %get3A_63 = arith.constant 0 : index
    %get3A_64 = arith.constant 0 : index
    %get3A_65 = vector.load %arg8[%get3A_63, %get3A_64] : memref<1x128xf32, #tpu.memory_space<vmem>>, vector<1x128xf32>
    %add3A_66 = vector.broadcast %get3A_65 : vector<1x128xf32> to vector<400x128xf32>
    %add3A_67 = arith.addf %mul3A_62, %add3A_66 : vector<400x128xf32>
    %mul3A_68 = arith.constant 5.000000e-01 : f32
    %mul3A_69 = vector.broadcast %mul3A_68 : f32 to vector<400x128xf32>
    %mul3A_70 = arith.mulf %mul3A_69, %add3A_67 : vector<400x128xf32>
    %div3A_71 = arith.constant 1.41421354 : f32
    %div3A_72 = vector.broadcast %div3A_71 : f32 to vector<400x128xf32>
    %div3A_73 = arith.divf %add3A_67, %div3A_72 : vector<400x128xf32>
    %erf3A = math.erf %div3A_73 : vector<400x128xf32>
    %add3A_74 = arith.constant 1.000000e+00 : f32
    %add3A_75 = vector.broadcast %add3A_74 : f32 to vector<400x128xf32>
    %add3A_76 = arith.addf %add3A_75, %erf3A : vector<400x128xf32>
    %mul3A_77 = arith.mulf %mul3A_70, %add3A_76 : vector<400x128xf32>
    %add3A_78 = arith.addf %get3A_1, %mul3A_77 : vector<400x128xf32>
    %swap3A = arith.constant 0 : index
    %swap3A_79 = arith.constant 0 : index
    %swap3A_80 = vector.load %arg9[%swap3A, %swap3A_79] : memref<400x128xf32, #tpu.memory_space<vmem>>, vector<400x128xf32>
    tpu.vector_store %arg9[%swap3A, %swap3A_79], %add3A_78 {strides = array<i32>} : memref<400x128xf32, #tpu.memory_space<vmem>>, vector<400x128xf32>,
    return
  }
  func.func @transform_0(%arg0: i32) -> (i32, i32) {
    %c0_i32 = arith.constant 0 : i32
    %c0_i32_0 = arith.constant 0 : i32
    return %arg0, %c0_i32 : i32, i32
  }
  func.func @transform_1(%arg0: i32) -> (i32, i32, i32) {
    %c0_i32 = arith.constant 0 : i32
    %c0_i32_0 = arith.constant 0 : i32
    %c0_i32_1 = arith.constant 0 : i32
    return %c0_i32, %arg0, %c0_i32_0 : i32, i32, i32
  }
  func.func @transform_2(%arg0: i32) -> (i32, i32, i32) {
    %c0_i32 = arith.constant 0 : i32
    %c0_i32_0 = arith.constant 0 : i32
    %c0_i32_1 = arith.constant 0 : i32
    return %c0_i32, %arg0, %c0_i32_0 : i32, i32, i32
  }
  func.func @transform_3(%arg0: i32) -> (i32, i32) {
    %c0_i32 = arith.constant 0 : i32
    %c0_i32_0 = arith.constant 0 : i32
    %c0_i32_1 = arith.constant 0 : i32
    return %c0_i32, %c0_i32_0 : i32, i32
  }
  func.func @transform_4(%arg0: i32) -> (i32, i32) {
    %c0_i32 = arith.constant 0 : i32
    %c0_i32_0 = arith.constant 0 : i32
    %c0_i32_1 = arith.constant 0 : i32
    return %c0_i32, %c0_i32_0 : i32, i32
  }
  func.func @transform_5(%arg0: i32) -> (i32, i32) {
    %c0_i32 = arith.constant 0 : i32
    %c0_i32_0 = arith.constant 0 : i32
    %c0_i32_1 = arith.constant 0 : i32
    return %c0_i32, %c0_i32_0 : i32, i32
  }
  func.func @transform_6(%arg0: i32) -> (i32, i32) {
    %c0_i32 = arith.constant 0 : i32
    %c0_i32_0 = arith.constant 0 : i32
    %c0_i32_1 = arith.constant 0 : i32
    return %c0_i32, %c0_i32_0 : i32, i32
  }
  func.func @transform_7(%arg0: i32) -> (i32, i32) {
    %c0_i32 = arith.constant 0 : i32
    %c0_i32_0 = arith.constant 0 : i32
    %c0_i32_1 = arith.constant 0 : i32
    return %c0_i32, %c0_i32_0 : i32, i32
  }
  func.func @transform_8(%arg0: i32) -> (i32, i32) {
    %c0_i32 = arith.constant 0 : i32
    %c0_i32_0 = arith.constant 0 : i32
    return %arg0, %c0_i32 : i32, i32
  }
}

module attributes {stable_mosaic.version = 14 : i64} {
  func.func @_tc_dense_body(%arg0: i32, %arg1: memref<400x128xf32, #tpu.memory_space<vmem>>, %arg2: memref<2x400x128xf32, #tpu.memory_space<vmem>>, %arg3: memref<2x400x128xf32, #tpu.memory_space<vmem>>, %arg4: memref<128x128xf32, #tpu.memory_space<vmem>>, %arg5: memref<1x128xf32, #tpu.memory_space<vmem>>, %arg6: memref<128x128xf32, #tpu.memory_space<vmem>>, %arg7: memref<1x128xf32, #tpu.memory_space<vmem>>, %arg8: memref<1x128xf32, #tpu.memory_space<vmem>>, %arg9: memref<400x128xf32, #tpu.memory_space<vmem>>) attributes {dimension_semantics = [#tpu.dimension_semantics<arbitrary>], iteration_bounds = array<i64: 25>, scalar_prefetch = 0 : i64, scratch_operands = 0 : i64, tpu.core_type = #tpu.core_type<tc>, window_params = [{transform_indices = @transform_0, window_bounds = array<i64: 400, 128>}, {transform_indices = @transform_1, window_bounds = array<i64: 2, 400, 128>}, {transform_indices = @transform_2, window_bounds = array<i64: 2, 400, 128>}, {pipeline_mode = #tpu.pipeline_mode<synchronous>, transform_indices = @transform_3, window_bounds = array<i64: 128, 128>}, {pipeline_mode = #tpu.pipeline_mode<synchronous>, transform_indices = @transform_4, window_bounds = array<i64: 1, 128>}, {pipeline_mode = #tpu.pipeline_mode<synchronous>, transform_indices = @transform_5, window_bounds = array<i64: 128, 128>}, {pipeline_mode = #tpu.pipeline_mode<synchronous>, transform_indices = @transform_6, window_bounds = array<i64: 1, 128>}, {pipeline_mode = #tpu.pipeline_mode<synchronous>, transform_indices = @transform_7, window_bounds = array<i64: 1, 128>}, {transform_indices = @transform_8, window_bounds = array<i64: 400, 128>}]} {
    %get3A = arith.constant 0 : index
    %get3A_0 = arith.constant 0 : index
    %get3A_1 = vector.load %arg1[%get3A, %get3A_0] : memref<400x128xf32, #tpu.memory_space<vmem>>, vector<400x128xf32>
    %get3A_2 = arith.constant 0 : index
    %get3A_3 = arith.constant 0 : index
    %get3A_4 = arith.constant 0 : index
    %get3A_5 = vector.load %arg2[%get3A_2, %get3A_3, %get3A_4] : memref<2x400x128xf32, #tpu.memory_space<vmem>>, vector<1x400x128xf32>
    %get3A_6 = vector.shape_cast %get3A_5 : vector<1x400x128xf32> to vector<400x128xf32>
    %get3A_7 = arith.constant 1 : index
    %get3A_8 = arith.constant 0 : index
    %get3A_9 = arith.constant 0 : index
    %get3A_10 = vector.load %arg2[%get3A_7, %get3A_8, %get3A_9] : memref<2x400x128xf32, #tpu.memory_space<vmem>>, vector<1x400x128xf32>
    %get3A_11 = vector.shape_cast %get3A_10 : vector<1x400x128xf32> to vector<400x128xf32>
    %add3A = arith.addf %get3A_6, %get3A_11 : vector<400x128xf32>
    %get3A_12 = arith.constant 0 : index
    %get3A_13 = arith.constant 0 : index
    %get3A_14 = arith.constant 0 : index
    %get3A_15 = vector.load %arg3[%get3A_12, %get3A_13, %get3A_14] : memref<2x400x128xf32, #tpu.memory_space<vmem>>, vector<1x400x1xf32>
    %get3A_16 = vector.shape_cast %get3A_15 : vector<1x400x1xf32> to vector<400x1xf32>
    %get3A_17 = arith.constant 1 : index
    %get3A_18 = arith.constant 0 : index
    %get3A_19 = arith.constant 0 : index
    %get3A_20 = vector.load %arg3[%get3A_17, %get3A_18, %get3A_19] : memref<2x400x128xf32, #tpu.memory_space<vmem>>, vector<1x400x1xf32>
    %get3A_21 = vector.shape_cast %get3A_20 : vector<1x400x1xf32> to vector<400x1xf32>
    %add3A_22 = arith.addf %get3A_16, %get3A_21 : vector<400x1xf32>
    %max3A = arith.constant 1.000000e+00 : f32
    %max3A_23 = vector.broadcast %max3A : f32 to vector<400x1xf32>
    %max3A_24 = arith.maximumf %add3A_22, %max3A_23 : vector<400x1xf32>
    %div3A = vector.broadcast %max3A_24 : vector<400x1xf32> to vector<400x128xf32>
    %div3A_25 = arith.divf %add3A, %div3A : vector<400x128xf32>
    %get3A_26 = arith.constant 0 : index
    %get3A_27 = arith.constant 0 : index
    %get3A_28 = vector.load %arg4[%get3A_26, %get3A_27] : memref<128x128xf32, #tpu.memory_space<vmem>>, vector<128x128xf32>
    %dot_general3A = arith.constant dense<0.000000e+00> : vector<400x128xf32>
    %dot_general3A_29 = tpu.matmul %div3A_25, %get3A_28, %dot_general3A {dimension_numbers = #tpu.dot_dimension_numbers<[1], [0], [0], [1], [0, 0, 1, 1], [], []>, transpose_lhs_hint = false} : vector<400x128xf32>, vector<128x128xf32>, vector<400x128xf32> -> vector<400x128xf32>
    %get3A_30 = arith.constant 0 : index
    %get3A_31 = arith.constant 0 : index
    %get3A_32 = vector.load %arg5[%get3A_30, %get3A_31] : memref<1x128xf32, #tpu.memory_space<vmem>>, vector<1x128xf32>
    %add3A_33 = vector.broadcast %get3A_32 : vector<1x128xf32> to vector<400x128xf32>
    %add3A_34 = arith.addf %dot_general3A_29, %add3A_33 : vector<400x128xf32>
    %get3A_35 = arith.constant 0 : index
    %get3A_36 = arith.constant 0 : index
    %get3A_37 = vector.load %arg6[%get3A_35, %get3A_36] : memref<128x128xf32, #tpu.memory_space<vmem>>, vector<128x128xf32>
    %dot_general3A_38 = arith.constant dense<0.000000e+00> : vector<400x128xf32>
    %dot_general3A_39 = tpu.matmul %get3A_1, %get3A_37, %dot_general3A_38 {dimension_numbers = #tpu.dot_dimension_numbers<[1], [0], [0], [1], [0, 0, 1, 1], [], []>, transpose_lhs_hint = false} : vector<400x128xf32>, vector<128x128xf32>, vector<400x128xf32> -> vector<400x128xf32>
    %add3A_40 = arith.addf %add3A_34, %dot_general3A_39 : vector<400x128xf32>
    %reduce_sum3A = arith.constant dense<0.000000e+00> : vector<400xf32>
    %reduce_sum3A_41 = vector.multi_reduction <add>, %add3A_40, %reduce_sum3A [1] : vector<400x128xf32> to vector<400xf32>
    %broadcast_in_dim3A = vector.shape_cast %reduce_sum3A_41 : vector<400xf32> to vector<400x1xf32>
    %div3A_42 = arith.constant 1.280000e+02 : f32
    %div3A_43 = vector.broadcast %div3A_42 : f32 to vector<400x1xf32>
    %div3A_44 = arith.divf %broadcast_in_dim3A, %div3A_43 : vector<400x1xf32>
    %sub3A = vector.broadcast %div3A_44 : vector<400x1xf32> to vector<400x128xf32>
    %sub3A_45 = arith.subf %add3A_40, %sub3A : vector<400x128xf32>
    %integer_pow3A = arith.mulf %sub3A_45, %sub3A_45 : vector<400x128xf32>
    %reduce_sum3A_46 = arith.constant dense<0.000000e+00> : vector<400xf32>
    %reduce_sum3A_47 = vector.multi_reduction <add>, %integer_pow3A, %reduce_sum3A_46 [1] : vector<400x128xf32> to vector<400xf32>
    %broadcast_in_dim3A_48 = vector.shape_cast %reduce_sum3A_47 : vector<400xf32> to vector<400x1xf32>
    %div3A_49 = arith.constant 1.280000e+02 : f32
    %div3A_50 = vector.broadcast %div3A_49 : f32 to vector<400x1xf32>
    %div3A_51 = arith.divf %broadcast_in_dim3A_48, %div3A_50 : vector<400x1xf32>
    %sub3A_52 = vector.broadcast %div3A_44 : vector<400x1xf32> to vector<400x128xf32>
    %sub3A_53 = arith.subf %add3A_40, %sub3A_52 : vector<400x128xf32>
    %add3A_54 = arith.constant 9.99999974E-6 : f32
    %add3A_55 = vector.broadcast %add3A_54 : f32 to vector<400x1xf32>
    %add3A_56 = arith.addf %div3A_51, %add3A_55 : vector<400x1xf32>
    %rsqrt3A = math.rsqrt %add3A_56 : vector<400x1xf32>
    %mul3A = vector.broadcast %rsqrt3A : vector<400x1xf32> to vector<400x128xf32>
    %mul3A_57 = arith.mulf %sub3A_53, %mul3A : vector<400x128xf32>
    %get3A_58 = arith.constant 0 : index
    %get3A_59 = arith.constant 0 : index
    %get3A_60 = vector.load %arg7[%get3A_58, %get3A_59] : memref<1x128xf32, #tpu.memory_space<vmem>>, vector<1x128xf32>
    %mul3A_61 = vector.broadcast %get3A_60 : vector<1x128xf32> to vector<400x128xf32>
    %mul3A_62 = arith.mulf %mul3A_57, %mul3A_61 : vector<400x128xf32>
    %get3A_63 = arith.constant 0 : index
    %get3A_64 = arith.constant 0 : index
    %get3A_65 = vector.load %arg8[%get3A_63, %get3A_64] : memref<1x128xf32, #tpu.memory_space<vmem>>, vector<1x128xf32>
    %add3A_66 = vector.broadcast %get3A_65 : vector<1x128xf32> to vector<400x128xf32>
    %add3A_67 = arith.addf %mul3A_62, %add3A_66 : vector<400x128xf32>
    %mul3A_68 = arith.constant 5.000000e-01 : f32
    %mul3A_69 = vector.broadcast %mul3A_68 : f32 to vector<400x128xf32>
    %mul3A_70 = arith.mulf %mul3A_69, %add3A_67 : vector<400x128xf32>
    %div3A_71 = arith.constant 1.41421354 : f32
    %div3A_72 = vector.broadcast %div3A_71 : f32 to vector<400x128xf32>
    %div3A_73 = arith.divf %add3A_67, %div3A_72 : vector<400x128xf32>
    %erf3A = math.erf %div3A_73 : vector<400x128xf32>
    %add3A_74 = arith.constant 1.000000e+00 : f32
    %add3A_75 = vector.broadcast %add3A_74 : f32 to vector<400x128xf32>
    %add3A_76 = arith.addf %add3A_75, %erf3A : vector<400x128xf32>
    %mul3A_77 = arith.mulf %mul3A_70, %add3A_76 : vector<400x128xf32>
    %add3A_78 = arith.addf %get3A_1, %mul3A_77 : vector<400x128xf32>
    %swap3A = arith.constant 0 : index
    %swap3A_79 = arith.constant 0 : index
    %swap3A_80 = vector.load %arg9[%swap3A, %swap3A_79] : memref<400x128xf32, #tpu.memory_space<vmem>>, vector<400x128xf32>
    tpu.vector_store %arg9[%swap3A, %swap3A_79], %add3A_78 {strides = array<i32>} : memref<400x128xf32, #tpu.memory_space<vmem>>, vector<400x128xf32>,
    return
  }
  func.func @transform_0(%arg0: i32) -> (i32, i32) {
    %c0_i32 = arith.constant 0 : i32
    %c0_i32_0 = arith.constant 0 : i32
    return %arg0, %c0_i32 : i32, i32
  }
  func.func @transform_1(%arg0: i32) -> (i32, i32, i32) {
    %c0_i32 = arith.constant 0 : i32
    %c0_i32_0 = arith.constant 0 : i32
    %c0_i32_1 = arith.constant 0 : i32
    return %c0_i32, %arg0, %c0_i32_0 : i32, i32, i32
  }
  func.func @transform_2(%arg0: i32) -> (i32, i32, i32) {
    %c0_i32 = arith.constant 0 : i32
    %c0_i32_0 = arith.constant 0 : i32
    %c0_i32_1 = arith.constant 0 : i32
    return %c0_i32, %arg0, %c0_i32_0 : i32, i32, i32
  }
  func.func @transform_3(%arg0: i32) -> (i32, i32) {
    %c0_i32 = arith.constant 0 : i32
    %c0_i32_0 = arith.constant 0 : i32
    %c0_i32_1 = arith.constant 0 : i32
    return %c0_i32, %c0_i32_0 : i32, i32
  }
  func.func @transform_4(%arg0: i32) -> (i32, i32) {
    %c0_i32 = arith.constant 0 : i32
    %c0_i32_0 = arith.constant 0 : i32
    %c0_i32_1 = arith.constant 0 : i32
    return %c0_i32, %c0_i32_0 : i32, i32
  }
  func.func @transform_5(%arg0: i32) -> (i32, i32) {
    %c0_i32 = arith.constant 0 : i32
    %c0_i32_0 = arith.constant 0 : i32
    %c0_i32_1 = arith.constant 0 : i32
    return %c0_i32, %c0_i32_0 : i32, i32
  }
  func.func @transform_6(%arg0: i32) -> (i32, i32) {
    %c0_i32 = arith.constant 0 : i32
    %c0_i32_0 = arith.constant 0 : i32
    %c0_i32_1 = arith.constant 0 : i32
    return %c0_i32, %c0_i32_0 : i32, i32
  }
  func.func @transform_7(%arg0: i32) -> (i32, i32) {
    %c0_i32 = arith.constant 0 : i32
    %c0_i32_0 = arith.constant 0 : i32
    %c0_i32_1 = arith.constant 0 : i32
    return %c0_i32, %c0_i32_0 : i32, i32
  }
  func.func @transform_8(%arg0: i32) -> (i32, i32) {
    %c0_i32 = arith.constant 0 : i32
    %c0_i32_0 = arith.constant 0 : i32
    return %arg0, %c0_i32 : i32, i32
  }
}

</mosaic_0001>

<sc_bundles>
// kernel: kernel.10.cloned.1.call-start
scs
__scs_entry_jumppad:
0x0: {  	(pc) =	sbr.rel $0x88, $3  }
0x1: {  	(tag) =	ssettag $0x0;
	lr =	simm.s32 $0x1  }
0x2: {  	[smem:$0x3F95] =	sst lr;
	_ =	strace $0xD0000000  }
0x3: {  	_ = 	snop  }
0x4: {  	_ = 	snop  }
0x5: {  	_ = 	snop  }
0x6: {  	_ = 	snop  }
0x7: {  	_ = 	snop  }
__scs_overlays_trampoline_lowered:
0x8: {  	[smem:$0x3FA4] =	sst s0  }
0x9: {  	[smem:$0x3FA5] =	sst s1  }
0xa: {  	[smem:$0x3FA6] =	sst s2  }
0xb: {  	[smem:$0x3FA7] =	sst s3  }
0xc: {  	[smem:$0x3FA8] =	sst s4  }
0xd: {  	[smem:$0x3FA9] =	sst s5  }
0xe: {  	[smem:$0x3FAA] =	sst s6  }
0xf: {  	[smem:$0x3FAB] =	sst s7  }
0x10: {  	[smem:$0x3FAC] =	sst s8  }
0x11: {  	[smem:$0x3FAD] =	sst s9;
	s0 =	simm.s32 @!p0 $0x0  }
0x12: {  	s1 =	sld [smem:$0x3F93];
	s0 =	simm.s32 @p0 $0x1  }
0x13: {  	[smem:$0x3FAE] =	sst s0;
	s0 =	simm.s32 @!p1 $0x0  }
0x14: {  	s2 =	sld [smem:$0x3F92];
	s0 =	simm.s32 @p1 $0x1  }
0x15: {  	[smem:$0x3FAF] =	sst s0;
	s0 =	simm.s32 @!p2 $0x0  }
0x16: {  	s3 =	sld [smem:$0x3FDB];
	s0 =	simm.s32 @p2 $0x1  }
0x17: {  	s4 =	simm.s32 $0x1BF5;
	[smem:$0x3FB1] =	sst s0  }
0x18: {  	s0 =	sld [smem:$0x3F94];
	_ =	swait.ge [sflag:s4], $0x0  }
0x19: {  	s7 =	sld [smem:$0x3F95]  }
0x1a: {  	s8 =	sadd.s32 $0xFFFFE003, lr  }
0x1b: {  	s9 =	sadd.s32 $0xFFFFFEF7, lr;
	s5 =	simm.s32 $0xFFFFFFFF;
	p2 =	slt.u32 s8, $0xFFFFF086  }
0x1c: {  	p1 =	slt.u32 s9, $0xF7A;
	s5 =	simm.s32 @!p2 $0x0  }
0x1d: {  	s5 =	simm.s32 @p1 $0x1;
	p0 =	seq.s32 s7, s2  }
0x1e: {  	s7 =	smul.u32 @!p0 $0xF7A, s2;
	p2 =	seq.s32 @!p0 s5, $0x0  }
0x1f: {  	s9 =	smul.u32 $0xF7A, s1;
	s8 =	simm.s32 @!p0 $0x1BF5;
	p2 =	por !p2, p0  }
0x20: {  	[sflag:s8] =	ssyncset.s32 @!p0 $0xFFFFF086;
	s6 =	sadd.s32 @!p0 s3, s7;
	s7 =	simm.s32 @!p0 $0x108  }
0x21: {  	s3 =	sadd.s32 s3, s9;
	s6 =	sadd.s32 @!p0 $0x88, s6;
	s7 =	simm.s32 @p2 $0x1082  }
0x22: {  	[simem:s7], [sflag:s8] =	dma.local @!p0 [hbm:s6], $0xF7A  }
0x23: {  	s9 =	sor.u32 $0xD0000000, s2;
	s6 =	simm.s32 $0x108;
	_ =	swait.ge @!p0 [sflag:s8], $0x0  }
0x24: {  	s3 =	sadd.s32 $0x88, s3;
	s6 =	simm.s32 @!p1 $0x1082;
	[sflag:s4] =	ssyncset.s32 $0xFFFFF086  }
0x25: {  	[simem:s6], [sflag:s4] =	dma.local [hbm:s3], $0xF7A  }
0x26: {  	[smem:$0x3F95] =	sst s1;
	(tag) =	ssettag s2;
	_ =	strace s9  }
0x27: {  	s1 =	sld [smem:$0x3FA5]  }
0x28: {  	s2 =	sld [smem:$0x3FA6]  }
0x29: {  	s4 =	sld [smem:$0x3FA8]  }
0x2a: {  	p0 =	seq.s32 s5, $0x0;
	s5 =	sld [smem:$0x3FA9]  }
0x2b: {  	s6 =	sld [smem:$0x3FAA]  }
0x2c: {  	s7 =	sld [smem:$0x3FAB]  }
0x2d: {  	s3 =	simm.s32 $0x108;
	s8 =	sld [smem:$0x3FAC]  }
0x2e: {  	s3 =	simm.s32 @!p0 $0x1082;
	s9 =	sld [smem:$0x3FAD]  }
0x2f: {  	lr =	sadd.s32 s0, s3;
	s0 =	sld [smem:$0x3FA4]  }
0x30: {  	s3 =	sld [smem:$0x3FA7]  }
0x31: {  	[smem:$0x3FB0] =	sst s10  }
0x32: {  	s10 =	sld [smem:$0x3FAE];
	_ =	sdelay $0x3  }
0x33: {  	p0 =	seq.s32 s10, $0x1;
	s10 =	sld [smem:$0x3FB0];
	_ =	sdelay $0x3  }
0x34: {  	[smem:$0x3FB0] =	sst s10  }
0x35: {  	s10 =	sld [smem:$0x3FAF];
	_ =	sdelay $0x3  }
0x36: {  	p1 =	seq.s32 s10, $0x1;
	s10 =	sld [smem:$0x3FB0];
	_ =	sdelay $0x3  }
0x37: {  	[smem:$0x3FB0] =	sst s10  }
0x38: {  	s10 =	sld [smem:$0x3FB1]  }
0x39: {  	_ = 	snop;
	(pc) =	sbr.ind lr, $3  }
0x3a: {  	_ = 	snop  }
0x3b: {  	_ = 	snop  }
0x3c: {  	p2 =	seq.s32 s10, $0x1;
	s10 =	sld [smem:$0x3FB0]  }
0x3d: {  	_ =	shalt  }
0x3e: {  	_ =	shalt  }
0x3f: {  	_ =	shalt  }
0x40: {  	_ =	shalt  }
0x41: {  	_ =	shalt  }
0x42: {  	_ =	shalt  }
0x43: {  	_ =	shalt  }
0x44: {  	_ =	shalt  }
0x45: {  	_ =	shalt  }
0x46: {  	_ =	shalt  }
0x47: {  	_ =	shalt  }
0x48: {  	_ =	shalt  }
0x49: {  	_ =	shalt  }
0x4a: {  	_ =	shalt  }
0x4b: {  	_ =	shalt  }
0x4c: {  	_ =	shalt  }
0x4d: {  	_ =	shalt  }
0x4e: {  	_ =	shalt  }
0x4f: {  	_ =	shalt  }
0x50: {  	_ =	shalt  }
0x51: {  	_ =	shalt  }
0x52: {  	_ =	shalt  }
0x53: {  	_ =	shalt  }
0x54: {  	_ =	shalt  }
0x55: {  	_ =	shalt  }
0x56: {  	_ =	shalt  }
0x57: {  	_ =	shalt  }
0x58: {  	_ =	shalt  }
0x59: {  	_ =	shalt  }
0x5a: {  	_ =	shalt  }
0x5b: {  	_ =	shalt  }
0x5c: {  	_ =	shalt  }
0x5d: {  	_ =	shalt  }
0x5e: {  	_ =	shalt  }
0x5f: {  	_ =	shalt  }
0x60: {  	_ =	shalt  }
0x61: {  	_ =	shalt  }
0x62: {  	_ =	shalt  }
0x63: {  	_ =	shalt  }
0x64: {  	_ =	shalt  }
0x65: {  	_ =	shalt  }
0x66: {  	_ =	shalt  }
0x67: {  	_ =	shalt  }
0x68: {  	_ =	shalt  }
0x69: {  	_ =	shalt  }
0x6a: {  	_ =	shalt  }
0x6b: {  	_ =	shalt  }
0x6c: {  	_ =	shalt  }
0x6d: {  	_ =	shalt  }
0x6e: {  	_ =	shalt  }
0x6f: {  	_ =	shalt  }
0x70: {  	_ =	shalt  }
0x71: {  	_ =	shalt  }
0x72: {  	_ =	shalt  }
0x73: {  	_ =	shalt  }
0x74: {  	_ =	shalt  }
0x75: {  	_ =	shalt  }
0x76: {  	_ =	shalt  }
0x77: {  	_ =	shalt  }
0x78: {  	_ =	shalt  }
0x79: {  	_ =	shalt  }
0x7a: {  	_ =	shalt  }
0x7b: {  	_ =	shalt  }
0x7c: {  	_ =	shalt  }
0x7d: {  	_ =	shalt  }
0x7e: {  	_ =	shalt  }
0x7f: {  	_ =	shalt  }
0x80: {  	_ =	shalt  }
0x81: {  	_ =	shalt  }
0x82: {  	_ =	shalt  }
0x83: {  	_ =	shalt  }
0x84: {  	_ =	shalt  }
0x85: {  	_ =	shalt  }
0x86: {  	_ =	shalt  }
0x87: {  	_ =	shalt  }
.Lfunc_end0:
.L_simem_size_0:
called_computation.1_lowered:
.L_overlay_start_0:
0x88: {  	s2 =	sld [smem:$0x3FD9]  }
0x89: {  	s3 =	sld [smem:$0x3FFE];
	_ =	sdelay $0x1  }
0x8a: {  	s1 =	srdreg.scid  }
0x8b: {  	s0 =	sand.u32 $0x1, s1  }
0x8c: {  	s17 =	sshll.u32 s0, $0xA;
	s2 =	sadd.s32 s3, s2  }
0x8d: {  	s2 =	sadd.s32 s2, s17  }
0x8e: {  	[smem:$0x3FBC] =	sst s2  }
0x8f: {  	_ = 	snop  }
0x90: {  	s18 =	sld [smem:$0x3FC9];
	(tm) =	ssettm $0x1  }
0x91: {  	s19 =	sld [smem:$0x3FFB];
	_ =	sdelay $0x3  }
0x92: {  	_ =	strace s19  }
0x93: {  	s2 =	sld [smem:$0x3FFC];
	_ =	sdelay $0x3  }
0x94: {  	_ =	strace s2  }
0x95: {  	s2 =	sld [smem:$0x3FFD];
	_ =	sdelay $0x3  }
0x96: {  	_ =	strace s2  }
0x97: {  	_ =	strace $0x8FFFFFFF  }
0x98: {  	s20 =	sld [smem:$0x3FDB];
	_ =	sdelay $0x1  }
0x99: {  	s4 =	simm.s32 $_scs_section_size  }
0x9a: {  	s5 =	simm.s32 $_size__tile_overlayer_lowered;
	s6 =	simm.s32 $_tile_overlayer_lowered  }
0x9b: {  	s7 =	simm.s32 $0x1BFF;
	s21 =	sshll.u32 s6, $0x1;
	s4 =	sadd.s32 s4, s20  }
0x9c: {  	s22 =	simm.s32 $0x0;
	s5 =	sshll.u32 s5, $0x1;
	s6 =	sadd.s32 s21, s4  }
0x9d: {  	[timem:s22], [sflag:s7] =	dma.local [hbm:s6], s5  }
0x9e: {  	_ =	swait.ge [sflag:s7], s5  }
0x9f: {  	s5 =	ssub.s32 $0x0, s5;
	[sflag:s7] =	ssyncset.done $0x0  }
0xa0: {  	[sflag:s7] =	ssyncadd.s32 s5;
	_ =	sdelay $0x1  }
0xa1: {  	s23 =	simm.s32 $0x1B8B  }
0xa2: {  	_ =	swait.ge [sflag:s23], $0x1  }
0xa3: {  	[sflag:s23] =	ssyncset.done $0x0  }
0xa4: {  	[sflag:s23] =	ssyncadd.s32 $0xFFFFFFFF  }
0xa5: {  	s5 =	sld [smem:$0x0]  }
0xa6: {  	s6 =	sand.u32 $0xFFFFFFFE, s1  }
0xa7: {  	p0 =	sne.s32 s1, s6  }
0xa8: {  	s6 =	sshll.u32 @p0 s6, $0xE  }
0xa9: {  	s6 =	sadd.s32 @p0 $0x11B8D, s6;
	s7 =	sshll.u32 @p0 s5, $0x11  }
0xaa: {  	s6 =	sor.u32 @p0 s7, s6  }
0xab: {  	[sflag:s6] =	ssyncadd.remote.s32 @p0 $0x1;
	_ =	sdelay $0x1  }
0xac: {  	s6 =	simm.s32 @p0 $0x1B8D  }
0xad: {  	_ =	swait.eq @p0 [sflag:s6], $0x1  }
0xae: {  	[sflag:s6] =	ssyncadd.s32 @p0 $0xFFFFFFFF  }
0xaf: {  	s7 =	sshll.u32 @!p0 s1, $0xE  }
0xb0: {  	s7 =	sor.u32 @!p0 $0x4000, s7;
	s6 =	simm.s32 @!p0 $0x1B8D  }
0xb1: {  	s5 =	sshll.u32 @!p0 s5, $0x11;
	s7 =	sadd.s32 @!p0 $0x11B8D, s7;
	_ =	swait.eq @!p0 [sflag:s6], $0x1  }
0xb2: {  	s5 =	sor.u32 @!p0 s5, s7;
	[sflag:s6] =	ssyncadd.s32 @!p0 $0xFFFFFFFF  }
0xb3: {  	s25 =	simm.s32 $0x1B8E;
	s24 =	sld [smem:$0x3FFE];
	[sflag:s5] =	ssyncadd.remote.s32 @!p0 $0x1  }
0xb4: {  	s26 =	simm.s32 $execute0_lowered;
	[smem:$0x3FD2] =	sst s25  }
0xb5: {  	s6 =	sshll.u32 s26, $0x1;
	_ =	strace $0x80000049;
	[dreg:$0x1] =	wrdreg $0xFFFFFFFF  }
0xb6: {  	s28 =	simm.s32 $_size_execute0_lowered;
	s4 =	sadd.s32 s4, s6;
	[dreg:$0x0] =	wrdreg $0x0  }
0xb7: {  	s6 =	sshll.u32 s28, $0x1;
	[dreg:$0x2] =	wrdreg s4  }
0xb8: {  	[dreg:$0x3] =	wrdreg s6  }
0xb9: {  	[dreg:$0x4] =	wrdreg $0xC0  }
0xba: {  	_ =	task [dreg:s22], $0x5FFFF  }
0xbb: {  	[dreg:$0x1] =	wrdreg $0xFFFFFFFF  }
0xbc: {  	[dreg:$0x0] =	wrdreg $0x60  }
0xbd: {  	[dreg:$0x2] =	wrdreg s18  }
0xbe: {  	[dreg:$0x3] =	wrdreg s24  }
0xbf: {  	[dreg:$0x4] =	wrdreg $0x72000  }
0xc0: {  	[dreg:$0x5] =	wrdreg $0xA  }
0xc1: {  	_ =	task.clear_ibuf [dreg:s22], $0x6FFFF;
	_ =	strace $0x90000049  }
0xc2: {  	s29 =	simm.s32 $0xA;
	_ =	strace $0x8000004B  }
0xc3: {  	_ =	swait.ge [sflag:s29], $0x1  }
0xc4: {  	[sflag:s29] =	ssyncadd.s32 $0xFFFFFFFF  }
0xc5: {  	_ =	strace $0x9000004B  }
0xc6: {  	_ =	sfence  }
0xc7: {  	s30 =	sld [smem:$0x0];
	_ =	sdelay $0x2  }
0xc8: {  	s31 =	sshll.u32 s1, $0xD;
	s1 =	sshrl.u32 s1, $0x2  }
0xc9: {  	s4 =	sand.u32 $0x4000, s31;
	s1 =	sadd.s32 s1, s30  }
0xca: {  	s0 =	sor.u32 s4, s0;
	s1 =	sshll.u32 s1, $0x11  }
0xcb: {  	s0 =	sor.u32 s1, s0  }
0xcc: {  	s0 =	sadd.s32 $0x8F2B, s0  }
0xcd: {  	[sflag:s0] =	ssyncadd.remote.s32 $0x1  }
0xce: {  	_ =	sfence.sel $0xFFFF  }
0xcf: {  	[dreg:$0x0] =	wrdreg $0xFFFFFFFF;
	(pc) =	sbr.abs _section_cstart, $3  }
0xd0: {  	[dreg:$0x1] =	wrdreg $0xFFFFFFFF  }
0xd1: {  	_ =	task.clear_ibuf [dreg:s22], $0x2FFFF;
	_ =	strace $0x9FFFFFFF  }
0xd2: {  	(tm) =	ssettm $0x7FFFFFFF  }
0xd3: {  	_ =	shalt  }
tec
execute0_lowered:
.L_overlay_start_1:
0x0: {  	(tag) =	ssettag $0x1  }
0x1: {  	s1 =	rddreg [dreg:$0x0]  }
0x2: {  	s0 =	rddreg [dreg:$0x1]  }
0x3: {  	s2 =	rddreg [dreg:$0x2]  }
0x4: {  	s3 =	srdreg.scid;
	s4 =	simm.s32 $0x0;
	s10 =	stileid.u32  }
0x5: {  	s13 =	simm.s32 $0x3B;
	s28 =	simm.s32 $0x3A00;
	s6 =	smul.u32 $0x13C00, s10  }
0x6: {  	s29 =	simm.s32 $0x1;
	s30 =	simm.s32 $0x5;
	s7 =	smul.u32 $0x78, s10  }
0x7: {  	s31 =	simm.s32 $0x3;
	s3 =	sand.u32 $0x1, s3;
	s17 =	smul.u32 $0x3C, s10  }
0x8: {  	[smem:$0x7FF] =	sst s4;
	s8 =	sadd.s32 $0x5B600, s0;
	s10 =	smul.u32 $0x4F000, s10  }
0x9: {  	s9 =	sadd.s32 $0x51800, s0;
	s5 =	smul.u32 $0x13C000, s3;
	_ =	strace $0x8000004A  }
0xa: {  	p0 =	seq.s32 s3, $0x0;
	s3 =	ssub.s32 $0x2, s3;
	s18 =	sshrl.u32 s10, $0x2  }
0xb: {  	s19 =	sshrl.u32 s3, $0x1;
	s13 =	simm.s32 @!p0 $0x1D;
	s5 =	sadd.s32 s6, s5  }
0xc: {  	s6 =	sadd.s32 $0x780, s17;
	s3 =	ssub.s32 s3, s19;
	s5 =	sshrl.u32 s5, $0x3  }
0xd: {  	s6 =	smov.u32 @p0 s7;
	s0 =	sadd.s32 s5, s0;
	s5 =	sadd.s32 s18, s2  }
0xe: {  	s17 =	smax.u32 s3, $0x1;
	s3 =	simm.s32 $0x6;
	s21 =	sadd.s32 $0x3800, s5  }
0xf: {  	s20 =	smul.u32 $0xE, s6;
	s22 =	sadd.s32 $0x7000, s5;
	[dreg:$0x4] =	wrdreg s21  }
0x10: {  	s6 =	smul.u32 $0x70, s6;
	s23 =	sadd.s32 $0xA800, s5;
	[dreg:$0x5] =	wrdreg s22  }
0x11: {  	s24 =	sadd.s32 $0xE000, s5;
	s25 =	sadd.s32 $0x11800, s5;
	[dreg:$0x6] =	wrdreg s23  }
0x12: {  	s16 =	sadd.s32 $0x65400, s0;
	s0 =	simm.s32 $0x2;
	[dreg:$0x7] =	wrdreg s24  }
0x13: {  	[dreg:$0x8] =	wrdreg s25;
	s11 =	sadd.s32 s8, s20;
	s6 =	sshrl.u32 s6, $0x3  }
0x14: {  	s12 =	sadd.s32 s9, s20;
	s20 =	simm.s32 $0x200;
	s21 =	simm.s32 $0x7  }
0x15: {  	s22 =	simm.s32 $0x100;
	s23 =	simm.s32 $0x80;
	s24 =	simm.s32 $0x180  }
0x16: {  	s25 =	simm.s32 $0x70;
	s6 =	sadd.s32 $0xE, s6;
	s18 =	sadd.s32 $0x2A, s11  }
0x17: {  	s10 =	sadd.s32 $0x2A, s12;
	s26 =	sadd.s32 s8, s6;
	s15 =	sadd.s32 s9, s6  }
0x18: {  	v0 =	vimm.f32 $0.0e+00;
	s6 =	simm.s32 $0x0;
	[dreg:$0x9] =	wrdreg s26;
	s26 =	simm.s32 $0x4  }
.LBB2_1:
0x19: {  	s7 =	sand.u32 $0xFE00, s4  }
0x1a: {  	s8 =	sand.u32 $0x70, s4;
	s9 =	sshrl.u32 s7, $0x2  }
0x1b: {  	s7 =	simm.s32 $0x40;
	s9 =	sor.u32 s8, s9;
	s8 =	simm.s32 $0x0  }
.LBB2_2:
0x1c: {  	p0 =	sne.s32 s7, $0xDFC0  }
0x1d: {  	[tilespmem:s9+$0x200] =	vst v0;
	s8 =	sadd.s32 $0x10, s8;
	s9 =	smov.u32 s7;
	s7 =	sadd.s32 $0x40, s7  }
.Ltmp0:
0x1e: {  	(pc) =	sbr.rel @p0 .LBB2_2-.Ltmp0, $4  }
0x1f: {  	_ = 	snop  }
0x20: {  	s9 =	sand.u32 $0xFE00, s9  }
0x21: {  	s19 =	sand.u32 $0x70, s8;
	s9 =	sshrl.u32 s9, $0x2  }
0x22: {  	s9 =	sor.u32 s19, s9  }
0x23: {  	[tilespmem:s9+$0x200] =	vst v0  }
0x24: {  	[spmem:s5] =	stream.linear.scatter [tilespmem:s20], [sflag:$0x7], $0x3800, $0x38;
	[tilespmem:$0x1AE00] =	vst v63  }
0x25: {  	_ =	swait.ge [sflag:s21], $0x3800  }
0x26: {  	[sflag:s21] =	ssyncset.done $0x0  }
0x27: {  	s7 =	rddreg [dreg:$0x4];
	[sflag:s21] =	ssyncadd.s32 $0xFFFFC800  }
0x28: {  	[spmem:s7] =	stream.linear.scatter [tilespmem:s20], [sflag:$0x7], $0x3800, $0x38;
	[tilespmem:$0x1AE00] =	vst v63  }
0x29: {  	_ =	swait.ge [sflag:s21], $0x3800  }
0x2a: {  	[sflag:s21] =	ssyncset.done $0x0  }
0x2b: {  	s9 =	rddreg [dreg:$0x5];
	[sflag:s21] =	ssyncadd.s32 $0xFFFFC800  }
0x2c: {  	[spmem:s9] =	stream.linear.scatter [tilespmem:s20], [sflag:$0x7], $0x3800, $0x38;
	[tilespmem:$0x1AE00] =	vst v63  }
0x2d: {  	_ =	swait.ge [sflag:s21], $0x3800  }
0x2e: {  	[sflag:s21] =	ssyncset.done $0x0  }
0x2f: {  	s14 =	rddreg [dreg:$0x6];
	[sflag:s21] =	ssyncadd.s32 $0xFFFFC800  }
0x30: {  	[spmem:s14] =	stream.linear.scatter [tilespmem:s20], [sflag:$0x7], $0x3800, $0x38;
	[tilespmem:$0x1AE00] =	vst v63  }
0x31: {  	_ =	swait.ge [sflag:s21], $0x3800  }
0x32: {  	[sflag:s21] =	ssyncset.done $0x0  }
0x33: {  	s19 =	rddreg [dreg:$0x7];
	[sflag:s21] =	ssyncadd.s32 $0xFFFFC800  }
0x34: {  	[spmem:s19] =	stream.linear.scatter [tilespmem:s20], [sflag:$0x7], $0x3800, $0x38;
	[tilespmem:$0x1AE00] =	vst v63  }
0x35: {  	_ =	swait.ge [sflag:s21], $0x3800  }
0x36: {  	[sflag:s21] =	ssyncset.done $0x0  }
0x37: {  	s8 =	rddreg [dreg:$0x8];
	[sflag:s21] =	ssyncadd.s32 $0xFFFFC800  }
0x38: {  	[spmem:s8] =	stream.linear.scatter [tilespmem:s20], [sflag:$0x7], $0x2400, $0x38;
	[tilespmem:$0x1AE00] =	vst v63  }
0x39: {  	_ =	swait.ge [sflag:s21], $0x2400  }
0x3a: {  	[sflag:s21] =	ssyncset.done $0x0  }
0x3b: {  	[sflag:s21] =	ssyncadd.s32 $0xFFFFDC00  }
0x3c: {  	[bflag:$0x0] =	sbarrier.arrive $0xFFFF  }
0x3d: {  	[tilespmem:s4], [sflag:$0x7] =	stream.linear.gather [hbm4b:s11+s4], $0x70, $0x38;
	[tilespmem:$0x1AE00] =	vst v63  }
0x3e: {  	_ =	swait.ge [sflag:s21], $0x70  }
0x3f: {  	[sflag:s21] =	ssyncset.done $0x0  }
0x40: {  	[sflag:s21] =	ssyncadd.s32 $0xFFFFFF90  }
0x41: {  	[tilespmem:s22], [sflag:$0x5] =	stream.linear.gather [hbm4b:s12+s4], $0x70, $0x38;
	[tilespmem:$0x1AE00] =	vst v63  }
0x42: {  	s9 =	rddreg [dreg:$0x9]  }
0x43: {  	[tilespmem:s23], [sflag:$0x4] =	stream.linear.gather [hbm4b:s9+s4], $0x70, $0x38;
	[tilespmem:$0x1AE00] =	vst v63  }
0x44: {  	_ = 	snop  }
0x45: {  	[tilespmem:s24], [sflag:$0x6] =	stream.linear.gather [hbm4b:s15+s4], $0x70, $0x38;
	[tilespmem:$0x1AE00] =	vst v63  }
0x46: {  	_ = 	snop  }
0x47: {  	[tilespmem:s20], [sflag:$0x1] =	stream.indirect.gather [hbm4b:s1+s25], $0x80, s4, s25, $0xb8;
	[tilespmem:$0x1AE00] =	vst v63  }
0x48: {  	_ =	swait.ge [sflag:s26], $0x70  }
0x49: {  	[sflag:s26] =	ssyncset.done $0x0  }
0x4a: {  	[sflag:s26] =	ssyncadd.s32 $0xFFFFFF90  }
0x4b: {  	[tilespmem:s28], [sflag:$0x2] =	stream.indirect.gather [hbm4b:s1+s25], $0x80, s23, s25, $0xb8;
	[tilespmem:$0x1AE00] =	vst v63  }
0x4c: {  	_ =	swait.ge [sflag:s29], $0x3800  }
0x4d: {  	[sflag:s29] =	ssyncset.done $0x0  }
0x4e: {  	s14 =	sadd.s32 $0xFFFFFFF2, s18;
	[sflag:s29] =	ssyncadd.s32 $0xFFFFC800  }
0x4f: {  	[tilespmem:s4], [sflag:$0x3] =	stream.linear.gather [hbm4b:s14+s4], $0x70, $0x38;
	[tilespmem:$0x1AE00] =	vst v63  }
0x50: {  	_ =	swait.ge [sflag:s30], $0x70  }
0x51: {  	[sflag:s30] =	ssyncset.done $0x0  }
0x52: {  	[sflag:s30] =	ssyncadd.s32 $0xFFFFFF90  }
0x53: {  	[spmem:s2] =	stream.indirect.scatter.add.f32 [tilespmem:s20], [sflag:$0x7], $0x80, s22, s25, $0xb8;
	[tilespmem:$0x1AE00] =	vst v63  }
0x54: {  	_ =	swait.ge [sflag:s21], $0x3800  }
0x55: {  	[sflag:s21] =	ssyncset.done $0x0  }
0x56: {  	s19 =	sadd.s32 $0xFFFFFFF2, s10;
	[sflag:s21] =	ssyncadd.s32 $0xFFFFC800  }
0x57: {  	[tilespmem:s22], [sflag:$0x5] =	stream.linear.gather [hbm4b:s19+s4], $0x70, $0x38;
	[tilespmem:$0x1AE00] =	vst v63  }
0x58: {  	_ =	swait.ge [sflag:s31], $0x70  }
0x59: {  	[sflag:s31] =	ssyncset.done $0x0  }
0x5a: {  	[sflag:s31] =	ssyncadd.s32 $0xFFFFFF90  }
0x5b: {  	[tilespmem:s20], [sflag:$0x1] =	stream.indirect.gather [hbm4b:s1+s25], $0x80, s4, s25, $0xb8;
	[tilespmem:$0x1AE00] =	vst v63  }
0x5c: {  	_ =	swait.ge [sflag:s0], $0x3800  }
0x5d: {  	[sflag:s0] =	ssyncset.done $0x0  }
0x5e: {  	[sflag:s0] =	ssyncadd.s32 $0xFFFFC800  }
0x5f: {  	[tilespmem:s23], [sflag:$0x4] =	stream.linear.gather [hbm4b:s18+s4], $0x70, $0x38;
	[tilespmem:$0x1AE00] =	vst v63  }
0x60: {  	_ =	swait.ge [sflag:s3], $0x70  }
0x61: {  	p0 =	sne.s32 s13, $0x1;
	[sflag:s3] =	ssyncset.done $0x0  }
.Ltmp1:
0x62: {  	[sflag:s3] =	ssyncadd.s32 $0xFFFFFF90;
	(pc) =	sbr.rel @!p0 .LBB2_5-.Ltmp1, $4  }
0x63: {  	[spmem:s2] =	stream.indirect.scatter.add.f32 [tilespmem:s28], [sflag:$0x7], $0x80, s24, s25, $0xb8;
	[tilespmem:$0x1AE00] =	vst v63  }
0x64: {  	_ =	swait.ge [sflag:s21], $0x3800  }
0x65: {  	s7 =	sadd.s32 $0xFFFFFFFF, s13;
	s8 =	sadd.s32 $0x1C, s18;
	[sflag:s21] =	ssyncset.done $0x0  }
0x66: {  	s9 =	sadd.s32 $0x1C, s10;
	s19 =	smov.u32 s10;
	[sflag:s21] =	ssyncadd.s32 $0xFFFFC800  }
.LBB2_4:
0x67: {  	[tilespmem:s24], [sflag:$0x6] =	stream.linear.gather [hbm4b:s19+s4], $0x70, $0x38;
	[tilespmem:$0x1AE00] =	vst v63  }
0x68: {  	p0 =	sne.s32 s7, $0x1;
	s7 =	sadd.s32 $0xFFFFFFFF, s7;
	_ =	swait.ge [sflag:s26], $0x70  }
0x69: {  	s19 =	smov.u32 s9;
	[sflag:s26] =	ssyncset.done $0x0  }
0x6a: {  	[sflag:s26] =	ssyncadd.s32 $0xFFFFFF90  }
0x6b: {  	[tilespmem:s28], [sflag:$0x2] =	stream.indirect.gather [hbm4b:s1+s25], $0x80, s23, s25, $0xb8;
	[tilespmem:$0x1AE00] =	vst v63  }
0x6c: {  	_ =	swait.ge [sflag:s29], $0x3800  }
0x6d: {  	[sflag:s29] =	ssyncset.done $0x0  }
0x6e: {  	s14 =	sadd.s32 $0xFFFFFFF2, s8;
	[sflag:s29] =	ssyncadd.s32 $0xFFFFC800  }
0x6f: {  	[tilespmem:s4], [sflag:$0x3] =	stream.linear.gather [hbm4b:s14+s4], $0x70, $0x38;
	[tilespmem:$0x1AE00] =	vst v63  }
0x70: {  	_ =	swait.ge [sflag:s30], $0x70  }
0x71: {  	[sflag:s30] =	ssyncset.done $0x0  }
0x72: {  	[sflag:s30] =	ssyncadd.s32 $0xFFFFFF90  }
0x73: {  	[spmem:s2] =	stream.indirect.scatter.add.f32 [tilespmem:s20], [sflag:$0x7], $0x80, s22, s25, $0xb8;
	[tilespmem:$0x1AE00] =	vst v63  }
0x74: {  	_ =	swait.ge [sflag:s21], $0x3800  }
0x75: {  	[sflag:s21] =	ssyncset.done $0x0  }
0x76: {  	s14 =	sadd.s32 $0xFFFFFFF2, s9;
	[sflag:s21] =	ssyncadd.s32 $0xFFFFC800  }
0x77: {  	[tilespmem:s22], [sflag:$0x5] =	stream.linear.gather [hbm4b:s14+s4], $0x70, $0x38;
	[tilespmem:$0x1AE00] =	vst v63  }
0x78: {  	_ =	swait.ge [sflag:s31], $0x70  }
0x79: {  	[sflag:s31] =	ssyncset.done $0x0  }
0x7a: {  	[sflag:s31] =	ssyncadd.s32 $0xFFFFFF90  }
0x7b: {  	[tilespmem:s20], [sflag:$0x1] =	stream.indirect.gather [hbm4b:s1+s25], $0x80, s4, s25, $0xb8;
	[tilespmem:$0x1AE00] =	vst v63  }
0x7c: {  	_ =	swait.ge [sflag:s0], $0x3800  }
0x7d: {  	[sflag:s0] =	ssyncset.done $0x0  }
0x7e: {  	[sflag:s0] =	ssyncadd.s32 $0xFFFFC800  }
0x7f: {  	[tilespmem:s23], [sflag:$0x4] =	stream.linear.gather [hbm4b:s8+s4], $0x70, $0x38;
	[tilespmem:$0x1AE00] =	vst v63  }
0x80: {  	_ =	swait.ge [sflag:s3], $0x70  }
0x81: {  	[sflag:s3] =	ssyncset.done $0x0  }
.Ltmp2:
0x82: {  	[sflag:s3] =	ssyncadd.s32 $0xFFFFFF90;
	(pc) =	sbr.rel @p0 .LBB2_4-.Ltmp2, $4  }
0x83: {  	[spmem:s2] =	stream.indirect.scatter.add.f32 [tilespmem:s28], [sflag:$0x7], $0x80, s24, s25, $0xb8;
	[tilespmem:$0x1AE00] =	vst v63  }
0x84: {  	_ =	swait.ge [sflag:s21], $0x3800  }
0x85: {  	[sflag:s21] =	ssyncset.done $0x0  }
0x86: {  	s9 =	sadd.s32 $0x1C, s9;
	s8 =	sadd.s32 $0x1C, s8;
	[sflag:s21] =	ssyncadd.s32 $0xFFFFC800  }
.LBB2_5:
0x87: {  	[tilespmem:s24], [sflag:$0x6] =	stream.linear.gather [hbm4b:s19+s4], $0x70, $0x38;
	[tilespmem:$0x1AE00] =	vst v63  }
0x88: {  	_ =	swait.ge [sflag:s26], $0x70  }
0x89: {  	[sflag:s26] =	ssyncset.done $0x0  }
0x8a: {  	[sflag:s26] =	ssyncadd.s32 $0xFFFFFF90  }
0x8b: {  	[tilespmem:s28], [sflag:$0x2] =	stream.indirect.gather [hbm4b:s1+s25], $0x80, s23, s25, $0xb8;
	[tilespmem:$0x1AE00] =	vst v63  }
0x8c: {  	_ =	swait.ge [sflag:s29], $0x3800  }
0x8d: {  	[sflag:s29] =	ssyncset.done $0x0  }
0x8e: {  	[sflag:s29] =	ssyncadd.s32 $0xFFFFC800  }
0x8f: {  	_ =	swait.ge [sflag:s30], $0x70  }
0x90: {  	[sflag:s30] =	ssyncset.done $0x0  }
0x91: {  	[sflag:s30] =	ssyncadd.s32 $0xFFFFFF90  }
0x92: {  	[spmem:s2] =	stream.indirect.scatter.add.f32 [tilespmem:s20], [sflag:$0x7], $0x80, s22, s25, $0xb8;
	[tilespmem:$0x1AE00] =	vst v63  }
0x93: {  	_ =	swait.ge [sflag:s21], $0x3800  }
0x94: {  	[sflag:s21] =	ssyncset.done $0x0  }
0x95: {  	[sflag:s21] =	ssyncadd.s32 $0xFFFFC800  }
0x96: {  	_ =	swait.ge [sflag:s0], $0x3800  }
0x97: {  	[sflag:s0] =	ssyncset.done $0x0  }
0x98: {  	[sflag:s0] =	ssyncadd.s32 $0xFFFFC800  }
0x99: {  	_ =	swait.ge [sflag:s3], $0x70  }
0x9a: {  	[sflag:s3] =	ssyncset.done $0x0  }
0x9b: {  	[sflag:s3] =	ssyncadd.s32 $0xFFFFFF90  }
0x9c: {  	[spmem:s2] =	stream.indirect.scatter.add.f32 [tilespmem:s28], [sflag:$0x7], $0x80, s24, s25, $0xb8;
	[tilespmem:$0x1AE00] =	vst v63  }
0x9d: {  	s7 =	stileid.u32;
	_ =	swait.ge [sflag:s21], $0x3800  }
0x9e: {  	s8 =	sshrl.u32 s5, $0x3;
	s6 =	sadd.s32 $0x1, s6;
	[sflag:s21] =	ssyncset.done $0x0  }
0x9f: {  	s7 =	sshll.u32 s7, $0x6;
	p0 =	sne.s32 s6, s17;
	[sflag:s21] =	ssyncadd.s32 $0xFFFFC800  }
.Ltmp3:
0xa0: {  	s7 =	sor.u32 $0x1C07, s7;
	[bflag:$0x0] =	sbarrier.arrive $0xFFFF;
	(pc) =	sbr.rel @p0 .LBB2_1-.Ltmp3, $4  }
0xa1: {  	[hbm:s16], [sflag:s7] =	dma.local [spmem:s8], $0x2780  }
0xa2: {  	_ =	swait.ge [sflag:s21], $0x2780  }
0xa3: {  	[sflag:s21] =	ssyncset.done $0x0  }
0xa4: {  	[sflag:s21] =	ssyncadd.s32 $0xFFFFD880  }
0xa5: {  	_ =	sfence.sel $0x180000  }
0xa6: {  	[bflag:$0x0] =	sbarrier.arrive $0xFFFF  }
0xa7: {  	_ =	strace $0x9000004A  }
0xa8: {  	s0 =	stileid.u32;
	[bflag:$0x2] =	sbarrier.arrive $0xFFFF  }
0xa9: {  	p0 =	sne.s32 s0, $0x0;
	s0 =	rddreg [dreg:$0x3]  }
0xaa: {  	s0 =	sadd.s32 @!p0 $0x100000, s0  }
0xab: {  	[sflag:s0] =	ssyncadd.tile.s32 @!p0 $0x1;
	_ =	shalt  }
.Lfunc_end2:
_tile_overlayer_lowered:
.L_overlay_start_2:
0xac: {  	(tag) =	ssettag $0x2  }
0xad: {  	s0 =	rddreg [dreg:$0x0];
	s2 =	stileid.u32  }
0xae: {  	s1 =	rddreg [dreg:$0x1];
	p0 =	sne.s32 s2, $0x0  }
0xaf: {  	s3 =	rddreg [dreg:$0x2];
	[bflag:$0x3] =	sbarrier.arrive $0xFFFF;
	s2 =	simm.s32 @!p0 $0x1C07  }
0xb0: {  	[timem:s3], [sflag:s2] =	dma.local @!p0 [hbm:s0], s1  }
0xb1: {  	s0 =	simm.s32 @!p0 $0x7  }
0xb2: {  	_ =	swait.ge @!p0 [sflag:s0], s1  }
0xb3: {  	s1 =	ssub.s32 @!p0 $0x0, s1;
	[sflag:s0] =	ssyncset.done @!p0 $0x0  }
0xb4: {  	[sflag:s0] =	ssyncadd.s32 @!p0 s1  }
0xb5: {  	[bflag:$0x3] =	sbarrier.arrive $0xFFFF  }
0xb6: {  	_ =	shalt  }

// kernel: kernel.13.cloned.1.call-start
scs
__scs_entry_jumppad:
0x0: {  	(pc) =	sbr.rel $0x88, $3  }
0x1: {  	(tag) =	ssettag $0x0;
	lr =	simm.s32 $0x1  }
0x2: {  	[smem:$0x3F95] =	sst lr;
	_ =	strace $0xD0000000  }
0x3: {  	_ = 	snop  }
0x4: {  	_ = 	snop  }
0x5: {  	_ = 	snop  }
0x6: {  	_ = 	snop  }
0x7: {  	_ = 	snop  }
__scs_overlays_trampoline_lowered:
0x8: {  	[smem:$0x3FA4] =	sst s0  }
0x9: {  	[smem:$0x3FA5] =	sst s1  }
0xa: {  	[smem:$0x3FA6] =	sst s2  }
0xb: {  	[smem:$0x3FA7] =	sst s3  }
0xc: {  	[smem:$0x3FA8] =	sst s4  }
0xd: {  	[smem:$0x3FA9] =	sst s5  }
0xe: {  	[smem:$0x3FAA] =	sst s6  }
0xf: {  	[smem:$0x3FAB] =	sst s7  }
0x10: {  	[smem:$0x3FAC] =	sst s8  }
0x11: {  	[smem:$0x3FAD] =	sst s9;
	s0 =	simm.s32 @!p0 $0x0  }
0x12: {  	s1 =	sld [smem:$0x3F93];
	s0 =	simm.s32 @p0 $0x1  }
0x13: {  	[smem:$0x3FAE] =	sst s0;
	s0 =	simm.s32 @!p1 $0x0  }
0x14: {  	s2 =	sld [smem:$0x3F92];
	s0 =	simm.s32 @p1 $0x1  }
0x15: {  	[smem:$0x3FAF] =	sst s0;
	s0 =	simm.s32 @!p2 $0x0  }
0x16: {  	s3 =	sld [smem:$0x3FDB];
	s0 =	simm.s32 @p2 $0x1  }
0x17: {  	s4 =	simm.s32 $0x1BF5;
	[smem:$0x3FB1] =	sst s0  }
0x18: {  	s0 =	sld [smem:$0x3F94];
	_ =	swait.ge [sflag:s4], $0x0  }
0x19: {  	s7 =	sld [smem:$0x3F95]  }
0x1a: {  	s8 =	sadd.s32 $0xFFFFE003, lr  }
0x1b: {  	s9 =	sadd.s32 $0xFFFFFEF7, lr;
	s5 =	simm.s32 $0xFFFFFFFF;
	p2 =	slt.u32 s8, $0xFFFFF086  }
0x1c: {  	p1 =	slt.u32 s9, $0xF7A;
	s5 =	simm.s32 @!p2 $0x0  }
0x1d: {  	s5 =	simm.s32 @p1 $0x1;
	p0 =	seq.s32 s7, s2  }
0x1e: {  	s7 =	smul.u32 @!p0 $0xF7A, s2;
	p2 =	seq.s32 @!p0 s5, $0x0  }
0x1f: {  	s9 =	smul.u32 $0xF7A, s1;
	s8 =	simm.s32 @!p0 $0x1BF5;
	p2 =	por !p2, p0  }
0x20: {  	[sflag:s8] =	ssyncset.s32 @!p0 $0xFFFFF086;
	s6 =	sadd.s32 @!p0 s3, s7;
	s7 =	simm.s32 @!p0 $0x108  }
0x21: {  	s3 =	sadd.s32 s3, s9;
	s6 =	sadd.s32 @!p0 $0x88, s6;
	s7 =	simm.s32 @p2 $0x1082  }
0x22: {  	[simem:s7], [sflag:s8] =	dma.local @!p0 [hbm:s6], $0xF7A  }
0x23: {  	s9 =	sor.u32 $0xD0000000, s2;
	s6 =	simm.s32 $0x108;
	_ =	swait.ge @!p0 [sflag:s8], $0x0  }
0x24: {  	s3 =	sadd.s32 $0x88, s3;
	s6 =	simm.s32 @!p1 $0x1082;
	[sflag:s4] =	ssyncset.s32 $0xFFFFF086  }
0x25: {  	[simem:s6], [sflag:s4] =	dma.local [hbm:s3], $0xF7A  }
0x26: {  	[smem:$0x3F95] =	sst s1;
	(tag) =	ssettag s2;
	_ =	strace s9  }
0x27: {  	s1 =	sld [smem:$0x3FA5]  }
0x28: {  	s2 =	sld [smem:$0x3FA6]  }
0x29: {  	s4 =	sld [smem:$0x3FA8]  }
0x2a: {  	p0 =	seq.s32 s5, $0x0;
	s5 =	sld [smem:$0x3FA9]  }
0x2b: {  	s6 =	sld [smem:$0x3FAA]  }
0x2c: {  	s7 =	sld [smem:$0x3FAB]  }
0x2d: {  	s3 =	simm.s32 $0x108;
	s8 =	sld [smem:$0x3FAC]  }
0x2e: {  	s3 =	simm.s32 @!p0 $0x1082;
	s9 =	sld [smem:$0x3FAD]  }
0x2f: {  	lr =	sadd.s32 s0, s3;
	s0 =	sld [smem:$0x3FA4]  }
0x30: {  	s3 =	sld [smem:$0x3FA7]  }
0x31: {  	[smem:$0x3FB0] =	sst s10  }
0x32: {  	s10 =	sld [smem:$0x3FAE];
	_ =	sdelay $0x3  }
0x33: {  	p0 =	seq.s32 s10, $0x1;
	s10 =	sld [smem:$0x3FB0];
	_ =	sdelay $0x3  }
0x34: {  	[smem:$0x3FB0] =	sst s10  }
0x35: {  	s10 =	sld [smem:$0x3FAF];
	_ =	sdelay $0x3  }
0x36: {  	p1 =	seq.s32 s10, $0x1;
	s10 =	sld [smem:$0x3FB0];
	_ =	sdelay $0x3  }
0x37: {  	[smem:$0x3FB0] =	sst s10  }
0x38: {  	s10 =	sld [smem:$0x3FB1]  }
0x39: {  	_ = 	snop;
	(pc) =	sbr.ind lr, $3  }
0x3a: {  	_ = 	snop  }
0x3b: {  	_ = 	snop  }
0x3c: {  	p2 =	seq.s32 s10, $0x1;
	s10 =	sld [smem:$0x3FB0]  }
0x3d: {  	_ =	shalt  }
0x3e: {  	_ =	shalt  }
0x3f: {  	_ =	shalt  }
0x40: {  	_ =	shalt  }
0x41: {  	_ =	shalt  }
0x42: {  	_ =	shalt  }
0x43: {  	_ =	shalt  }
0x44: {  	_ =	shalt  }
0x45: {  	_ =	shalt  }
0x46: {  	_ =	shalt  }
0x47: {  	_ =	shalt  }
0x48: {  	_ =	shalt  }
0x49: {  	_ =	shalt  }
0x4a: {  	_ =	shalt  }
0x4b: {  	_ =	shalt  }
0x4c: {  	_ =	shalt  }
0x4d: {  	_ =	shalt  }
0x4e: {  	_ =	shalt  }
0x4f: {  	_ =	shalt  }
0x50: {  	_ =	shalt  }
0x51: {  	_ =	shalt  }
0x52: {  	_ =	shalt  }
0x53: {  	_ =	shalt  }
0x54: {  	_ =	shalt  }
0x55: {  	_ =	shalt  }
0x56: {  	_ =	shalt  }
0x57: {  	_ =	shalt  }
0x58: {  	_ =	shalt  }
0x59: {  	_ =	shalt  }
0x5a: {  	_ =	shalt  }
0x5b: {  	_ =	shalt  }
0x5c: {  	_ =	shalt  }
0x5d: {  	_ =	shalt  }
0x5e: {  	_ =	shalt  }
0x5f: {  	_ =	shalt  }
0x60: {  	_ =	shalt  }
0x61: {  	_ =	shalt  }
0x62: {  	_ =	shalt  }
0x63: {  	_ =	shalt  }
0x64: {  	_ =	shalt  }
0x65: {  	_ =	shalt  }
0x66: {  	_ =	shalt  }
0x67: {  	_ =	shalt  }
0x68: {  	_ =	shalt  }
0x69: {  	_ =	shalt  }
0x6a: {  	_ =	shalt  }
0x6b: {  	_ =	shalt  }
0x6c: {  	_ =	shalt  }
0x6d: {  	_ =	shalt  }
0x6e: {  	_ =	shalt  }
0x6f: {  	_ =	shalt  }
0x70: {  	_ =	shalt  }
0x71: {  	_ =	shalt  }
0x72: {  	_ =	shalt  }
0x73: {  	_ =	shalt  }
0x74: {  	_ =	shalt  }
0x75: {  	_ =	shalt  }
0x76: {  	_ =	shalt  }
0x77: {  	_ =	shalt  }
0x78: {  	_ =	shalt  }
0x79: {  	_ =	shalt  }
0x7a: {  	_ =	shalt  }
0x7b: {  	_ =	shalt  }
0x7c: {  	_ =	shalt  }
0x7d: {  	_ =	shalt  }
0x7e: {  	_ =	shalt  }
0x7f: {  	_ =	shalt  }
0x80: {  	_ =	shalt  }
0x81: {  	_ =	shalt  }
0x82: {  	_ =	shalt  }
0x83: {  	_ =	shalt  }
0x84: {  	_ =	shalt  }
0x85: {  	_ =	shalt  }
0x86: {  	_ =	shalt  }
0x87: {  	_ =	shalt  }
.Lfunc_end0:
.L_simem_size_0:
called_computation.2_lowered:
.L_overlay_start_0:
0x88: {  	s2 =	sld [smem:$0x3FD9]  }
0x89: {  	s3 =	sld [smem:$0x3FFE];
	_ =	sdelay $0x1  }
0x8a: {  	s1 =	srdreg.scid  }
0x8b: {  	s0 =	sand.u32 $0x1, s1  }
0x8c: {  	s17 =	sshll.u32 s0, $0xA;
	s2 =	sadd.s32 s3, s2  }
0x8d: {  	s2 =	sadd.s32 s2, s17  }
0x8e: {  	[smem:$0x3FBC] =	sst s2  }
0x8f: {  	_ = 	snop  }
0x90: {  	s2 =	sld [smem:$0x3FD0];
	(tm) =	ssettm $0x1  }
0x91: {  	s18 =	sld [smem:$0x3FFB];
	_ =	sdelay $0x3  }
0x92: {  	_ =	strace s18  }
0x93: {  	s3 =	sld [smem:$0x3FFC];
	_ =	sdelay $0x3  }
0x94: {  	_ =	strace s3  }
0x95: {  	s3 =	sld [smem:$0x3FFD];
	_ =	sdelay $0x3  }
0x96: {  	_ =	strace s3  }
0x97: {  	_ =	strace $0x8FFFFFFF  }
0x98: {  	s19 =	sld [smem:$0x3FDB];
	_ =	sdelay $0x1  }
0x99: {  	s4 =	simm.s32 $_scs_section_size  }
0x9a: {  	s5 =	simm.s32 $_size__tile_overlayer_lowered;
	s6 =	simm.s32 $_tile_overlayer_lowered  }
0x9b: {  	s22 =	simm.s32 $0x1BFF;
	s21 =	sshll.u32 s6, $0x1;
	s3 =	sadd.s32 s4, s19  }
0x9c: {  	s7 =	simm.s32 $0x0;
	s20 =	sshll.u32 s5, $0x1;
	s5 =	sadd.s32 s21, s3  }
0x9d: {  	[timem:s7], [sflag:s22] =	dma.local [hbm:s5], s20  }
0x9e: {  	_ =	swait.ge [sflag:s22], s20  }
0x9f: {  	s4 =	ssub.s32 $0x0, s20;
	[sflag:s22] =	ssyncset.done $0x0  }
0xa0: {  	[sflag:s22] =	ssyncadd.s32 s4;
	_ =	sdelay $0x1  }
0xa1: {  	s23 =	simm.s32 $0x1B8B  }
0xa2: {  	_ =	swait.ge [sflag:s23], $0x1  }
0xa3: {  	[sflag:s23] =	ssyncset.done $0x0  }
0xa4: {  	s25 =	simm.s32 $0x1B8E;
	s24 =	sld [smem:$0x3FFE];
	[sflag:s23] =	ssyncadd.s32 $0xFFFFFFFF  }
0xa5: {  	s26 =	simm.s32 $execute0_lowered;
	[smem:$0x3FD2] =	sst s25  }
0xa6: {  	s5 =	sshll.u32 s26, $0x1;
	_ =	strace $0x8000004C;
	[dreg:$0x1] =	wrdreg $0xFFFFFFFF  }
0xa7: {  	s28 =	simm.s32 $_size_execute0_lowered;
	s3 =	sadd.s32 s3, s5;
	[dreg:$0x0] =	wrdreg $0x0  }
0xa8: {  	s5 =	sshll.u32 s28, $0x1;
	[dreg:$0x2] =	wrdreg s3  }
0xa9: {  	[dreg:$0x3] =	wrdreg s5  }
0xaa: {  	[dreg:$0x4] =	wrdreg $0xC0  }
0xab: {  	_ =	task [dreg:s7], $0x5FFFF  }
0xac: {  	[dreg:$0x1] =	wrdreg $0xFFFFFFFF  }
0xad: {  	[dreg:$0x0] =	wrdreg $0x60  }
0xae: {  	[dreg:$0x2] =	wrdreg s2  }
0xaf: {  	[dreg:$0x3] =	wrdreg s24  }
0xb0: {  	[dreg:$0x4] =	wrdreg $0x72000  }
0xb1: {  	[dreg:$0x5] =	wrdreg $0x9  }
0xb2: {  	_ =	task.clear_ibuf [dreg:s7], $0x6FFFF;
	_ =	strace $0x9000004C  }
0xb3: {  	s29 =	simm.s32 $0x9;
	_ =	strace $0x8000004E  }
0xb4: {  	_ =	swait.ge [sflag:s29], $0x1  }
0xb5: {  	[sflag:s29] =	ssyncadd.s32 $0xFFFFFFFF  }
0xb6: {  	_ =	strace $0x9000004E  }
0xb7: {  	_ =	sfence  }
0xb8: {  	s30 =	sld [smem:$0x0];
	_ =	sdelay $0x2  }
0xb9: {  	s31 =	sshll.u32 s1, $0xD;
	s1 =	sshrl.u32 s1, $0x2  }
0xba: {  	s3 =	sand.u32 $0x4000, s31;
	s1 =	sadd.s32 s1, s30  }
0xbb: {  	s0 =	sor.u32 s3, s0;
	s1 =	sshll.u32 s1, $0x11  }
0xbc: {  	s0 =	sor.u32 s1, s0  }
0xbd: {  	s0 =	sadd.s32 $0x8F2B, s0  }
0xbe: {  	[sflag:s0] =	ssyncadd.remote.s32 $0x1  }
0xbf: {  	_ =	sfence.sel $0xFFFF  }
0xc0: {  	[dreg:$0x0] =	wrdreg $0xFFFFFFFF;
	(pc) =	sbr.abs _section_cstart, $3  }
0xc1: {  	[dreg:$0x1] =	wrdreg $0xFFFFFFFF  }
0xc2: {  	_ =	task.clear_ibuf [dreg:s7], $0x2FFFF;
	_ =	strace $0x9FFFFFFF  }
0xc3: {  	(tm) =	ssettm $0x7FFFFFFF  }
tec
execute0_lowered:
.L_overlay_start_1:
0x0: {  	(tag) =	ssettag $0x1  }
0x1: {  	s1 =	rddreg [dreg:$0x0]  }
0x2: {  	s0 =	rddreg [dreg:$0x1]  }
0x3: {  	s2 =	rddreg [dreg:$0x2]  }
0x4: {  	s3 =	srdreg.scid;
	s4 =	simm.s32 $0x0;
	s10 =	stileid.u32  }
0x5: {  	s13 =	simm.s32 $0x3B;
	s28 =	simm.s32 $0x3A00;
	s6 =	smul.u32 $0x13C00, s10  }
0x6: {  	s29 =	simm.s32 $0x1;
	s30 =	simm.s32 $0x5;
	s7 =	smul.u32 $0x78, s10  }
0x7: {  	s31 =	simm.s32 $0x3;
	s3 =	sand.u32 $0x1, s3;
	s17 =	smul.u32 $0x3C, s10  }
0x8: {  	[smem:$0x7FF] =	sst s4;
	s8 =	sadd.s32 $0x5B600, s0;
	s10 =	smul.u32 $0x4F000, s10  }
0x9: {  	s9 =	sadd.s32 $0x51800, s0;
	s5 =	smul.u32 $0x13C000, s3;
	_ =	strace $0x8000004D  }
0xa: {  	p0 =	seq.s32 s3, $0x0;
	s3 =	ssub.s32 $0x2, s3;
	s18 =	sshrl.u32 s10, $0x2  }
0xb: {  	s19 =	sshrl.u32 s3, $0x1;
	s13 =	simm.s32 @!p0 $0x1D;
	s5 =	sadd.s32 s6, s5  }
0xc: {  	s6 =	sadd.s32 $0x780, s17;
	s3 =	ssub.s32 s3, s19;
	s5 =	sshrl.u32 s5, $0x3  }
0xd: {  	s6 =	smov.u32 @p0 s7;
	s0 =	sadd.s32 s5, s0;
	s5 =	sadd.s32 s18, s2  }
0xe: {  	s17 =	smax.u32 s3, $0x1;
	s3 =	simm.s32 $0x6;
	s21 =	sadd.s32 $0x3800, s5  }
0xf: {  	s20 =	smul.u32 $0xE, s6;
	s22 =	sadd.s32 $0x7000, s5;
	[dreg:$0x4] =	wrdreg s21  }
0x10: {  	s6 =	smul.u32 $0x70, s6;
	s23 =	sadd.s32 $0xA800, s5;
	[dreg:$0x5] =	wrdreg s22  }
0x11: {  	s24 =	sadd.s32 $0xE000, s5;
	s25 =	sadd.s32 $0x11800, s5;
	[dreg:$0x6] =	wrdreg s23  }
0x12: {  	s16 =	sadd.s32 $0x65400, s0;
	s0 =	simm.s32 $0x2;
	[dreg:$0x7] =	wrdreg s24  }
0x13: {  	[dreg:$0x8] =	wrdreg s25;
	s11 =	sadd.s32 s8, s20;
	s6 =	sshrl.u32 s6, $0x3  }
0x14: {  	s12 =	sadd.s32 s9, s20;
	s20 =	simm.s32 $0x200;
	s21 =	simm.s32 $0x7  }
0x15: {  	s22 =	simm.s32 $0x100;
	s23 =	simm.s32 $0x80;
	s24 =	simm.s32 $0x180  }
0x16: {  	s25 =	simm.s32 $0x70;
	s6 =	sadd.s32 $0xE, s6;
	s18 =	sadd.s32 $0x2A, s11  }
0x17: {  	s10 =	sadd.s32 $0x2A, s12;
	s26 =	sadd.s32 s8, s6;
	s15 =	sadd.s32 s9, s6  }
0x18: {  	v0 =	vimm.f32 $0.0e+00;
	s6 =	simm.s32 $0x0;
	[dreg:$0x9] =	wrdreg s26;
	s26 =	simm.s32 $0x4  }
.LBB2_1:
0x19: {  	s7 =	sand.u32 $0xFE00, s4  }
0x1a: {  	s8 =	sand.u32 $0x70, s4;
	s9 =	sshrl.u32 s7, $0x2  }
0x1b: {  	s7 =	simm.s32 $0x40;
	s9 =	sor.u32 s8, s9;
	s8 =	simm.s32 $0x0  }
.LBB2_2:
0x1c: {  	p0 =	sne.s32 s7, $0xDFC0  }
0x1d: {  	[tilespmem:s9+$0x200] =	vst v0;
	s8 =	sadd.s32 $0x10, s8;
	s9 =	smov.u32 s7;
	s7 =	sadd.s32 $0x40, s7  }
.Ltmp0:
0x1e: {  	(pc) =	sbr.rel @p0 .LBB2_2-.Ltmp0, $4  }
0x1f: {  	_ = 	snop  }
0x20: {  	s9 =	sand.u32 $0xFE00, s9  }
0x21: {  	s19 =	sand.u32 $0x70, s8;
	s9 =	sshrl.u32 s9, $0x2  }
0x22: {  	s9 =	sor.u32 s19, s9  }
0x23: {  	[tilespmem:s9+$0x200] =	vst v0  }
0x24: {  	[spmem:s5] =	stream.linear.scatter [tilespmem:s20], [sflag:$0x7], $0x3800, $0x38;
	[tilespmem:$0x1AE00] =	vst v63  }
0x25: {  	_ =	swait.ge [sflag:s21], $0x3800  }
0x26: {  	[sflag:s21] =	ssyncset.done $0x0  }
0x27: {  	s7 =	rddreg [dreg:$0x4];
	[sflag:s21] =	ssyncadd.s32 $0xFFFFC800  }
0x28: {  	[spmem:s7] =	stream.linear.scatter [tilespmem:s20], [sflag:$0x7], $0x3800, $0x38;
	[tilespmem:$0x1AE00] =	vst v63  }
0x29: {  	_ =	swait.ge [sflag:s21], $0x3800  }
0x2a: {  	[sflag:s21] =	ssyncset.done $0x0  }
0x2b: {  	s9 =	rddreg [dreg:$0x5];
	[sflag:s21] =	ssyncadd.s32 $0xFFFFC800  }
0x2c: {  	[spmem:s9] =	stream.linear.scatter [tilespmem:s20], [sflag:$0x7], $0x3800, $0x38;
	[tilespmem:$0x1AE00] =	vst v63  }
0x2d: {  	_ =	swait.ge [sflag:s21], $0x3800  }
0x2e: {  	[sflag:s21] =	ssyncset.done $0x0  }
0x2f: {  	s14 =	rddreg [dreg:$0x6];
	[sflag:s21] =	ssyncadd.s32 $0xFFFFC800  }
0x30: {  	[spmem:s14] =	stream.linear.scatter [tilespmem:s20], [sflag:$0x7], $0x3800, $0x38;
	[tilespmem:$0x1AE00] =	vst v63  }
0x31: {  	_ =	swait.ge [sflag:s21], $0x3800  }
0x32: {  	[sflag:s21] =	ssyncset.done $0x0  }
0x33: {  	s19 =	rddreg [dreg:$0x7];
	[sflag:s21] =	ssyncadd.s32 $0xFFFFC800  }
0x34: {  	[spmem:s19] =	stream.linear.scatter [tilespmem:s20], [sflag:$0x7], $0x3800, $0x38;
	[tilespmem:$0x1AE00] =	vst v63  }
0x35: {  	_ =	swait.ge [sflag:s21], $0x3800  }
0x36: {  	[sflag:s21] =	ssyncset.done $0x0  }
0x37: {  	s8 =	rddreg [dreg:$0x8];
	[sflag:s21] =	ssyncadd.s32 $0xFFFFC800  }
0x38: {  	[spmem:s8] =	stream.linear.scatter [tilespmem:s20], [sflag:$0x7], $0x2400, $0x38;
	[tilespmem:$0x1AE00] =	vst v63  }
0x39: {  	_ =	swait.ge [sflag:s21], $0x2400  }
0x3a: {  	[sflag:s21] =	ssyncset.done $0x0  }
0x3b: {  	[sflag:s21] =	ssyncadd.s32 $0xFFFFDC00  }
0x3c: {  	[bflag:$0x0] =	sbarrier.arrive $0xFFFF  }
0x3d: {  	[tilespmem:s4], [sflag:$0x7] =	stream.linear.gather [hbm4b:s11+s4], $0x70, $0x38;
	[tilespmem:$0x1AE00] =	vst v63  }
0x3e: {  	_ =	swait.ge [sflag:s21], $0x70  }
0x3f: {  	[sflag:s21] =	ssyncset.done $0x0  }
0x40: {  	[sflag:s21] =	ssyncadd.s32 $0xFFFFFF90  }
0x41: {  	[tilespmem:s22], [sflag:$0x5] =	stream.linear.gather [hbm4b:s12+s4], $0x70, $0x38;
	[tilespmem:$0x1AE00] =	vst v63  }
0x42: {  	s9 =	rddreg [dreg:$0x9]  }
0x43: {  	[tilespmem:s23], [sflag:$0x4] =	stream.linear.gather [hbm4b:s9+s4], $0x70, $0x38;
	[tilespmem:$0x1AE00] =	vst v63  }
0x44: {  	_ = 	snop  }
0x45: {  	[tilespmem:s24], [sflag:$0x6] =	stream.linear.gather [hbm4b:s15+s4], $0x70, $0x38;
	[tilespmem:$0x1AE00] =	vst v63  }
0x46: {  	_ = 	snop  }
0x47: {  	[tilespmem:s20], [sflag:$0x1] =	stream.indirect.gather [hbm4b:s1+s25], $0x80, s4, s25, $0xb8;
	[tilespmem:$0x1AE00] =	vst v63  }
0x48: {  	_ =	swait.ge [sflag:s26], $0x70  }
0x49: {  	[sflag:s26] =	ssyncset.done $0x0  }
0x4a: {  	[sflag:s26] =	ssyncadd.s32 $0xFFFFFF90  }
0x4b: {  	[tilespmem:s28], [sflag:$0x2] =	stream.indirect.gather [hbm4b:s1+s25], $0x80, s23, s25, $0xb8;
	[tilespmem:$0x1AE00] =	vst v63  }
0x4c: {  	_ =	swait.ge [sflag:s29], $0x3800  }
0x4d: {  	[sflag:s29] =	ssyncset.done $0x0  }
0x4e: {  	s14 =	sadd.s32 $0xFFFFFFF2, s18;
	[sflag:s29] =	ssyncadd.s32 $0xFFFFC800  }
0x4f: {  	[tilespmem:s4], [sflag:$0x3] =	stream.linear.gather [hbm4b:s14+s4], $0x70, $0x38;
	[tilespmem:$0x1AE00] =	vst v63  }
0x50: {  	_ =	swait.ge [sflag:s30], $0x70  }
0x51: {  	[sflag:s30] =	ssyncset.done $0x0  }
0x52: {  	[sflag:s30] =	ssyncadd.s32 $0xFFFFFF90  }
0x53: {  	[spmem:s2] =	stream.indirect.scatter.add.f32 [tilespmem:s20], [sflag:$0x7], $0x80, s22, s25, $0xb8;
	[tilespmem:$0x1AE00] =	vst v63  }
0x54: {  	_ =	swait.ge [sflag:s21], $0x3800  }
0x55: {  	[sflag:s21] =	ssyncset.done $0x0  }
0x56: {  	s19 =	sadd.s32 $0xFFFFFFF2, s10;
	[sflag:s21] =	ssyncadd.s32 $0xFFFFC800  }
0x57: {  	[tilespmem:s22], [sflag:$0x5] =	stream.linear.gather [hbm4b:s19+s4], $0x70, $0x38;
	[tilespmem:$0x1AE00] =	vst v63  }
0x58: {  	_ =	swait.ge [sflag:s31], $0x70  }
0x59: {  	[sflag:s31] =	ssyncset.done $0x0  }
0x5a: {  	[sflag:s31] =	ssyncadd.s32 $0xFFFFFF90  }
0x5b: {  	[tilespmem:s20], [sflag:$0x1] =	stream.indirect.gather [hbm4b:s1+s25], $0x80, s4, s25, $0xb8;
	[tilespmem:$0x1AE00] =	vst v63  }
0x5c: {  	_ =	swait.ge [sflag:s0], $0x3800  }
0x5d: {  	[sflag:s0] =	ssyncset.done $0x0  }
0x5e: {  	[sflag:s0] =	ssyncadd.s32 $0xFFFFC800  }
0x5f: {  	[tilespmem:s23], [sflag:$0x4] =	stream.linear.gather [hbm4b:s18+s4], $0x70, $0x38;
	[tilespmem:$0x1AE00] =	vst v63  }
0x60: {  	_ =	swait.ge [sflag:s3], $0x70  }
0x61: {  	p0 =	sne.s32 s13, $0x1;
	[sflag:s3] =	ssyncset.done $0x0  }
.Ltmp1:
0x62: {  	[sflag:s3] =	ssyncadd.s32 $0xFFFFFF90;
	(pc) =	sbr.rel @!p0 .LBB2_5-.Ltmp1, $4  }
0x63: {  	[spmem:s2] =	stream.indirect.scatter.add.f32 [tilespmem:s28], [sflag:$0x7], $0x80, s24, s25, $0xb8;
	[tilespmem:$0x1AE00] =	vst v63  }
0x64: {  	_ =	swait.ge [sflag:s21], $0x3800  }
0x65: {  	s7 =	sadd.s32 $0xFFFFFFFF, s13;
	s8 =	sadd.s32 $0x1C, s18;
	[sflag:s21] =	ssyncset.done $0x0  }
0x66: {  	s9 =	sadd.s32 $0x1C, s10;
	s19 =	smov.u32 s10;
	[sflag:s21] =	ssyncadd.s32 $0xFFFFC800  }
.LBB2_4:
0x67: {  	[tilespmem:s24], [sflag:$0x6] =	stream.linear.gather [hbm4b:s19+s4], $0x70, $0x38;
	[tilespmem:$0x1AE00] =	vst v63  }
0x68: {  	p0 =	sne.s32 s7, $0x1;
	s7 =	sadd.s32 $0xFFFFFFFF, s7;
	_ =	swait.ge [sflag:s26], $0x70  }
0x69: {  	s19 =	smov.u32 s9;
	[sflag:s26] =	ssyncset.done $0x0  }
0x6a: {  	[sflag:s26] =	ssyncadd.s32 $0xFFFFFF90  }
0x6b: {  	[tilespmem:s28], [sflag:$0x2] =	stream.indirect.gather [hbm4b:s1+s25], $0x80, s23, s25, $0xb8;
	[tilespmem:$0x1AE00] =	vst v63  }
0x6c: {  	_ =	swait.ge [sflag:s29], $0x3800  }
0x6d: {  	[sflag:s29] =	ssyncset.done $0x0  }
0x6e: {  	s14 =	sadd.s32 $0xFFFFFFF2, s8;
	[sflag:s29] =	ssyncadd.s32 $0xFFFFC800  }
0x6f: {  	[tilespmem:s4], [sflag:$0x3] =	stream.linear.gather [hbm4b:s14+s4], $0x70, $0x38;
	[tilespmem:$0x1AE00] =	vst v63  }
0x70: {  	_ =	swait.ge [sflag:s30], $0x70  }
0x71: {  	[sflag:s30] =	ssyncset.done $0x0  }
0x72: {  	[sflag:s30] =	ssyncadd.s32 $0xFFFFFF90  }
0x73: {  	[spmem:s2] =	stream.indirect.scatter.add.f32 [tilespmem:s20], [sflag:$0x7], $0x80, s22, s25, $0xb8;
	[tilespmem:$0x1AE00] =	vst v63  }
0x74: {  	_ =	swait.ge [sflag:s21], $0x3800  }
0x75: {  	[sflag:s21] =	ssyncset.done $0x0  }
0x76: {  	s14 =	sadd.s32 $0xFFFFFFF2, s9;
	[sflag:s21] =	ssyncadd.s32 $0xFFFFC800  }
0x77: {  	[tilespmem:s22], [sflag:$0x5] =	stream.linear.gather [hbm4b:s14+s4], $0x70, $0x38;
	[tilespmem:$0x1AE00] =	vst v63  }
0x78: {  	_ =	swait.ge [sflag:s31], $0x70  }
0x79: {  	[sflag:s31] =	ssyncset.done $0x0  }
0x7a: {  	[sflag:s31] =	ssyncadd.s32 $0xFFFFFF90  }
0x7b: {  	[tilespmem:s20], [sflag:$0x1] =	stream.indirect.gather [hbm4b:s1+s25], $0x80, s4, s25, $0xb8;
	[tilespmem:$0x1AE00] =	vst v63  }
0x7c: {  	_ =	swait.ge [sflag:s0], $0x3800  }
0x7d: {  	[sflag:s0] =	ssyncset.done $0x0  }
0x7e: {  	[sflag:s0] =	ssyncadd.s32 $0xFFFFC800  }
0x7f: {  	[tilespmem:s23], [sflag:$0x4] =	stream.linear.gather [hbm4b:s8+s4], $0x70, $0x38;
	[tilespmem:$0x1AE00] =	vst v63  }
0x80: {  	_ =	swait.ge [sflag:s3], $0x70  }
0x81: {  	[sflag:s3] =	ssyncset.done $0x0  }
.Ltmp2:
0x82: {  	[sflag:s3] =	ssyncadd.s32 $0xFFFFFF90;
	(pc) =	sbr.rel @p0 .LBB2_4-.Ltmp2, $4  }
0x83: {  	[spmem:s2] =	stream.indirect.scatter.add.f32 [tilespmem:s28], [sflag:$0x7], $0x80, s24, s25, $0xb8;
	[tilespmem:$0x1AE00] =	vst v63  }
0x84: {  	_ =	swait.ge [sflag:s21], $0x3800  }
0x85: {  	[sflag:s21] =	ssyncset.done $0x0  }
0x86: {  	s9 =	sadd.s32 $0x1C, s9;
	s8 =	sadd.s32 $0x1C, s8;
	[sflag:s21] =	ssyncadd.s32 $0xFFFFC800  }
.LBB2_5:
0x87: {  	[tilespmem:s24], [sflag:$0x6] =	stream.linear.gather [hbm4b:s19+s4], $0x70, $0x38;
	[tilespmem:$0x1AE00] =	vst v63  }
0x88: {  	_ =	swait.ge [sflag:s26], $0x70  }
0x89: {  	[sflag:s26] =	ssyncset.done $0x0  }
0x8a: {  	[sflag:s26] =	ssyncadd.s32 $0xFFFFFF90  }
0x8b: {  	[tilespmem:s28], [sflag:$0x2] =	stream.indirect.gather [hbm4b:s1+s25], $0x80, s23, s25, $0xb8;
	[tilespmem:$0x1AE00] =	vst v63  }
0x8c: {  	_ =	swait.ge [sflag:s29], $0x3800  }
0x8d: {  	[sflag:s29] =	ssyncset.done $0x0  }
0x8e: {  	[sflag:s29] =	ssyncadd.s32 $0xFFFFC800  }
0x8f: {  	_ =	swait.ge [sflag:s30], $0x70  }
0x90: {  	[sflag:s30] =	ssyncset.done $0x0  }
0x91: {  	[sflag:s30] =	ssyncadd.s32 $0xFFFFFF90  }
0x92: {  	[spmem:s2] =	stream.indirect.scatter.add.f32 [tilespmem:s20], [sflag:$0x7], $0x80, s22, s25, $0xb8;
	[tilespmem:$0x1AE00] =	vst v63  }
0x93: {  	_ =	swait.ge [sflag:s21], $0x3800  }
0x94: {  	[sflag:s21] =	ssyncset.done $0x0  }
0x95: {  	[sflag:s21] =	ssyncadd.s32 $0xFFFFC800  }
0x96: {  	_ =	swait.ge [sflag:s0], $0x3800  }
0x97: {  	[sflag:s0] =	ssyncset.done $0x0  }
0x98: {  	[sflag:s0] =	ssyncadd.s32 $0xFFFFC800  }
0x99: {  	_ =	swait.ge [sflag:s3], $0x70  }
0x9a: {  	[sflag:s3] =	ssyncset.done $0x0  }
0x9b: {  	[sflag:s3] =	ssyncadd.s32 $0xFFFFFF90  }
0x9c: {  	[spmem:s2] =	stream.indirect.scatter.add.f32 [tilespmem:s28], [sflag:$0x7], $0x80, s24, s25, $0xb8;
	[tilespmem:$0x1AE00] =	vst v63  }
0x9d: {  	s7 =	stileid.u32;
	_ =	swait.ge [sflag:s21], $0x3800  }
0x9e: {  	s8 =	sshrl.u32 s5, $0x3;
	s6 =	sadd.s32 $0x1, s6;
	[sflag:s21] =	ssyncset.done $0x0  }
0x9f: {  	s7 =	sshll.u32 s7, $0x6;
	p0 =	sne.s32 s6, s17;
	[sflag:s21] =	ssyncadd.s32 $0xFFFFC800  }
.Ltmp3:
0xa0: {  	s7 =	sor.u32 $0x1C07, s7;
	[bflag:$0x0] =	sbarrier.arrive $0xFFFF;
	(pc) =	sbr.rel @p0 .LBB2_1-.Ltmp3, $4  }
0xa1: {  	[hbm:s16], [sflag:s7] =	dma.local [spmem:s8], $0x2780  }
0xa2: {  	_ =	swait.ge [sflag:s21], $0x2780  }
0xa3: {  	[sflag:s21] =	ssyncset.done $0x0  }
0xa4: {  	[sflag:s21] =	ssyncadd.s32 $0xFFFFD880  }
0xa5: {  	_ =	sfence.sel $0x180000  }
0xa6: {  	[bflag:$0x0] =	sbarrier.arrive $0xFFFF  }
0xa7: {  	_ =	strace $0x9000004D  }
0xa8: {  	s0 =	stileid.u32;
	[bflag:$0x2] =	sbarrier.arrive $0xFFFF  }
0xa9: {  	p0 =	sne.s32 s0, $0x0;
	s0 =	rddreg [dreg:$0x3]  }
0xaa: {  	s0 =	sadd.s32 @!p0 $0x100000, s0  }
0xab: {  	[sflag:s0] =	ssyncadd.tile.s32 @!p0 $0x1;
	_ =	shalt  }
.Lfunc_end2:
_tile_overlayer_lowered:
.L_overlay_start_2:
0xac: {  	(tag) =	ssettag $0x2  }
0xad: {  	s0 =	rddreg [dreg:$0x0];
	s2 =	stileid.u32  }
0xae: {  	s1 =	rddreg [dreg:$0x1];
	p0 =	sne.s32 s2, $0x0  }
0xaf: {  	s3 =	rddreg [dreg:$0x2];
	[bflag:$0x3] =	sbarrier.arrive $0xFFFF;
	s2 =	simm.s32 @!p0 $0x1C07  }
0xb0: {  	[timem:s3], [sflag:s2] =	dma.local @!p0 [hbm:s0], s1  }
0xb1: {  	s0 =	simm.s32 @!p0 $0x7  }
0xb2: {  	_ =	swait.ge @!p0 [sflag:s0], s1  }
0xb3: {  	s1 =	ssub.s32 @!p0 $0x0, s1;
	[sflag:s0] =	ssyncset.done @!p0 $0x0  }
0xb4: {  	[sflag:s0] =	ssyncadd.s32 @!p0 s1  }
0xb5: {  	[bflag:$0x3] =	sbarrier.arrive $0xFFFF  }
0xb6: {  	_ =	shalt  }

// kernel: kernel.7.cloned.1.call-start
scs
__scs_entry_jumppad:
0x0: {  	(pc) =	sbr.rel $0x88, $3  }
0x1: {  	(tag) =	ssettag $0x0;
	lr =	simm.s32 $0x1  }
0x2: {  	[smem:$0x3F95] =	sst lr;
	_ =	strace $0xD0000000  }
0x3: {  	_ = 	snop  }
0x4: {  	_ = 	snop  }
0x5: {  	_ = 	snop  }
0x6: {  	_ = 	snop  }
0x7: {  	_ = 	snop  }
__scs_overlays_trampoline_lowered:
0x8: {  	[smem:$0x3FA4] =	sst s0  }
0x9: {  	[smem:$0x3FA5] =	sst s1  }
0xa: {  	[smem:$0x3FA6] =	sst s2  }
0xb: {  	[smem:$0x3FA7] =	sst s3  }
0xc: {  	[smem:$0x3FA8] =	sst s4  }
0xd: {  	[smem:$0x3FA9] =	sst s5  }
0xe: {  	[smem:$0x3FAA] =	sst s6  }
0xf: {  	[smem:$0x3FAB] =	sst s7  }
0x10: {  	[smem:$0x3FAC] =	sst s8  }
0x11: {  	[smem:$0x3FAD] =	sst s9;
	s0 =	simm.s32 @!p0 $0x0  }
0x12: {  	s1 =	sld [smem:$0x3F93];
	s0 =	simm.s32 @p0 $0x1  }
0x13: {  	[smem:$0x3FAE] =	sst s0;
	s0 =	simm.s32 @!p1 $0x0  }
0x14: {  	s2 =	sld [smem:$0x3F92];
	s0 =	simm.s32 @p1 $0x1  }
0x15: {  	[smem:$0x3FAF] =	sst s0;
	s0 =	simm.s32 @!p2 $0x0  }
0x16: {  	s3 =	sld [smem:$0x3FDB];
	s0 =	simm.s32 @p2 $0x1  }
0x17: {  	s4 =	simm.s32 $0x1BF5;
	[smem:$0x3FB1] =	sst s0  }
0x18: {  	s0 =	sld [smem:$0x3F94];
	_ =	swait.ge [sflag:s4], $0x0  }
0x19: {  	s7 =	sld [smem:$0x3F95]  }
0x1a: {  	s8 =	sadd.s32 $0xFFFFE003, lr  }
0x1b: {  	s9 =	sadd.s32 $0xFFFFFEF7, lr;
	s5 =	simm.s32 $0xFFFFFFFF;
	p2 =	slt.u32 s8, $0xFFFFF086  }
0x1c: {  	p1 =	slt.u32 s9, $0xF7A;
	s5 =	simm.s32 @!p2 $0x0  }
0x1d: {  	s5 =	simm.s32 @p1 $0x1;
	p0 =	seq.s32 s7, s2  }
0x1e: {  	s7 =	smul.u32 @!p0 $0xF7A, s2;
	p2 =	seq.s32 @!p0 s5, $0x0  }
0x1f: {  	s9 =	smul.u32 $0xF7A, s1;
	s8 =	simm.s32 @!p0 $0x1BF5;
	p2 =	por !p2, p0  }
0x20: {  	[sflag:s8] =	ssyncset.s32 @!p0 $0xFFFFF086;
	s6 =	sadd.s32 @!p0 s3, s7;
	s7 =	simm.s32 @!p0 $0x108  }
0x21: {  	s3 =	sadd.s32 s3, s9;
	s6 =	sadd.s32 @!p0 $0x88, s6;
	s7 =	simm.s32 @p2 $0x1082  }
0x22: {  	[simem:s7], [sflag:s8] =	dma.local @!p0 [hbm:s6], $0xF7A  }
0x23: {  	s9 =	sor.u32 $0xD0000000, s2;
	s6 =	simm.s32 $0x108;
	_ =	swait.ge @!p0 [sflag:s8], $0x0  }
0x24: {  	s3 =	sadd.s32 $0x88, s3;
	s6 =	simm.s32 @!p1 $0x1082;
	[sflag:s4] =	ssyncset.s32 $0xFFFFF086  }
0x25: {  	[simem:s6], [sflag:s4] =	dma.local [hbm:s3], $0xF7A  }
0x26: {  	[smem:$0x3F95] =	sst s1;
	(tag) =	ssettag s2;
	_ =	strace s9  }
0x27: {  	s1 =	sld [smem:$0x3FA5]  }
0x28: {  	s2 =	sld [smem:$0x3FA6]  }
0x29: {  	s4 =	sld [smem:$0x3FA8]  }
0x2a: {  	p0 =	seq.s32 s5, $0x0;
	s5 =	sld [smem:$0x3FA9]  }
0x2b: {  	s6 =	sld [smem:$0x3FAA]  }
0x2c: {  	s7 =	sld [smem:$0x3FAB]  }
0x2d: {  	s3 =	simm.s32 $0x108;
	s8 =	sld [smem:$0x3FAC]  }
0x2e: {  	s3 =	simm.s32 @!p0 $0x1082;
	s9 =	sld [smem:$0x3FAD]  }
0x2f: {  	lr =	sadd.s32 s0, s3;
	s0 =	sld [smem:$0x3FA4]  }
0x30: {  	s3 =	sld [smem:$0x3FA7]  }
0x31: {  	[smem:$0x3FB0] =	sst s10  }
0x32: {  	s10 =	sld [smem:$0x3FAE];
	_ =	sdelay $0x3  }
0x33: {  	p0 =	seq.s32 s10, $0x1;
	s10 =	sld [smem:$0x3FB0];
	_ =	sdelay $0x3  }
0x34: {  	[smem:$0x3FB0] =	sst s10  }
0x35: {  	s10 =	sld [smem:$0x3FAF];
	_ =	sdelay $0x3  }
0x36: {  	p1 =	seq.s32 s10, $0x1;
	s10 =	sld [smem:$0x3FB0];
	_ =	sdelay $0x3  }
0x37: {  	[smem:$0x3FB0] =	sst s10  }
0x38: {  	s10 =	sld [smem:$0x3FB1]  }
0x39: {  	_ = 	snop;
	(pc) =	sbr.ind lr, $3  }
0x3a: {  	_ = 	snop  }
0x3b: {  	_ = 	snop  }
0x3c: {  	p2 =	seq.s32 s10, $0x1;
	s10 =	sld [smem:$0x3FB0]  }
0x3d: {  	_ =	shalt  }
0x3e: {  	_ =	shalt  }
0x3f: {  	_ =	shalt  }
0x40: {  	_ =	shalt  }
0x41: {  	_ =	shalt  }
0x42: {  	_ =	shalt  }
0x43: {  	_ =	shalt  }
0x44: {  	_ =	shalt  }
0x45: {  	_ =	shalt  }
0x46: {  	_ =	shalt  }
0x47: {  	_ =	shalt  }
0x48: {  	_ =	shalt  }
0x49: {  	_ =	shalt  }
0x4a: {  	_ =	shalt  }
0x4b: {  	_ =	shalt  }
0x4c: {  	_ =	shalt  }
0x4d: {  	_ =	shalt  }
0x4e: {  	_ =	shalt  }
0x4f: {  	_ =	shalt  }
0x50: {  	_ =	shalt  }
0x51: {  	_ =	shalt  }
0x52: {  	_ =	shalt  }
0x53: {  	_ =	shalt  }
0x54: {  	_ =	shalt  }
0x55: {  	_ =	shalt  }
0x56: {  	_ =	shalt  }
0x57: {  	_ =	shalt  }
0x58: {  	_ =	shalt  }
0x59: {  	_ =	shalt  }
0x5a: {  	_ =	shalt  }
0x5b: {  	_ =	shalt  }
0x5c: {  	_ =	shalt  }
0x5d: {  	_ =	shalt  }
0x5e: {  	_ =	shalt  }
0x5f: {  	_ =	shalt  }
0x60: {  	_ =	shalt  }
0x61: {  	_ =	shalt  }
0x62: {  	_ =	shalt  }
0x63: {  	_ =	shalt  }
0x64: {  	_ =	shalt  }
0x65: {  	_ =	shalt  }
0x66: {  	_ =	shalt  }
0x67: {  	_ =	shalt  }
0x68: {  	_ =	shalt  }
0x69: {  	_ =	shalt  }
0x6a: {  	_ =	shalt  }
0x6b: {  	_ =	shalt  }
0x6c: {  	_ =	shalt  }
0x6d: {  	_ =	shalt  }
0x6e: {  	_ =	shalt  }
0x6f: {  	_ =	shalt  }
0x70: {  	_ =	shalt  }
0x71: {  	_ =	shalt  }
0x72: {  	_ =	shalt  }
0x73: {  	_ =	shalt  }
0x74: {  	_ =	shalt  }
0x75: {  	_ =	shalt  }
0x76: {  	_ =	shalt  }
0x77: {  	_ =	shalt  }
0x78: {  	_ =	shalt  }
0x79: {  	_ =	shalt  }
0x7a: {  	_ =	shalt  }
0x7b: {  	_ =	shalt  }
0x7c: {  	_ =	shalt  }
0x7d: {  	_ =	shalt  }
0x7e: {  	_ =	shalt  }
0x7f: {  	_ =	shalt  }
0x80: {  	_ =	shalt  }
0x81: {  	_ =	shalt  }
0x82: {  	_ =	shalt  }
0x83: {  	_ =	shalt  }
0x84: {  	_ =	shalt  }
0x85: {  	_ =	shalt  }
0x86: {  	_ =	shalt  }
0x87: {  	_ =	shalt  }
.Lfunc_end0:
.L_simem_size_0:
called_computation_lowered:
.L_overlay_start_0:
0x88: {  	s2 =	sld [smem:$0x3FD9]  }
0x89: {  	s3 =	sld [smem:$0x3FFE];
	_ =	sdelay $0x1  }
0x8a: {  	s1 =	srdreg.scid  }
0x8b: {  	s0 =	sand.u32 $0x1, s1  }
0x8c: {  	s17 =	sshll.u32 s0, $0xA;
	s2 =	sadd.s32 s3, s2  }
0x8d: {  	s2 =	sadd.s32 s2, s17  }
0x8e: {  	[smem:$0x3FBC] =	sst s2  }
0x8f: {  	_ = 	snop  }
0x90: {  	s2 =	sld [smem:$0x3FD0];
	(tm) =	ssettm $0x1  }
0x91: {  	s18 =	sld [smem:$0x3FFB];
	_ =	sdelay $0x3  }
0x92: {  	_ =	strace s18  }
0x93: {  	s3 =	sld [smem:$0x3FFC];
	_ =	sdelay $0x3  }
0x94: {  	_ =	strace s3  }
0x95: {  	s3 =	sld [smem:$0x3FFD];
	_ =	sdelay $0x3  }
0x96: {  	_ =	strace s3  }
0x97: {  	_ =	strace $0x8FFFFFFF  }
0x98: {  	s19 =	sld [smem:$0x3FDB];
	_ =	sdelay $0x1  }
0x99: {  	s4 =	simm.s32 $_scs_section_size  }
0x9a: {  	s5 =	simm.s32 $_size__tile_overlayer_lowered;
	s6 =	simm.s32 $_tile_overlayer_lowered  }
0x9b: {  	s22 =	simm.s32 $0x1BFF;
	s21 =	sshll.u32 s6, $0x1;
	s3 =	sadd.s32 s4, s19  }
0x9c: {  	s7 =	simm.s32 $0x0;
	s20 =	sshll.u32 s5, $0x1;
	s5 =	sadd.s32 s21, s3  }
0x9d: {  	[timem:s7], [sflag:s22] =	dma.local [hbm:s5], s20  }
0x9e: {  	_ =	swait.ge [sflag:s22], s20  }
0x9f: {  	s4 =	ssub.s32 $0x0, s20;
	[sflag:s22] =	ssyncset.done $0x0  }
0xa0: {  	[sflag:s22] =	ssyncadd.s32 s4;
	_ =	sdelay $0x1  }
0xa1: {  	s23 =	simm.s32 $0x1B8B  }
0xa2: {  	_ =	swait.ge [sflag:s23], $0x1  }
0xa3: {  	[sflag:s23] =	ssyncset.done $0x0  }
0xa4: {  	s25 =	simm.s32 $0x1B8E;
	s24 =	sld [smem:$0x3FFE];
	[sflag:s23] =	ssyncadd.s32 $0xFFFFFFFF  }
0xa5: {  	s26 =	simm.s32 $execute0_lowered;
	[smem:$0x3FD2] =	sst s25  }
0xa6: {  	s5 =	sshll.u32 s26, $0x1;
	_ =	strace $0x80000046;
	[dreg:$0x1] =	wrdreg $0xFFFFFFFF  }
0xa7: {  	s28 =	simm.s32 $_size_execute0_lowered;
	s3 =	sadd.s32 s3, s5;
	[dreg:$0x0] =	wrdreg $0x0  }
0xa8: {  	s5 =	sshll.u32 s28, $0x1;
	[dreg:$0x2] =	wrdreg s3  }
0xa9: {  	[dreg:$0x3] =	wrdreg s5  }
0xaa: {  	[dreg:$0x4] =	wrdreg $0xC0  }
0xab: {  	_ =	task [dreg:s7], $0x5FFFF  }
0xac: {  	[dreg:$0x1] =	wrdreg $0xFFFFFFFF  }
0xad: {  	[dreg:$0x0] =	wrdreg $0x60  }
0xae: {  	[dreg:$0x2] =	wrdreg s2  }
0xaf: {  	[dreg:$0x3] =	wrdreg s24  }
0xb0: {  	[dreg:$0x4] =	wrdreg $0x68000  }
0xb1: {  	[dreg:$0x5] =	wrdreg $0x9  }
0xb2: {  	_ =	task.clear_ibuf [dreg:s7], $0x6FFFF;
	_ =	strace $0x90000046  }
0xb3: {  	s29 =	simm.s32 $0x9;
	_ =	strace $0x80000048  }
0xb4: {  	_ =	swait.ge [sflag:s29], $0x1  }
0xb5: {  	[sflag:s29] =	ssyncadd.s32 $0xFFFFFFFF  }
0xb6: {  	_ =	strace $0x90000048  }
0xb7: {  	_ =	sfence  }
0xb8: {  	s30 =	sld [smem:$0x0];
	_ =	sdelay $0x2  }
0xb9: {  	s31 =	sshll.u32 s1, $0xD;
	s1 =	sshrl.u32 s1, $0x2  }
0xba: {  	s3 =	sand.u32 $0x4000, s31;
	s1 =	sadd.s32 s1, s30  }
0xbb: {  	s0 =	sor.u32 s3, s0;
	s1 =	sshll.u32 s1, $0x11  }
0xbc: {  	s0 =	sor.u32 s1, s0  }
0xbd: {  	s0 =	sadd.s32 $0x8F2B, s0  }
0xbe: {  	[sflag:s0] =	ssyncadd.remote.s32 $0x1  }
0xbf: {  	_ =	sfence.sel $0xFFFF  }
0xc0: {  	[dreg:$0x0] =	wrdreg $0xFFFFFFFF;
	(pc) =	sbr.abs _section_cstart, $3  }
0xc1: {  	[dreg:$0x1] =	wrdreg $0xFFFFFFFF  }
0xc2: {  	_ =	task.clear_ibuf [dreg:s7], $0x2FFFF;
	_ =	strace $0x9FFFFFFF  }
0xc3: {  	(tm) =	ssettm $0x7FFFFFFF  }
tec
execute0_lowered:
.L_overlay_start_1:
0x0: {  	(tag) =	ssettag $0x1  }
0x1: {  	s9 =	rddreg [dreg:$0x0]  }
0x2: {  	s4 =	rddreg [dreg:$0x1]  }
0x3: {  	s2 =	rddreg [dreg:$0x2]  }
0x4: {  	s0 =	srdreg.scid;
	s1 =	rddreg [dreg:$0x3];
	s3 =	simm.s32 $0x0  }
0x5: {  	s13 =	simm.s32 $0x2;
	s14 =	simm.s32 $0x80;
	s5 =	sand.u32 $0x1, s0  }
0x6: {  	s15 =	simm.s32 $0x1;
	s0 =	stileid.u32;
	s6 =	smul.u32 $0x13C000, s5  }
0x7: {  	s18 =	simm.s32 $0x0;
	[smem:$0x7FF] =	sst s3;
	s7 =	smul.u32 $0x13C00, s0  }
0x8: {  	_ =	strace $0x80000047;
	s29 =	smul.u32 $0x4F000, s0;
	s30 =	ssub.s32 $0x2, s5  }
0x9: {  	s5 =	sshll.u32 s5, $0x4;
	s16 =	sshll.u32 s0, $0x6;
	s31 =	sshrl.u32 s30, $0x1  }
0xa: {  	s5 =	sor.u32 s0, s5;
	s16 =	sor.u32 $0x1C02, s16;
	s6 =	sadd.s32 s7, s6  }
0xb: {  	s11 =	ssub.s32 s30, s31;
	s12 =	smul.u32 $0x500, s5;
	s6 =	sshrl.u32 s6, $0x3  }
0xc: {  	s7 =	sshrl.u32 s29, $0x2;
	s11 =	smax.u32 s11, $0x1;
	s10 =	sadd.s32 s6, s4  }
0xd: {  	s4 =	sadd.s32 s7, s2;
	s9 =	sadd.s32 s9, s12;
	s12 =	simm.s32 $0x2800  }
0xe: {  	s5 =	sadd.s32 $0x4000, s4;
	s6 =	sadd.s32 $0x8000, s4;
	s7 =	sadd.s32 $0xC000, s4  }
0xf: {  	v0 =	vimm.f32 $0.0e+00;
	v1 =	vimm.f32 $1.000000000e+00;
	s8 =	sadd.s32 $0x10000, s4;
	s10 =	sadd.s32 $0x2800, s10;
	s17 =	sshrl.u32 s4, $0x3  }
.LBB2_1:
0x10: {  	s19 =	sand.u32 $0xFE00, s3  }
0x11: {  	s20 =	sand.u32 $0x70, s3;
	s21 =	sshrl.u32 s19, $0x2  }
0x12: {  	s19 =	simm.s32 $0x40;
	s21 =	sor.u32 s20, s21;
	s20 =	simm.s32 $0x0  }
.LBB2_2:
0x13: {  	p0 =	sne.s32 s19, $0xFFC0  }
0x14: {  	[tilespmem:s21+$0x2800] =	vst v0;
	s20 =	sadd.s32 $0x10, s20;
	s21 =	smov.u32 s19;
	s19 =	sadd.s32 $0x40, s19  }
.Ltmp0:
0x15: {  	(pc) =	sbr.rel @p0 .LBB2_2-.Ltmp0, $4  }
0x16: {  	_ = 	snop  }
0x17: {  	s21 =	sand.u32 $0xFE00, s21  }
0x18: {  	s22 =	sand.u32 $0x70, s20;
	s21 =	sshrl.u32 s21, $0x2  }
0x19: {  	s21 =	sor.u32 s22, s21  }
0x1a: {  	[tilespmem:s21+$0x2800] =	vst v0  }
0x1b: {  	[spmem:s4] =	stream.linear.scatter [tilespmem:s12], [sflag:$0x2], $0x4000, $0x38;
	[tilespmem:$0x1A400] =	vst v63  }
0x1c: {  	_ =	swait.ge [sflag:s13], $0x4000  }
0x1d: {  	[sflag:s13] =	ssyncset.done $0x0  }
0x1e: {  	[sflag:s13] =	ssyncadd.s32 $0xFFFFC000  }
0x1f: {  	[spmem:s5] =	stream.linear.scatter [tilespmem:s12], [sflag:$0x2], $0x4000, $0x38;
	[tilespmem:$0x1A400] =	vst v63  }
0x20: {  	_ =	swait.ge [sflag:s13], $0x4000  }
0x21: {  	[sflag:s13] =	ssyncset.done $0x0  }
0x22: {  	[sflag:s13] =	ssyncadd.s32 $0xFFFFC000  }
0x23: {  	[spmem:s6] =	stream.linear.scatter [tilespmem:s12], [sflag:$0x2], $0x4000, $0x38;
	[tilespmem:$0x1A400] =	vst v63  }
0x24: {  	_ =	swait.ge [sflag:s13], $0x4000  }
0x25: {  	[sflag:s13] =	ssyncset.done $0x0  }
0x26: {  	[sflag:s13] =	ssyncadd.s32 $0xFFFFC000  }
0x27: {  	[spmem:s7] =	stream.linear.scatter [tilespmem:s12], [sflag:$0x2], $0x4000, $0x38;
	[tilespmem:$0x1A400] =	vst v63  }
0x28: {  	_ =	swait.ge [sflag:s13], $0x4000  }
0x29: {  	[sflag:s13] =	ssyncset.done $0x0  }
0x2a: {  	s19 =	simm.s32 $0x0;
	[sflag:s13] =	ssyncadd.s32 $0xFFFFC000  }
0x2b: {  	[spmem:s8] =	stream.linear.scatter [tilespmem:s12], [sflag:$0x2], $0x3C00, $0x38;
	[tilespmem:$0x1A400] =	vst v63  }
0x2c: {  	s20 =	sand.u32 $0xFE00, s19;
	_ =	swait.ge [sflag:s13], $0x3C00  }
0x2d: {  	s31 =	sand.u32 $0x70, s19;
	s22 =	sshrl.u32 s20, $0x2;
	[sflag:s13] =	ssyncset.done $0x0  }
0x2e: {  	s20 =	simm.s32 $0x40;
	s21 =	sor.u32 s31, s22;
	[sflag:s13] =	ssyncadd.s32 $0xFFFFC400  }
.LBB2_4:
0x2f: {  	p0 =	sne.s32 s20, $0xFFC0  }
0x30: {  	[tilespmem:s21+$0x2800] =	vst v1;
	s19 =	sadd.s32 $0x10, s19;
	s21 =	smov.u32 s20;
	s20 =	sadd.s32 $0x40, s20  }
.Ltmp1:
0x31: {  	(pc) =	sbr.rel @p0 .LBB2_4-.Ltmp1, $4  }
0x32: {  	_ = 	snop  }
0x33: {  	s21 =	sand.u32 $0xFE00, s21  }
0x34: {  	s22 =	sand.u32 $0x70, s19;
	s21 =	sshrl.u32 s21, $0x2  }
0x35: {  	s21 =	sor.u32 s22, s21  }
0x36: {  	[tilespmem:s21+$0x2800] =	vst v1;
	s19 =	simm.s32 $0x0  }
0x37: {  	[tilespmem:s19], [sflag:$0x2] =	stream.linear.gather [hbm4b:s9+s19], $0x2780, $0x38;
	[tilespmem:$0x1A400] =	vst v63  }
0x38: {  	_ =	swait.ge [sflag:s13], $0x2780  }
0x39: {  	[sflag:s13] =	ssyncset.done $0x0  }
0x3a: {  	[sflag:s13] =	ssyncadd.s32 $0xFFFFD880  }
0x3b: {  	[bflag:$0x0] =	sbarrier.arrive $0xFFFF  }
.LBB2_6:
0x3c: {  	p0 =	sne.s32 s19, $0x9C00  }
.Ltmp2:
0x3d: {  	_ = 	snop;
	(pc) =	sbr.rel @p0 .LBB2_6-.Ltmp2, $3  }
0x3e: {  	_ =	sdelay $0x1  }
0x3f: {  	s20 =	sshra.s32 s19, $0x2;
	s19 =	sadd.s32 $0x200, s19  }
0x40: {  	[spmem:s2] =	stream.indirect.scatter.add.f32 [tilespmem:s12], [sflag:$0x1], $0x80, s20, s14, $0xb8;
	[tilespmem:$0x1A400] =	vst v63  }
0x41: {  	_ =	swait.ge [sflag:s15], $0x4000  }
0x42: {  	s19 =	simm.s32 $0x4E;
	[sflag:s15] =	ssyncset.done $0x0  }
.LBB2_8:
0x43: {  	p0 =	sne.s32 s19, $0x1;
	s19 =	sadd.s32 $0xFFFFFFFF, s19;
	[sflag:s15] =	ssyncadd.s32 $0xFFFFC000  }
.Ltmp3:
0x44: {  	(pc) =	sbr.rel @p0 .LBB2_8-.Ltmp3, $3  }
0x45: {  	_ =	sdelay $0x1  }
0x46: {  	_ =	swait.ge [sflag:s15], $0x4000  }
0x47: {  	[sflag:s15] =	ssyncset.done $0x0  }
0x48: {  	s18 =	sadd.s32 $0x1, s18  }
0x49: {  	[sflag:s15] =	ssyncadd.s32 $0xFFFFC000;
	p0 =	sne.s32 s18, s11  }
.Ltmp4:
0x4a: {  	[bflag:$0x0] =	sbarrier.arrive $0xFFFF;
	(pc) =	sbr.rel @p0 .LBB2_1-.Ltmp4, $4  }
0x4b: {  	[hbm:s10], [sflag:s16] =	dma.local [spmem:s17], $0x2780  }
0x4c: {  	_ =	swait.ge [sflag:s13], $0x2780  }
0x4d: {  	[sflag:s13] =	ssyncset.done $0x0  }
0x4e: {  	[sflag:s13] =	ssyncadd.s32 $0xFFFFD880  }
0x4f: {  	_ =	sfence.sel $0x180000  }
0x50: {  	[bflag:$0x0] =	sbarrier.arrive $0xFFFF  }
0x51: {  	p0 =	sne.s32 s0, $0x0;
	_ =	strace $0x90000047  }
0x52: {  	s0 =	sadd.s32 @!p0 $0x100000, s1;
	[bflag:$0x2] =	sbarrier.arrive $0xFFFF  }
0x53: {  	[sflag:s0] =	ssyncadd.tile.s32 @!p0 $0x1;
	_ =	shalt  }
.Lfunc_end2:
_tile_overlayer_lowered:
.L_overlay_start_2:
0x54: {  	(tag) =	ssettag $0x2  }
0x55: {  	s0 =	rddreg [dreg:$0x0];
	s2 =	stileid.u32  }
0x56: {  	s1 =	rddreg [dreg:$0x1];
	p0 =	sne.s32 s2, $0x0  }
0x57: {  	s3 =	rddreg [dreg:$0x2];
	[bflag:$0x3] =	sbarrier.arrive $0xFFFF;
	s2 =	simm.s32 @!p0 $0x1C02  }
0x58: {  	[timem:s3], [sflag:s2] =	dma.local @!p0 [hbm:s0], s1  }
0x59: {  	s0 =	simm.s32 @!p0 $0x2  }
0x5a: {  	_ =	swait.ge @!p0 [sflag:s0], s1  }
0x5b: {  	s1 =	ssub.s32 @!p0 $0x0, s1;
	[sflag:s0] =	ssyncset.done @!p0 $0x0  }
0x5c: {  	[sflag:s0] =	ssyncadd.s32 @!p0 s1  }
0x5d: {  	[bflag:$0x3] =	sbarrier.arrive $0xFFFF  }
0x5e: {  	_ =	shalt  }

</sc_bundles>
